<compile_context>
chip_gen: v7x
topology: tpu7x:2x2x1
jax: 0.10.2.dev20260603
libtpu: 0.0.44.dev20260713+nightly
codegen_flags: <defaults>
</compile_context>

<pallas_src>
import functools

import jax
import jax.numpy as jnp
from jax import lax
from jax.experimental import pallas as pl
from jax.experimental.pallas import tpu as pltpu
from jax.experimental.pallas import tpu_sc as plsc

N_NODES = 10000
N_EDGES = 320000
D = 128

NC = 2
NS = 16
NW = NC * NS
EPT = N_EDGES // NW
CH = 128
NCHUNK = -(-EPT // CH)
PAD_EPT = NCHUNK * CH
ACC_ROWS = 10240
DUMP_ROW = N_NODES
ZCH = ACC_ROWS // NS // CH
ROWS_PER_TILE_OUT = ACC_ROWS // NS

@functools.cache
def _mesh():
    return plsc.VectorSubcoreMesh(
        core_axis_name="c", subcore_axis_name="s",
        num_cores=NC, num_subcores=NS)


def _const_vmem_rows(ref, nrows, value):
    v16 = jnp.full((16,), value, jnp.float32)

    def body(i, _):
        for l in range(8):
            ref[i, pl.ds(l * 16, 16)] = v16
        return 0

    lax.fori_loop(0, nrows, body, 0)


def _fill16_rows(ref, nrows, value):
    v16 = jnp.full((16,), value, jnp.float32)

    def body(i, _):
        ref[i, :] = v16
        return 0

    lax.fori_loop(0, nrows, body, 0)


def _sc_degree_body(dstp_hbm, degp_hbm, dst_v, ones_v, acc, sem):
    cid = lax.axis_index("c")
    sid = lax.axis_index("s")
    wid = sid * NC + cid
    pltpu.sync_copy(dstp_hbm.at[wid], dst_v)
    _fill16_rows(ones_v, CH, 0.0)

    def zero_chunk(i, _):
        pltpu.sync_copy(ones_v, acc.at[pl.ds(sid * (ZCH * CH) + i * CH, CH)])
        return 0

    lax.fori_loop(0, ZCH, zero_chunk, 0)
    _fill16_rows(ones_v, CH, 1.0)
    plsc.subcore_barrier()

    def edge_chunk(j, _):
        pltpu.async_copy(ones_v, acc.at[dst_v.at[j]], sem, add=True)
        return 0

    lax.fori_loop(0, NCHUNK, edge_chunk, 0)

    def drain(j, _):
        pltpu.make_async_copy(ones_v, acc.at[dst_v.at[j]], sem).wait()
        return 0

    lax.fori_loop(0, NCHUNK, drain, 0)
    plsc.subcore_barrier()
    pltpu.sync_copy(
        acc.at[pl.ds(sid * ROWS_PER_TILE_OUT, ROWS_PER_TILE_OUT)],
        degp_hbm.at[cid, pl.ds(sid * ROWS_PER_TILE_OUT, ROWS_PER_TILE_OUT)],
    )


@functools.cache
def _sc_degree():
    return pl.kernel(
        _sc_degree_body,
        out_type=jax.ShapeDtypeStruct((NC, ACC_ROWS, 16), jnp.float32),
        mesh=_mesh(),
        compiler_params=pltpu.CompilerParams(use_tc_tiling_on_sc=False),
        scratch_types=[
            pltpu.VMEM((NCHUNK, CH), jnp.int32),
            pltpu.VMEM((CH, 16), jnp.float32),
            pltpu.VMEM_SHARED((ACC_ROWS, 16), jnp.float32),
            pltpu.SemaphoreType.DMA,
        ],
    )


def _sc_aggregate_body(g_hbm, pk_hbm, part_hbm,
                       pk_v, sring, dring, rows_a, rows_b, acc,
                       ga, gb, sa, sb):
    cid = lax.axis_index("c")
    sid = lax.axis_index("s")
    wid = sid * NC + cid
    pltpu.sync_copy(pk_hbm.at[wid], pk_v)
    _const_vmem_rows(rows_a, CH, 0.0)

    def zero_chunk(i, _):
        pltpu.sync_copy(rows_a, acc.at[pl.ds(sid * (ZCH * CH) + i * CH, CH)])
        return 0

    lax.fori_loop(0, ZCH, zero_chunk, 0)
    plsc.subcore_barrier()

    def unpack(j, r):
        for i in range(8):
            v = pk_v[j, pl.ds(i * 16, 16)]
            sring[r, pl.ds(i * 16, 16)] = v & 0xFFFF
            dring[r, pl.ds(i * 16, 16)] = v >> 16

    unpack(0, 0)
    pltpu.async_copy(g_hbm.at[sring.at[0]], rows_a, ga)

    def pair(j2, _):
        c0 = j2 * 2
        @pl.when(j2 > 0)
        def _():
            pltpu.make_async_copy(rows_b, acc.at[dring.at[1]], sb).wait()
        unpack(c0 + 1, 1)
        pltpu.make_async_copy(g_hbm.at[sring.at[0]], rows_a, ga).wait()
        pltpu.async_copy(g_hbm.at[sring.at[1]], rows_b, gb)
        pltpu.async_copy(rows_a, acc.at[dring.at[0]], sa, add=True)
        pltpu.make_async_copy(rows_a, acc.at[dring.at[0]], sa).wait()
        unpack(c0 + 2, 0)
        pltpu.make_async_copy(g_hbm.at[sring.at[1]], rows_b, gb).wait()
        pltpu.async_copy(g_hbm.at[sring.at[0]], rows_a, ga)
        pltpu.async_copy(rows_b, acc.at[dring.at[1]], sb, add=True)
        return 0

    lax.fori_loop(0, (NCHUNK - 1) // 2, pair, 0)
    pltpu.make_async_copy(rows_b, acc.at[dring.at[1]], sb).wait()
    pltpu.make_async_copy(g_hbm.at[sring.at[0]], rows_a, ga).wait()
    pltpu.sync_copy(rows_a, acc.at[dring.at[0]], add=True)
    plsc.subcore_barrier()
    pltpu.sync_copy(
        acc.at[pl.ds(sid * ROWS_PER_TILE_OUT, ROWS_PER_TILE_OUT)],
        part_hbm.at[cid, pl.ds(sid * ROWS_PER_TILE_OUT, ROWS_PER_TILE_OUT)],
    )


@functools.cache
def _sc_aggregate():
    return pl.kernel(
        _sc_aggregate_body,
        out_type=jax.ShapeDtypeStruct((NC, ACC_ROWS, D), jnp.float32),
        mesh=_mesh(),
        scratch_types=[
            pltpu.VMEM((NCHUNK, CH), jnp.int32),
            pltpu.VMEM((2, CH), jnp.int32),
            pltpu.VMEM((2, CH), jnp.int32),
            pltpu.VMEM((CH, D), jnp.float32),
            pltpu.VMEM((CH, D), jnp.float32),
            pltpu.VMEM_SHARED((ACC_ROWS, D), jnp.float32),
            pltpu.SemaphoreType.DMA,
            pltpu.SemaphoreType.DMA,
            pltpu.SemaphoreType.DMA,
            pltpu.SemaphoreType.DMA,
        ],
    )


RB = 1000


def _dinv_from_degp(degp_blk):
    deg = 1.0 + degp_blk[0, :, 0:1] + degp_blk[1, :, 0:1]
    return lax.rsqrt(deg)


def _tc1_body(x_ref, w_ref, degp_ref, g_ref):
    dinv = _dinv_from_degp(degp_ref[...])
    h = jnp.dot(x_ref[...], w_ref[...], preferred_element_type=jnp.float32)
    g_ref[...] = h * dinv


def _tc2_body(p_ref, g_ref, degp_ref, w_ref, out_ref):
    dinv = _dinv_from_degp(degp_ref[...])
    s = (p_ref[0] + p_ref[1] + g_ref[...]) * dinv
    a = jnp.where(s >= 0, s, 0.3 * s)
    h = jnp.dot(a, w_ref[...], preferred_element_type=jnp.float32)
    out_ref[...] = h * dinv


def _tc3_body(p_ref, g_ref, degp_ref, out_ref):
    dinv = _dinv_from_degp(degp_ref[...])
    s = (p_ref[0] + p_ref[1] + g_ref[...]) * dinv
    out_ref[...] = jnp.maximum(s, 0.0)


_row_spec = pl.BlockSpec((RB, D), lambda i: (i, 0))
_part_spec = pl.BlockSpec((NC, RB, D), lambda i: (0, i, 0))
_degp_spec = pl.BlockSpec((NC, RB, 16), lambda i: (0, i, 0))
_w_spec = pl.BlockSpec((D, D), lambda i: (0, 0))
_out_struct = jax.ShapeDtypeStruct((N_NODES, D), jnp.float32)

_tc1 = pl.pallas_call(
    _tc1_body, grid=(N_NODES // RB,),
    in_specs=[_row_spec, _w_spec, _degp_spec],
    out_specs=_row_spec, out_shape=_out_struct,
)
_tc2 = pl.pallas_call(
    _tc2_body, grid=(N_NODES // RB,),
    in_specs=[_part_spec, _row_spec, _degp_spec, _w_spec],
    out_specs=_row_spec, out_shape=_out_struct,
)
_tc3 = pl.pallas_call(
    _tc3_body, grid=(N_NODES // RB,),
    in_specs=[_part_spec, _row_spec, _degp_spec],
    out_specs=_row_spec, out_shape=_out_struct,
)


def kernel(x, edge_index, W1, W2):
    src = edge_index[0].astype(jnp.int32)
    dst = edge_index[1].astype(jnp.int32)
    pad = PAD_EPT - EPT
    srcp = jnp.pad(src.reshape(NW, EPT), ((0, 0), (0, pad))).reshape(
        NW, NCHUNK, CH)
    dump = DUMP_ROW + (jnp.arange(pad, dtype=jnp.int32)
                       % (ACC_ROWS - N_NODES))
    dstp = jnp.concatenate(
        [dst.reshape(NW, EPT), jnp.broadcast_to(dump, (NW, pad))],
        axis=1).reshape(NW, NCHUNK, CH)
    pk = srcp | (dstp << 16)

    degp = _sc_degree()(dstp)
    g1 = _tc1(x, W1, degp)
    p1 = _sc_aggregate()(g1, pk)
    g2 = _tc2(p1, g1, degp, W2)
    p2 = _sc_aggregate()(g2, pk)
    return _tc3(p2, g2, degp)

# --- scband reference (transcript-rebuilt; emitter-appended) ---
"""Pipeline reference for scband-gnn-network-7851200218010 (READ-ONLY COPY).

The authoritative reference and input builder live on the scoring server;
editing this copy changes nothing except your own understanding.
"""

import jax, jax.numpy as jnp
import numpy as np

N_NODES = 10000
N_EDGES = 320000
D = 128


def setup_inputs(seed: int = 0) -> dict:
    key = jax.random.key(seed)
    k1, k2, k3, k4 = jax.random.split(key, 4)
    x = jax.random.normal(k1, (N_NODES, D), dtype=jnp.float32)
    edge_index = jax.random.randint(k2, (2, N_EDGES), 0, N_NODES, dtype=jnp.int64)
    # Glorot-style init for GCNConv weights (bias=False)
    std1 = (2.0 / (D + 128)) ** 0.5
    W1 = jax.random.normal(k3, (D, 128), dtype=jnp.float32) * std1
    std2 = (2.0 / (128 + 128)) ** 0.5
    W2 = jax.random.normal(k4, (128, 128), dtype=jnp.float32) * std2
    return {"x": x, "edge_index": edge_index, "W1": W1, "W2": W2}


def _gcn_layer(x, src, dst, W, num_nodes):
    # GCNConv with add_self_loops=True, symmetric normalization, bias=False
    loop = jnp.arange(num_nodes, dtype=src.dtype)
    src_sl = jnp.concatenate([src, loop])
    dst_sl = jnp.concatenate([dst, loop])
    ones = jnp.ones(src_sl.shape[0], dtype=x.dtype)
    deg = jax.ops.segment_sum(ones, dst_sl, num_segments=num_nodes)
    deg_inv_sqrt = jnp.where(deg > 0, deg ** -0.5, 0.0)
    norm = deg_inv_sqrt[src_sl] * deg_inv_sqrt[dst_sl]
    h = x @ W
    msg = h[src_sl] * norm[:, None]
    out = jax.ops.segment_sum(msg, dst_sl, num_segments=num_nodes)
    return out


def _leaky_relu(x, slope=0.3):
    return jnp.where(x >= 0, x, slope * x)


def reference(x, edge_index, W1, W2):
    src = edge_index[0]
    dst = edge_index[1]
    h = _gcn_layer(x, src, dst, W1, N_NODES)
    h = _leaky_relu(h)
    # Dropout is identity at inference
    h = _gcn_layer(h, src, dst, W2, N_NODES)
    h = _leaky_relu(h)
    return jax.nn.relu(h)

if __name__ == "__main__":
    import jax
    _d = setup_inputs()
    print(jax.jit(kernel)(*tuple(_d.values())))

</pallas_src>

<mosaic_0001>
#map = affine_map<(d0, d1) -> (0, 0, 0)>
module attributes {stable_mosaic.version = 14 : i64} {
  func.func @_sc_degree_body(%arg0: i32, %arg1: i32, %arg2: memref<32x79x128xi32, #tpu.memory_space<hbm>>, %arg3: memref<2x10240x16xf32, #tpu.memory_space<hbm>>, %arg4: memref<79x128xi32, #tpu.memory_space<vmem>>, %arg5: memref<128x16xf32, #tpu.memory_space<vmem>>, %arg6: memref<10240x16xf32, #tpu.memory_space<vmem_shared>>, %arg7: memref<!tpu.dma_semaphore, #tpu.memory_space<semaphore_mem>>) attributes {dimension_semantics = [#tpu.dimension_semantics<core_parallel>, #tpu.dimension_semantics<subcore_parallel>], iteration_bounds = array<i64: 2, 16>, scalar_prefetch = 0 : i64, scratch_operands = 4 : i64, tpu.core_type = #tpu.core_type<sc_vector_subcore>, window_params = [{transform_indices = #map}, {transform_indices = #map}]} {
    %mul3A = arith.constant 2 : i32
    %mul3A_0 = arith.muli %arg1, %mul3A : i32
    %add3A = arith.addi %mul3A_0, %arg0 : i32
    "tpu.region"() ({
      %run_scoped3A = tpu.sem_alloc : memref<!tpu.dma_semaphore, #tpu.memory_space<semaphore_mem>>
      %dma_start3A = arith.constant 0 : i32
      %dma_start3A_43 = arith.constant 0 : i32
      %dma_start3A_44 = tpu.memref_slice %arg2[%add3A, %dma_start3A, %dma_start3A_43] : memref<32x79x128xi32, #tpu.memory_space<hbm>> -> memref<1x79x128xi32, #tpu.memory_space<hbm>>
      %dma_start3A_45 = tpu.memref_squeeze %dma_start3A_44 : memref<1x79x128xi32, #tpu.memory_space<hbm>> -> memref<79x128xi32, #tpu.memory_space<hbm>>
      %dma_start3A_46 = arith.constant 0 : i32
      %dma_start3A_47 = arith.constant 0 : i32
      %dma_start3A_48 = tpu.memref_slice %arg2[%add3A, %dma_start3A_46, %dma_start3A_47] : memref<32x79x128xi32, #tpu.memory_space<hbm>> -> memref<1x79x128xi32, #tpu.memory_space<hbm>>
      %dma_start3A_49 = tpu.memref_squeeze %dma_start3A_48 : memref<1x79x128xi32, #tpu.memory_space<hbm>> -> memref<79x128xi32, #tpu.memory_space<hbm>>
      tpu.enqueue_dma source(%dma_start3A_49 : memref<79x128xi32, #tpu.memory_space<hbm>>) target(%arg4 : memref<79x128xi32, #tpu.memory_space<vmem>>) target_semaphore(%run_scoped3A : memref<!tpu.dma_semaphore, #tpu.memory_space<semaphore_mem>>)
      %dma_wait3A = arith.constant 0 : i32
      %dma_wait3A_50 = arith.constant 0 : i32
      %dma_wait3A_51 = tpu.memref_slice %arg2[%add3A, %dma_wait3A, %dma_wait3A_50] : memref<32x79x128xi32, #tpu.memory_space<hbm>> -> memref<1x79x128xi32, #tpu.memory_space<hbm>>
      %dma_wait3A_52 = tpu.memref_squeeze %dma_wait3A_51 : memref<1x79x128xi32, #tpu.memory_space<hbm>> -> memref<79x128xi32, #tpu.memory_space<hbm>>
      %dma_wait3A_53 = arith.constant 0 : i32
      %dma_wait3A_54 = arith.constant 0 : i32
      %dma_wait3A_55 = tpu.memref_slice %arg2[%add3A, %dma_wait3A_53, %dma_wait3A_54] : memref<32x79x128xi32, #tpu.memory_space<hbm>> -> memref<1x79x128xi32, #tpu.memory_space<hbm>>
      %dma_wait3A_56 = tpu.memref_squeeze %dma_wait3A_55 : memref<1x79x128xi32, #tpu.memory_space<hbm>> -> memref<79x128xi32, #tpu.memory_space<hbm>>
      tpu.wait_dma2 semaphore(%run_scoped3A : memref<!tpu.dma_semaphore, #tpu.memory_space<semaphore_mem>>) src(%dma_wait3A_56 : memref<79x128xi32, #tpu.memory_space<hbm>>) dst(%arg4 : memref<79x128xi32, #tpu.memory_space<vmem>>)
      tpu.yield
    }) : () -> ()
    %broadcast_in_dim3A = arith.constant 0.000000e+00 : f32
    %broadcast_in_dim3A_1 = vector.broadcast %broadcast_in_dim3A : f32 to vector<16xf32>
    %scan3A = arith.constant 0 : i32
    %scan3A_2 = arith.constant 0 : i32
    %scan3A_3 = arith.constant 128 : i32
    %scan3A_4 = arith.addi %scan3A_2, %scan3A_3 : i32
    %scan3A_5 = arith.constant 1 : i32
    %scan3A_6 = scf.for %scan3A_43 = %scan3A_2 to %scan3A_4 step %scan3A_5 iter_args(%scan3A_44 = %scan3A) -> (i32)  : i32 {
      %swap3A = arith.index_cast %scan3A_43 : i32 to index
      %swap3A_45 = arith.constant 0 : index
      %swap3A_46 = tpu.vector_load %arg5[%swap3A, %swap3A_45] {strides = array<i32>} : memref<128x16xf32, #tpu.memory_space<vmem>>, vector<1x16xf32>,
      %swap3A_47 = vector.shape_cast %swap3A_46 : vector<1x16xf32> to vector<16xf32>
      %swap3A_48 = vector.shape_cast %broadcast_in_dim3A_1 : vector<16xf32> to vector<1x16xf32>
      tpu.vector_store %arg5[%swap3A, %swap3A_45], %swap3A_48 {strides = array<i32>} : memref<128x16xf32, #tpu.memory_space<vmem>>, vector<1x16xf32>,
      %scan3A_49 = arith.constant 0 : i32
      scf.yield %scan3A_49 : i32
    }
    %scan3A_7 = arith.constant 128 : i32
    %scan3A_8 = arith.constant 0 : i32
    %scan3A_9 = arith.constant 0 : i32
    %scan3A_10 = arith.constant 5 : i32
    %scan3A_11 = arith.addi %scan3A_9, %scan3A_10 : i32
    %scan3A_12 = arith.constant 1 : i32
    %scan3A_13 = scf.for %scan3A_43 = %scan3A_9 to %scan3A_11 step %scan3A_12 iter_args(%scan3A_44 = %scan3A_8) -> (i32)  : i32 {
      %mul3A_45 = arith.constant 640 : i32
      %mul3A_46 = arith.muli %arg1, %mul3A_45 : i32
      %mul3A_47 = arith.constant 128 : i32
      %mul3A_48 = arith.muli %scan3A_43, %mul3A_47 : i32
      %add3A_49 = arith.addi %mul3A_46, %mul3A_48 : i32
      "tpu.region"() ({
        %run_scoped3A = tpu.sem_alloc : memref<!tpu.dma_semaphore, #tpu.memory_space<semaphore_mem>>
        %dma_start3A = arith.constant 0 : i32
        %dma_start3A_51 = tpu.memref_slice %arg6[%add3A_49, %dma_start3A] : memref<10240x16xf32, #tpu.memory_space<vmem_shared>> -> memref<128x16xf32, #tpu.memory_space<vmem_shared>>
        %dma_start3A_52 = arith.constant 0 : i32
        %dma_start3A_53 = tpu.memref_slice %arg6[%add3A_49, %dma_start3A_52] : memref<10240x16xf32, #tpu.memory_space<vmem_shared>> -> memref<128x16xf32, #tpu.memory_space<vmem_shared>>
        tpu.enqueue_dma source(%arg5 : memref<128x16xf32, #tpu.memory_space<vmem>>) target(%dma_start3A_53 : memref<128x16xf32, #tpu.memory_space<vmem_shared>>) target_semaphore(%run_scoped3A : memref<!tpu.dma_semaphore, #tpu.memory_space<semaphore_mem>>)
        %dma_wait3A = arith.constant 0 : i32
        %dma_wait3A_54 = tpu.memref_slice %arg6[%add3A_49, %dma_wait3A] : memref<10240x16xf32, #tpu.memory_space<vmem_shared>> -> memref<128x16xf32, #tpu.memory_space<vmem_shared>>
        %dma_wait3A_55 = arith.constant 0 : i32
        %dma_wait3A_56 = tpu.memref_slice %arg6[%add3A_49, %dma_wait3A_55] : memref<10240x16xf32, #tpu.memory_space<vmem_shared>> -> memref<128x16xf32, #tpu.memory_space<vmem_shared>>
        tpu.wait_dma2 semaphore(%run_scoped3A : memref<!tpu.dma_semaphore, #tpu.memory_space<semaphore_mem>>) src(%arg5 : memref<128x16xf32, #tpu.memory_space<vmem>>) dst(%dma_wait3A_56 : memref<128x16xf32, #tpu.memory_space<vmem_shared>>)
        tpu.yield
      }) : () -> ()
      %scan3A_50 = arith.constant 0 : i32
      scf.yield %scan3A_50 : i32
    }
    %scan3A_14 = arith.constant 5 : i32
    %broadcast_in_dim3A_15 = arith.constant 1.000000e+00 : f32
    %broadcast_in_dim3A_16 = vector.broadcast %broadcast_in_dim3A_15 : f32 to vector<16xf32>
    %scan3A_17 = arith.constant 0 : i32
    %scan3A_18 = arith.constant 0 : i32
    %scan3A_19 = arith.constant 128 : i32
    %scan3A_20 = arith.addi %scan3A_18, %scan3A_19 : i32
    %scan3A_21 = arith.constant 1 : i32
    %scan3A_22 = scf.for %scan3A_43 = %scan3A_18 to %scan3A_20 step %scan3A_21 iter_args(%scan3A_44 = %scan3A_17) -> (i32)  : i32 {
      %swap3A = arith.index_cast %scan3A_43 : i32 to index
      %swap3A_45 = arith.constant 0 : index
      %swap3A_46 = tpu.vector_load %arg5[%swap3A, %swap3A_45] {strides = array<i32>} : memref<128x16xf32, #tpu.memory_space<vmem>>, vector<1x16xf32>,
      %swap3A_47 = vector.shape_cast %swap3A_46 : vector<1x16xf32> to vector<16xf32>
      %swap3A_48 = vector.shape_cast %broadcast_in_dim3A_16 : vector<16xf32> to vector<1x16xf32>
      tpu.vector_store %arg5[%swap3A, %swap3A_45], %swap3A_48 {strides = array<i32>} : memref<128x16xf32, #tpu.memory_space<vmem>>, vector<1x16xf32>,
      %scan3A_49 = arith.constant 0 : i32
      scf.yield %scan3A_49 : i32
    }
    %scan3A_23 = arith.constant 128 : i32
    %barrier3A = arith.constant 0 : index
    tpu.barrier barrier_id(%barrier3A)
    %scan3A_24 = arith.constant 0 : i32
    %scan3A_25 = arith.constant 0 : i32
    %scan3A_26 = arith.constant 79 : i32
    %scan3A_27 = arith.addi %scan3A_25, %scan3A_26 : i32
    %scan3A_28 = arith.constant 1 : i32
    %scan3A_29 = scf.for %scan3A_43 = %scan3A_25 to %scan3A_27 step %scan3A_28 iter_args(%scan3A_44 = %scan3A_24) -> (i32)  : i32 {
      %dma_start3A = arith.constant 0 : i32
      %dma_start3A_45 = tpu.memref_slice %arg4[%scan3A_43, %dma_start3A] : memref<79x128xi32, #tpu.memory_space<vmem>> -> memref<1x128xi32, #tpu.memory_space<vmem>>
      %dma_start3A_46 = tpu.memref_squeeze %dma_start3A_45 : memref<1x128xi32, #tpu.memory_space<vmem>> -> memref<128xi32, #tpu.memory_space<vmem>>
      %dma_start3A_47 = arith.constant 0 : i32
      %dma_start3A_48 = arith.constant 0 : i32
      %dma_start3A_49 = tpu.memref_slice %arg6[%dma_start3A_47, %dma_start3A_48] : memref<10240x16xf32, #tpu.memory_space<vmem_shared>> -> memref<10240x16xf32, #tpu.memory_space<vmem_shared>>
      tpu.enqueue_indirect_dma source(%arg5 : memref<128x16xf32, #tpu.memory_space<vmem>>) target(%dma_start3A_49 : memref<10240x16xf32, #tpu.memory_space<vmem_shared>>) offsets(%dma_start3A_46 : memref<128xi32, #tpu.memory_space<vmem>>) semaphore(%arg7 : memref<!tpu.dma_semaphore, #tpu.memory_space<semaphore_mem>>) {add = true}
      %scan3A_50 = arith.constant 0 : i32
      scf.yield %scan3A_50 : i32
    }
    %scan3A_30 = arith.constant 79 : i32
    %scan3A_31 = arith.constant 0 : i32
    %scan3A_32 = arith.constant 0 : i32
    %scan3A_33 = arith.constant 79 : i32
    %scan3A_34 = arith.addi %scan3A_32, %scan3A_33 : i32
    %scan3A_35 = arith.constant 1 : i32
    %scan3A_36 = scf.for %scan3A_43 = %scan3A_32 to %scan3A_34 step %scan3A_35 iter_args(%scan3A_44 = %scan3A_31) -> (i32)  : i32 {
      %dma_wait3A = arith.constant 0 : i32
      %dma_wait3A_45 = tpu.memref_slice %arg4[%scan3A_43, %dma_wait3A] : memref<79x128xi32, #tpu.memory_space<vmem>> -> memref<1x128xi32, #tpu.memory_space<vmem>>
      %dma_wait3A_46 = tpu.memref_squeeze %dma_wait3A_45 : memref<1x128xi32, #tpu.memory_space<vmem>> -> memref<128xi32, #tpu.memory_space<vmem>>
      %dma_wait3A_47 = arith.constant 0 : i32
      %dma_wait3A_48 = arith.constant 0 : i32
      %dma_wait3A_49 = tpu.memref_slice %arg6[%dma_wait3A_47, %dma_wait3A_48] : memref<10240x16xf32, #tpu.memory_space<vmem_shared>> -> memref<10240x16xf32, #tpu.memory_space<vmem_shared>>
      tpu.wait_indirect_dma semaphore(%arg7 : memref<!tpu.dma_semaphore, #tpu.memory_space<semaphore_mem>>) src(%arg5 : memref<128x16xf32, #tpu.memory_space<vmem>>) dst(%dma_wait3A_49 : memref<10240x16xf32, #tpu.memory_space<vmem_shared>>)
      %scan3A_50 = arith.constant 0 : i32
      scf.yield %scan3A_50 : i32
    }
    %scan3A_37 = arith.constant 79 : i32
    %barrier3A_38 = arith.constant 0 : index
    tpu.barrier barrier_id(%barrier3A_38)
    %mul3A_39 = arith.constant 640 : i32
    %mul3A_40 = arith.muli %arg1, %mul3A_39 : i32
    %mul3A_41 = arith.constant 640 : i32
    %mul3A_42 = arith.muli %arg1, %mul3A_41 : i32
    "tpu.region"() ({
      %run_scoped3A = tpu.sem_alloc : memref<!tpu.dma_semaphore, #tpu.memory_space<semaphore_mem>>
      %dma_start3A = arith.constant 0 : i32
      %dma_start3A_43 = tpu.memref_slice %arg3[%arg0, %mul3A_42, %dma_start3A] : memref<2x10240x16xf32, #tpu.memory_space<hbm>> -> memref<1x640x16xf32, #tpu.memory_space<hbm>>
      %dma_start3A_44 = tpu.memref_squeeze %dma_start3A_43 : memref<1x640x16xf32, #tpu.memory_space<hbm>> -> memref<640x16xf32, #tpu.memory_space<hbm>>
      %dma_start3A_45 = arith.constant 0 : i32
      %dma_start3A_46 = tpu.memref_slice %arg6[%mul3A_40, %dma_start3A_45] : memref<10240x16xf32, #tpu.memory_space<vmem_shared>> -> memref<640x16xf32, #tpu.memory_space<vmem_shared>>
      tpu.enqueue_dma source(%dma_start3A_46 : memref<640x16xf32, #tpu.memory_space<vmem_shared>>) target(%dma_start3A_44 : memref<640x16xf32, #tpu.memory_space<hbm>>) target_semaphore(%run_scoped3A : memref<!tpu.dma_semaphore, #tpu.memory_space<semaphore_mem>>)
      %dma_wait3A = arith.constant 0 : i32
      %dma_wait3A_47 = tpu.memref_slice %arg3[%arg0, %mul3A_42, %dma_wait3A] : memref<2x10240x16xf32, #tpu.memory_space<hbm>> -> memref<1x640x16xf32, #tpu.memory_space<hbm>>
      %dma_wait3A_48 = tpu.memref_squeeze %dma_wait3A_47 : memref<1x640x16xf32, #tpu.memory_space<hbm>> -> memref<640x16xf32, #tpu.memory_space<hbm>>
      %dma_wait3A_49 = arith.constant 0 : i32
      %dma_wait3A_50 = tpu.memref_slice %arg6[%mul3A_40, %dma_wait3A_49] : memref<10240x16xf32, #tpu.memory_space<vmem_shared>> -> memref<640x16xf32, #tpu.memory_space<vmem_shared>>
      tpu.wait_dma2 semaphore(%run_scoped3A : memref<!tpu.dma_semaphore, #tpu.memory_space<semaphore_mem>>) src(%dma_wait3A_50 : memref<640x16xf32, #tpu.memory_space<vmem_shared>>) dst(%dma_wait3A_48 : memref<640x16xf32, #tpu.memory_space<hbm>>)
      tpu.yield
    }) : () -> ()
    return
  }
}

#map = affine_map<(d0, d1) -> (0, 0)>
#map1 = affine_map<(d0, d1) -> (0, 0, 0)>
module attributes {stable_mosaic.version = 14 : i64} {
  func.func @_sc_aggregate_body(%arg0: i32, %arg1: i32, %arg2: memref<10000x128xf32, #tpu.memory_space<hbm>>, %arg3: memref<32x79x128xi32, #tpu.memory_space<hbm>>, %arg4: memref<2x10240x128xf32, #tpu.memory_space<hbm>>, %arg5: memref<79x128xi32, #tpu.memory_space<vmem>>, %arg6: memref<2x128xi32, #tpu.memory_space<vmem>>, %arg7: memref<2x128xi32, #tpu.memory_space<vmem>>, %arg8: memref<128x128xf32, #tpu.memory_space<vmem>>, %arg9: memref<128x128xf32, #tpu.memory_space<vmem>>, %arg10: memref<10240x128xf32, #tpu.memory_space<vmem_shared>>, %arg11: memref<!tpu.dma_semaphore, #tpu.memory_space<semaphore_mem>>, %arg12: memref<!tpu.dma_semaphore, #tpu.memory_space<semaphore_mem>>, %arg13: memref<!tpu.dma_semaphore, #tpu.memory_space<semaphore_mem>>, %arg14: memref<!tpu.dma_semaphore, #tpu.memory_space<semaphore_mem>>) attributes {dimension_semantics = [#tpu.dimension_semantics<core_parallel>, #tpu.dimension_semantics<subcore_parallel>], iteration_bounds = array<i64: 2, 16>, scalar_prefetch = 0 : i64, scratch_operands = 10 : i64, tpu.core_type = #tpu.core_type<sc_vector_subcore>, window_params = [{transform_indices = #map}, {transform_indices = #map1}, {transform_indices = #map1}]} {
    %mul3A = arith.constant 2 : i32
    %mul3A_0 = arith.muli %arg1, %mul3A : i32
    %add3A = arith.addi %mul3A_0, %arg0 : i32
    "tpu.region"() ({
      %run_scoped3A_226 = tpu.sem_alloc : memref<!tpu.dma_semaphore, #tpu.memory_space<semaphore_mem>>
      %dma_start3A_227 = arith.constant 0 : i32
      %dma_start3A_228 = arith.constant 0 : i32
      %dma_start3A_229 = tpu.memref_slice %arg3[%add3A, %dma_start3A_227, %dma_start3A_228] : memref<32x79x128xi32, #tpu.memory_space<hbm>> -> memref<1x79x128xi32, #tpu.memory_space<hbm>>
      %dma_start3A_230 = tpu.memref_squeeze %dma_start3A_229 : memref<1x79x128xi32, #tpu.memory_space<hbm>> -> memref<79x128xi32, #tpu.memory_space<hbm>>
      %dma_start3A_231 = arith.constant 0 : i32
      %dma_start3A_232 = arith.constant 0 : i32
      %dma_start3A_233 = tpu.memref_slice %arg3[%add3A, %dma_start3A_231, %dma_start3A_232] : memref<32x79x128xi32, #tpu.memory_space<hbm>> -> memref<1x79x128xi32, #tpu.memory_space<hbm>>
      %dma_start3A_234 = tpu.memref_squeeze %dma_start3A_233 : memref<1x79x128xi32, #tpu.memory_space<hbm>> -> memref<79x128xi32, #tpu.memory_space<hbm>>
      tpu.enqueue_dma source(%dma_start3A_234 : memref<79x128xi32, #tpu.memory_space<hbm>>) target(%arg5 : memref<79x128xi32, #tpu.memory_space<vmem>>) target_semaphore(%run_scoped3A_226 : memref<!tpu.dma_semaphore, #tpu.memory_space<semaphore_mem>>)
      %dma_wait3A_235 = arith.constant 0 : i32
      %dma_wait3A_236 = arith.constant 0 : i32
      %dma_wait3A_237 = tpu.memref_slice %arg3[%add3A, %dma_wait3A_235, %dma_wait3A_236] : memref<32x79x128xi32, #tpu.memory_space<hbm>> -> memref<1x79x128xi32, #tpu.memory_space<hbm>>
      %dma_wait3A_238 = tpu.memref_squeeze %dma_wait3A_237 : memref<1x79x128xi32, #tpu.memory_space<hbm>> -> memref<79x128xi32, #tpu.memory_space<hbm>>
      %dma_wait3A_239 = arith.constant 0 : i32
      %dma_wait3A_240 = arith.constant 0 : i32
      %dma_wait3A_241 = tpu.memref_slice %arg3[%add3A, %dma_wait3A_239, %dma_wait3A_240] : memref<32x79x128xi32, #tpu.memory_space<hbm>> -> memref<1x79x128xi32, #tpu.memory_space<hbm>>
      %dma_wait3A_242 = tpu.memref_squeeze %dma_wait3A_241 : memref<1x79x128xi32, #tpu.memory_space<hbm>> -> memref<79x128xi32, #tpu.memory_space<hbm>>
      tpu.wait_dma2 semaphore(%run_scoped3A_226 : memref<!tpu.dma_semaphore, #tpu.memory_space<semaphore_mem>>) src(%dma_wait3A_242 : memref<79x128xi32, #tpu.memory_space<hbm>>) dst(%arg5 : memref<79x128xi32, #tpu.memory_space<vmem>>)
      tpu.yield
    }) : () -> ()
    %broadcast_in_dim3A = arith.constant 0.000000e+00 : f32
    %broadcast_in_dim3A_1 = vector.broadcast %broadcast_in_dim3A : f32 to vector<16xf32>
    %scan3A = arith.constant 0 : i32
    %scan3A_2 = arith.constant 0 : i32
    %scan3A_3 = arith.constant 128 : i32
    %scan3A_4 = arith.addi %scan3A_2, %scan3A_3 : i32
    %scan3A_5 = arith.constant 1 : i32
    %scan3A_6 = scf.for %scan3A_226 = %scan3A_2 to %scan3A_4 step %scan3A_5 iter_args(%scan3A_227 = %scan3A) -> (i32)  : i32 {
      %swap3A_228 = arith.index_cast %scan3A_226 : i32 to index
      %swap3A_229 = arith.constant 0 : index
      %swap3A_230 = tpu.vector_load %arg8[%swap3A_228, %swap3A_229] {strides = array<i32>} : memref<128x128xf32, #tpu.memory_space<vmem>>, vector<1x16xf32>,
      %swap3A_231 = vector.shape_cast %swap3A_230 : vector<1x16xf32> to vector<16xf32>
      %swap3A_232 = vector.shape_cast %broadcast_in_dim3A_1 : vector<16xf32> to vector<1x16xf32>
      tpu.vector_store %arg8[%swap3A_228, %swap3A_229], %swap3A_232 {strides = array<i32>} : memref<128x128xf32, #tpu.memory_space<vmem>>, vector<1x16xf32>,
      %swap3A_233 = arith.index_cast %scan3A_226 : i32 to index
      %swap3A_234 = arith.constant 16 : index
      %swap3A_235 = tpu.vector_load %arg8[%swap3A_233, %swap3A_234] {strides = array<i32>} : memref<128x128xf32, #tpu.memory_space<vmem>>, vector<1x16xf32>,
      %swap3A_236 = vector.shape_cast %swap3A_235 : vector<1x16xf32> to vector<16xf32>
      %swap3A_237 = vector.shape_cast %broadcast_in_dim3A_1 : vector<16xf32> to vector<1x16xf32>
      tpu.vector_store %arg8[%swap3A_233, %swap3A_234], %swap3A_237 {strides = array<i32>} : memref<128x128xf32, #tpu.memory_space<vmem>>, vector<1x16xf32>,
      %swap3A_238 = arith.index_cast %scan3A_226 : i32 to index
      %swap3A_239 = arith.constant 32 : index
      %swap3A_240 = tpu.vector_load %arg8[%swap3A_238, %swap3A_239] {strides = array<i32>} : memref<128x128xf32, #tpu.memory_space<vmem>>, vector<1x16xf32>,
      %swap3A_241 = vector.shape_cast %swap3A_240 : vector<1x16xf32> to vector<16xf32>
      %swap3A_242 = vector.shape_cast %broadcast_in_dim3A_1 : vector<16xf32> to vector<1x16xf32>
      tpu.vector_store %arg8[%swap3A_238, %swap3A_239], %swap3A_242 {strides = array<i32>} : memref<128x128xf32, #tpu.memory_space<vmem>>, vector<1x16xf32>,
      %swap3A_243 = arith.index_cast %scan3A_226 : i32 to index
      %swap3A_244 = arith.constant 48 : index
      %swap3A_245 = tpu.vector_load %arg8[%swap3A_243, %swap3A_244] {strides = array<i32>} : memref<128x128xf32, #tpu.memory_space<vmem>>, vector<1x16xf32>,
      %swap3A_246 = vector.shape_cast %swap3A_245 : vector<1x16xf32> to vector<16xf32>
      %swap3A_247 = vector.shape_cast %broadcast_in_dim3A_1 : vector<16xf32> to vector<1x16xf32>
      tpu.vector_store %arg8[%swap3A_243, %swap3A_244], %swap3A_247 {strides = array<i32>} : memref<128x128xf32, #tpu.memory_space<vmem>>, vector<1x16xf32>,
      %swap3A_248 = arith.index_cast %scan3A_226 : i32 to index
      %swap3A_249 = arith.constant 64 : index
      %swap3A_250 = tpu.vector_load %arg8[%swap3A_248, %swap3A_249] {strides = array<i32>} : memref<128x128xf32, #tpu.memory_space<vmem>>, vector<1x16xf32>,
      %swap3A_251 = vector.shape_cast %swap3A_250 : vector<1x16xf32> to vector<16xf32>
      %swap3A_252 = vector.shape_cast %broadcast_in_dim3A_1 : vector<16xf32> to vector<1x16xf32>
      tpu.vector_store %arg8[%swap3A_248, %swap3A_249], %swap3A_252 {strides = array<i32>} : memref<128x128xf32, #tpu.memory_space<vmem>>, vector<1x16xf32>,
      %swap3A_253 = arith.index_cast %scan3A_226 : i32 to index
      %swap3A_254 = arith.constant 80 : index
      %swap3A_255 = tpu.vector_load %arg8[%swap3A_253, %swap3A_254] {strides = array<i32>} : memref<128x128xf32, #tpu.memory_space<vmem>>, vector<1x16xf32>,
      %swap3A_256 = vector.shape_cast %swap3A_255 : vector<1x16xf32> to vector<16xf32>
      %swap3A_257 = vector.shape_cast %broadcast_in_dim3A_1 : vector<16xf32> to vector<1x16xf32>
      tpu.vector_store %arg8[%swap3A_253, %swap3A_254], %swap3A_257 {strides = array<i32>} : memref<128x128xf32, #tpu.memory_space<vmem>>, vector<1x16xf32>,
      %swap3A_258 = arith.index_cast %scan3A_226 : i32 to index
      %swap3A_259 = arith.constant 96 : index
      %swap3A_260 = tpu.vector_load %arg8[%swap3A_258, %swap3A_259] {strides = array<i32>} : memref<128x128xf32, #tpu.memory_space<vmem>>, vector<1x16xf32>,
      %swap3A_261 = vector.shape_cast %swap3A_260 : vector<1x16xf32> to vector<16xf32>
      %swap3A_262 = vector.shape_cast %broadcast_in_dim3A_1 : vector<16xf32> to vector<1x16xf32>
      tpu.vector_store %arg8[%swap3A_258, %swap3A_259], %swap3A_262 {strides = array<i32>} : memref<128x128xf32, #tpu.memory_space<vmem>>, vector<1x16xf32>,
      %swap3A_263 = arith.index_cast %scan3A_226 : i32 to index
      %swap3A_264 = arith.constant 112 : index
      %swap3A_265 = tpu.vector_load %arg8[%swap3A_263, %swap3A_264] {strides = array<i32>} : memref<128x128xf32, #tpu.memory_space<vmem>>, vector<1x16xf32>,
      %swap3A_266 = vector.shape_cast %swap3A_265 : vector<1x16xf32> to vector<16xf32>
      %swap3A_267 = vector.shape_cast %broadcast_in_dim3A_1 : vector<16xf32> to vector<1x16xf32>
      tpu.vector_store %arg8[%swap3A_263, %swap3A_264], %swap3A_267 {strides = array<i32>} : memref<128x128xf32, #tpu.memory_space<vmem>>, vector<1x16xf32>,
      %scan3A_268 = arith.constant 0 : i32
      scf.yield %scan3A_268 : i32
    }
    %scan3A_7 = arith.constant 128 : i32
    %scan3A_8 = arith.constant 0 : i32
    %scan3A_9 = arith.constant 0 : i32
    %scan3A_10 = arith.constant 5 : i32
    %scan3A_11 = arith.addi %scan3A_9, %scan3A_10 : i32
    %scan3A_12 = arith.constant 1 : i32
    %scan3A_13 = scf.for %scan3A_226 = %scan3A_9 to %scan3A_11 step %scan3A_12 iter_args(%scan3A_227 = %scan3A_8) -> (i32)  : i32 {
      %mul3A_228 = arith.constant 640 : i32
      %mul3A_229 = arith.muli %arg1, %mul3A_228 : i32
      %mul3A_230 = arith.constant 128 : i32
      %mul3A_231 = arith.muli %scan3A_226, %mul3A_230 : i32
      %add3A_232 = arith.addi %mul3A_229, %mul3A_231 : i32
      "tpu.region"() ({
        %run_scoped3A_234 = tpu.sem_alloc : memref<!tpu.dma_semaphore, #tpu.memory_space<semaphore_mem>>
        %dma_start3A_235 = arith.constant 0 : i32
        %dma_start3A_236 = tpu.memref_slice %arg10[%add3A_232, %dma_start3A_235] : memref<10240x128xf32, #tpu.memory_space<vmem_shared>> -> memref<128x128xf32, #tpu.memory_space<vmem_shared>>
        %dma_start3A_237 = arith.constant 0 : i32
        %dma_start3A_238 = tpu.memref_slice %arg10[%add3A_232, %dma_start3A_237] : memref<10240x128xf32, #tpu.memory_space<vmem_shared>> -> memref<128x128xf32, #tpu.memory_space<vmem_shared>>
        tpu.enqueue_dma source(%arg8 : memref<128x128xf32, #tpu.memory_space<vmem>>) target(%dma_start3A_238 : memref<128x128xf32, #tpu.memory_space<vmem_shared>>) target_semaphore(%run_scoped3A_234 : memref<!tpu.dma_semaphore, #tpu.memory_space<semaphore_mem>>)
        %dma_wait3A_239 = arith.constant 0 : i32
        %dma_wait3A_240 = tpu.memref_slice %arg10[%add3A_232, %dma_wait3A_239] : memref<10240x128xf32, #tpu.memory_space<vmem_shared>> -> memref<128x128xf32, #tpu.memory_space<vmem_shared>>
        %dma_wait3A_241 = arith.constant 0 : i32
        %dma_wait3A_242 = tpu.memref_slice %arg10[%add3A_232, %dma_wait3A_241] : memref<10240x128xf32, #tpu.memory_space<vmem_shared>> -> memref<128x128xf32, #tpu.memory_space<vmem_shared>>
        tpu.wait_dma2 semaphore(%run_scoped3A_234 : memref<!tpu.dma_semaphore, #tpu.memory_space<semaphore_mem>>) src(%arg8 : memref<128x128xf32, #tpu.memory_space<vmem>>) dst(%dma_wait3A_242 : memref<128x128xf32, #tpu.memory_space<vmem_shared>>)
        tpu.yield
      }) : () -> ()
      %scan3A_233 = arith.constant 0 : i32
      scf.yield %scan3A_233 : i32
    }
    %scan3A_14 = arith.constant 5 : i32
    %barrier3A = arith.constant 0 : index
    tpu.barrier barrier_id(%barrier3A)
    %get3A = arith.constant 0 : i32
    %get3A_15 = arith.index_cast %get3A : i32 to index
    %get3A_16 = arith.constant 0 : index
    %get3A_17 = tpu.vector_load %arg5[%get3A_15, %get3A_16] {strides = array<i32>} : memref<79x128xi32, #tpu.memory_space<vmem>>, vector<1x16xi32>,
    %get3A_18 = vector.shape_cast %get3A_17 : vector<1x16xi32> to vector<16xi32>
    %and3A = arith.constant 65535 : i32
    %and3A_19 = vector.broadcast %and3A : i32 to vector<16xi32>
    %and3A_20 = arith.andi %get3A_18, %and3A_19 : vector<16xi32>
    %swap3A = arith.constant 0 : i32
    %swap3A_21 = arith.index_cast %swap3A : i32 to index
    %swap3A_22 = arith.constant 0 : index
    %swap3A_23 = tpu.vector_load %arg6[%swap3A_21, %swap3A_22] {strides = array<i32>} : memref<2x128xi32, #tpu.memory_space<vmem>>, vector<1x16xi32>,
    %swap3A_24 = vector.shape_cast %swap3A_23 : vector<1x16xi32> to vector<16xi32>
    %swap3A_25 = vector.shape_cast %and3A_20 : vector<16xi32> to vector<1x16xi32>
    tpu.vector_store %arg6[%swap3A_21, %swap3A_22], %swap3A_25 {strides = array<i32>} : memref<2x128xi32, #tpu.memory_space<vmem>>, vector<1x16xi32>,
    %shift_right_arithmetic3A = arith.constant 16 : i32
    %shift_right_arithmetic3A_26 = vector.broadcast %shift_right_arithmetic3A : i32 to vector<16xi32>
    %shift_right_arithmetic3A_27 = arith.shrsi %get3A_18, %shift_right_arithmetic3A_26 : vector<16xi32>
    %swap3A_28 = arith.constant 0 : i32
    %swap3A_29 = arith.index_cast %swap3A_28 : i32 to index
    %swap3A_30 = arith.constant 0 : index
    %swap3A_31 = tpu.vector_load %arg7[%swap3A_29, %swap3A_30] {strides = array<i32>} : memref<2x128xi32, #tpu.memory_space<vmem>>, vector<1x16xi32>,
    %swap3A_32 = vector.shape_cast %swap3A_31 : vector<1x16xi32> to vector<16xi32>
    %swap3A_33 = vector.shape_cast %shift_right_arithmetic3A_27 : vector<16xi32> to vector<1x16xi32>
    tpu.vector_store %arg7[%swap3A_29, %swap3A_30], %swap3A_33 {strides = array<i32>} : memref<2x128xi32, #tpu.memory_space<vmem>>, vector<1x16xi32>,
    %get3A_34 = arith.constant 0 : i32
    %get3A_35 = arith.index_cast %get3A_34 : i32 to index
    %get3A_36 = arith.constant 16 : index
    %get3A_37 = tpu.vector_load %arg5[%get3A_35, %get3A_36] {strides = array<i32>} : memref<79x128xi32, #tpu.memory_space<vmem>>, vector<1x16xi32>,
    %get3A_38 = vector.shape_cast %get3A_37 : vector<1x16xi32> to vector<16xi32>
    %and3A_39 = arith.constant 65535 : i32
    %and3A_40 = vector.broadcast %and3A_39 : i32 to vector<16xi32>
    %and3A_41 = arith.andi %get3A_38, %and3A_40 : vector<16xi32>
    %swap3A_42 = arith.constant 0 : i32
    %swap3A_43 = arith.index_cast %swap3A_42 : i32 to index
    %swap3A_44 = arith.constant 16 : index
    %swap3A_45 = tpu.vector_load %arg6[%swap3A_43, %swap3A_44] {strides = array<i32>} : memref<2x128xi32, #tpu.memory_space<vmem>>, vector<1x16xi32>,
    %swap3A_46 = vector.shape_cast %swap3A_45 : vector<1x16xi32> to vector<16xi32>
    %swap3A_47 = vector.shape_cast %and3A_41 : vector<16xi32> to vector<1x16xi32>
    tpu.vector_store %arg6[%swap3A_43, %swap3A_44], %swap3A_47 {strides = array<i32>} : memref<2x128xi32, #tpu.memory_space<vmem>>, vector<1x16xi32>,
    %shift_right_arithmetic3A_48 = arith.constant 16 : i32
    %shift_right_arithmetic3A_49 = vector.broadcast %shift_right_arithmetic3A_48 : i32 to vector<16xi32>
    %shift_right_arithmetic3A_50 = arith.shrsi %get3A_38, %shift_right_arithmetic3A_49 : vector<16xi32>
    %swap3A_51 = arith.constant 0 : i32
    %swap3A_52 = arith.index_cast %swap3A_51 : i32 to index
    %swap3A_53 = arith.constant 16 : index
    %swap3A_54 = tpu.vector_load %arg7[%swap3A_52, %swap3A_53] {strides = array<i32>} : memref<2x128xi32, #tpu.memory_space<vmem>>, vector<1x16xi32>,
    %swap3A_55 = vector.shape_cast %swap3A_54 : vector<1x16xi32> to vector<16xi32>
    %swap3A_56 = vector.shape_cast %shift_right_arithmetic3A_50 : vector<16xi32> to vector<1x16xi32>
    tpu.vector_store %arg7[%swap3A_52, %swap3A_53], %swap3A_56 {strides = array<i32>} : memref<2x128xi32, #tpu.memory_space<vmem>>, vector<1x16xi32>,
    %get3A_57 = arith.constant 0 : i32
    %get3A_58 = arith.index_cast %get3A_57 : i32 to index
    %get3A_59 = arith.constant 32 : index
    %get3A_60 = tpu.vector_load %arg5[%get3A_58, %get3A_59] {strides = array<i32>} : memref<79x128xi32, #tpu.memory_space<vmem>>, vector<1x16xi32>,
    %get3A_61 = vector.shape_cast %get3A_60 : vector<1x16xi32> to vector<16xi32>
    %and3A_62 = arith.constant 65535 : i32
    %and3A_63 = vector.broadcast %and3A_62 : i32 to vector<16xi32>
    %and3A_64 = arith.andi %get3A_61, %and3A_63 : vector<16xi32>
    %swap3A_65 = arith.constant 0 : i32
    %swap3A_66 = arith.index_cast %swap3A_65 : i32 to index
    %swap3A_67 = arith.constant 32 : index
    %swap3A_68 = tpu.vector_load %arg6[%swap3A_66, %swap3A_67] {strides = array<i32>} : memref<2x128xi32, #tpu.memory_space<vmem>>, vector<1x16xi32>,
    %swap3A_69 = vector.shape_cast %swap3A_68 : vector<1x16xi32> to vector<16xi32>
    %swap3A_70 = vector.shape_cast %and3A_64 : vector<16xi32> to vector<1x16xi32>
    tpu.vector_store %arg6[%swap3A_66, %swap3A_67], %swap3A_70 {strides = array<i32>} : memref<2x128xi32, #tpu.memory_space<vmem>>, vector<1x16xi32>,
    %shift_right_arithmetic3A_71 = arith.constant 16 : i32
    %shift_right_arithmetic3A_72 = vector.broadcast %shift_right_arithmetic3A_71 : i32 to vector<16xi32>
    %shift_right_arithmetic3A_73 = arith.shrsi %get3A_61, %shift_right_arithmetic3A_72 : vector<16xi32>
    %swap3A_74 = arith.constant 0 : i32
    %swap3A_75 = arith.index_cast %swap3A_74 : i32 to index
    %swap3A_76 = arith.constant 32 : index
    %swap3A_77 = tpu.vector_load %arg7[%swap3A_75, %swap3A_76] {strides = array<i32>} : memref<2x128xi32, #tpu.memory_space<vmem>>, vector<1x16xi32>,
    %swap3A_78 = vector.shape_cast %swap3A_77 : vector<1x16xi32> to vector<16xi32>
    %swap3A_79 = vector.shape_cast %shift_right_arithmetic3A_73 : vector<16xi32> to vector<1x16xi32>
    tpu.vector_store %arg7[%swap3A_75, %swap3A_76], %swap3A_79 {strides = array<i32>} : memref<2x128xi32, #tpu.memory_space<vmem>>, vector<1x16xi32>,
    %get3A_80 = arith.constant 0 : i32
    %get3A_81 = arith.index_cast %get3A_80 : i32 to index
    %get3A_82 = arith.constant 48 : index
    %get3A_83 = tpu.vector_load %arg5[%get3A_81, %get3A_82] {strides = array<i32>} : memref<79x128xi32, #tpu.memory_space<vmem>>, vector<1x16xi32>,
    %get3A_84 = vector.shape_cast %get3A_83 : vector<1x16xi32> to vector<16xi32>
    %and3A_85 = arith.constant 65535 : i32
    %and3A_86 = vector.broadcast %and3A_85 : i32 to vector<16xi32>
    %and3A_87 = arith.andi %get3A_84, %and3A_86 : vector<16xi32>
    %swap3A_88 = arith.constant 0 : i32
    %swap3A_89 = arith.index_cast %swap3A_88 : i32 to index
    %swap3A_90 = arith.constant 48 : index
    %swap3A_91 = tpu.vector_load %arg6[%swap3A_89, %swap3A_90] {strides = array<i32>} : memref<2x128xi32, #tpu.memory_space<vmem>>, vector<1x16xi32>,
    %swap3A_92 = vector.shape_cast %swap3A_91 : vector<1x16xi32> to vector<16xi32>
    %swap3A_93 = vector.shape_cast %and3A_87 : vector<16xi32> to vector<1x16xi32>
    tpu.vector_store %arg6[%swap3A_89, %swap3A_90], %swap3A_93 {strides = array<i32>} : memref<2x128xi32, #tpu.memory_space<vmem>>, vector<1x16xi32>,
    %shift_right_arithmetic3A_94 = arith.constant 16 : i32
    %shift_right_arithmetic3A_95 = vector.broadcast %shift_right_arithmetic3A_94 : i32 to vector<16xi32>
    %shift_right_arithmetic3A_96 = arith.shrsi %get3A_84, %shift_right_arithmetic3A_95 : vector<16xi32>
    %swap3A_97 = arith.constant 0 : i32
    %swap3A_98 = arith.index_cast %swap3A_97 : i32 to index
    %swap3A_99 = arith.constant 48 : index
    %swap3A_100 = tpu.vector_load %arg7[%swap3A_98, %swap3A_99] {strides = array<i32>} : memref<2x128xi32, #tpu.memory_space<vmem>>, vector<1x16xi32>,
    %swap3A_101 = vector.shape_cast %swap3A_100 : vector<1x16xi32> to vector<16xi32>
    %swap3A_102 = vector.shape_cast %shift_right_arithmetic3A_96 : vector<16xi32> to vector<1x16xi32>
    tpu.vector_store %arg7[%swap3A_98, %swap3A_99], %swap3A_102 {strides = array<i32>} : memref<2x128xi32, #tpu.memory_space<vmem>>, vector<1x16xi32>,
    %get3A_103 = arith.constant 0 : i32
    %get3A_104 = arith.index_cast %get3A_103 : i32 to index
    %get3A_105 = arith.constant 64 : index
    %get3A_106 = tpu.vector_load %arg5[%get3A_104, %get3A_105] {strides = array<i32>} : memref<79x128xi32, #tpu.memory_space<vmem>>, vector<1x16xi32>,
    %get3A_107 = vector.shape_cast %get3A_106 : vector<1x16xi32> to vector<16xi32>
    %and3A_108 = arith.constant 65535 : i32
    %and3A_109 = vector.broadcast %and3A_108 : i32 to vector<16xi32>
    %and3A_110 = arith.andi %get3A_107, %and3A_109 : vector<16xi32>
    %swap3A_111 = arith.constant 0 : i32
    %swap3A_112 = arith.index_cast %swap3A_111 : i32 to index
    %swap3A_113 = arith.constant 64 : index
    %swap3A_114 = tpu.vector_load %arg6[%swap3A_112, %swap3A_113] {strides = array<i32>} : memref<2x128xi32, #tpu.memory_space<vmem>>, vector<1x16xi32>,
    %swap3A_115 = vector.shape_cast %swap3A_114 : vector<1x16xi32> to vector<16xi32>
    %swap3A_116 = vector.shape_cast %and3A_110 : vector<16xi32> to vector<1x16xi32>
    tpu.vector_store %arg6[%swap3A_112, %swap3A_113], %swap3A_116 {strides = array<i32>} : memref<2x128xi32, #tpu.memory_space<vmem>>, vector<1x16xi32>,
    %shift_right_arithmetic3A_117 = arith.constant 16 : i32
    %shift_right_arithmetic3A_118 = vector.broadcast %shift_right_arithmetic3A_117 : i32 to vector<16xi32>
    %shift_right_arithmetic3A_119 = arith.shrsi %get3A_107, %shift_right_arithmetic3A_118 : vector<16xi32>
    %swap3A_120 = arith.constant 0 : i32
    %swap3A_121 = arith.index_cast %swap3A_120 : i32 to index
    %swap3A_122 = arith.constant 64 : index
    %swap3A_123 = tpu.vector_load %arg7[%swap3A_121, %swap3A_122] {strides = array<i32>} : memref<2x128xi32, #tpu.memory_space<vmem>>, vector<1x16xi32>,
    %swap3A_124 = vector.shape_cast %swap3A_123 : vector<1x16xi32> to vector<16xi32>
    %swap3A_125 = vector.shape_cast %shift_right_arithmetic3A_119 : vector<16xi32> to vector<1x16xi32>
    tpu.vector_store %arg7[%swap3A_121, %swap3A_122], %swap3A_125 {strides = array<i32>} : memref<2x128xi32, #tpu.memory_space<vmem>>, vector<1x16xi32>,
    %get3A_126 = arith.constant 0 : i32
    %get3A_127 = arith.index_cast %get3A_126 : i32 to index
    %get3A_128 = arith.constant 80 : index
    %get3A_129 = tpu.vector_load %arg5[%get3A_127, %get3A_128] {strides = array<i32>} : memref<79x128xi32, #tpu.memory_space<vmem>>, vector<1x16xi32>,
    %get3A_130 = vector.shape_cast %get3A_129 : vector<1x16xi32> to vector<16xi32>
    %and3A_131 = arith.constant 65535 : i32
    %and3A_132 = vector.broadcast %and3A_131 : i32 to vector<16xi32>
    %and3A_133 = arith.andi %get3A_130, %and3A_132 : vector<16xi32>
    %swap3A_134 = arith.constant 0 : i32
    %swap3A_135 = arith.index_cast %swap3A_134 : i32 to index
    %swap3A_136 = arith.constant 80 : index
    %swap3A_137 = tpu.vector_load %arg6[%swap3A_135, %swap3A_136] {strides = array<i32>} : memref<2x128xi32, #tpu.memory_space<vmem>>, vector<1x16xi32>,
    %swap3A_138 = vector.shape_cast %swap3A_137 : vector<1x16xi32> to vector<16xi32>
    %swap3A_139 = vector.shape_cast %and3A_133 : vector<16xi32> to vector<1x16xi32>
    tpu.vector_store %arg6[%swap3A_135, %swap3A_136], %swap3A_139 {strides = array<i32>} : memref<2x128xi32, #tpu.memory_space<vmem>>, vector<1x16xi32>,
    %shift_right_arithmetic3A_140 = arith.constant 16 : i32
    %shift_right_arithmetic3A_141 = vector.broadcast %shift_right_arithmetic3A_140 : i32 to vector<16xi32>
    %shift_right_arithmetic3A_142 = arith.shrsi %get3A_130, %shift_right_arithmetic3A_141 : vector<16xi32>
    %swap3A_143 = arith.constant 0 : i32
    %swap3A_144 = arith.index_cast %swap3A_143 : i32 to index
    %swap3A_145 = arith.constant 80 : index
    %swap3A_146 = tpu.vector_load %arg7[%swap3A_144, %swap3A_145] {strides = array<i32>} : memref<2x128xi32, #tpu.memory_space<vmem>>, vector<1x16xi32>,
    %swap3A_147 = vector.shape_cast %swap3A_146 : vector<1x16xi32> to vector<16xi32>
    %swap3A_148 = vector.shape_cast %shift_right_arithmetic3A_142 : vector<16xi32> to vector<1x16xi32>
    tpu.vector_store %arg7[%swap3A_144, %swap3A_145], %swap3A_148 {strides = array<i32>} : memref<2x128xi32, #tpu.memory_space<vmem>>, vector<1x16xi32>,
    %get3A_149 = arith.constant 0 : i32
    %get3A_150 = arith.index_cast %get3A_149 : i32 to index
    %get3A_151 = arith.constant 96 : index
    %get3A_152 = tpu.vector_load %arg5[%get3A_150, %get3A_151] {strides = array<i32>} : memref<79x128xi32, #tpu.memory_space<vmem>>, vector<1x16xi32>,
    %get3A_153 = vector.shape_cast %get3A_152 : vector<1x16xi32> to vector<16xi32>
    %and3A_154 = arith.constant 65535 : i32
    %and3A_155 = vector.broadcast %and3A_154 : i32 to vector<16xi32>
    %and3A_156 = arith.andi %get3A_153, %and3A_155 : vector<16xi32>
    %swap3A_157 = arith.constant 0 : i32
    %swap3A_158 = arith.index_cast %swap3A_157 : i32 to index
    %swap3A_159 = arith.constant 96 : index
    %swap3A_160 = tpu.vector_load %arg6[%swap3A_158, %swap3A_159] {strides = array<i32>} : memref<2x128xi32, #tpu.memory_space<vmem>>, vector<1x16xi32>,
    %swap3A_161 = vector.shape_cast %swap3A_160 : vector<1x16xi32> to vector<16xi32>
    %swap3A_162 = vector.shape_cast %and3A_156 : vector<16xi32> to vector<1x16xi32>
    tpu.vector_store %arg6[%swap3A_158, %swap3A_159], %swap3A_162 {strides = array<i32>} : memref<2x128xi32, #tpu.memory_space<vmem>>, vector<1x16xi32>,
    %shift_right_arithmetic3A_163 = arith.constant 16 : i32
    %shift_right_arithmetic3A_164 = vector.broadcast %shift_right_arithmetic3A_163 : i32 to vector<16xi32>
    %shift_right_arithmetic3A_165 = arith.shrsi %get3A_153, %shift_right_arithmetic3A_164 : vector<16xi32>
    %swap3A_166 = arith.constant 0 : i32
    %swap3A_167 = arith.index_cast %swap3A_166 : i32 to index
    %swap3A_168 = arith.constant 96 : index
    %swap3A_169 = tpu.vector_load %arg7[%swap3A_167, %swap3A_168] {strides = array<i32>} : memref<2x128xi32, #tpu.memory_space<vmem>>, vector<1x16xi32>,
    %swap3A_170 = vector.shape_cast %swap3A_169 : vector<1x16xi32> to vector<16xi32>
    %swap3A_171 = vector.shape_cast %shift_right_arithmetic3A_165 : vector<16xi32> to vector<1x16xi32>
    tpu.vector_store %arg7[%swap3A_167, %swap3A_168], %swap3A_171 {strides = array<i32>} : memref<2x128xi32, #tpu.memory_space<vmem>>, vector<1x16xi32>,
    %get3A_172 = arith.constant 0 : i32
    %get3A_173 = arith.index_cast %get3A_172 : i32 to index
    %get3A_174 = arith.constant 112 : index
    %get3A_175 = tpu.vector_load %arg5[%get3A_173, %get3A_174] {strides = array<i32>} : memref<79x128xi32, #tpu.memory_space<vmem>>, vector<1x16xi32>,
    %get3A_176 = vector.shape_cast %get3A_175 : vector<1x16xi32> to vector<16xi32>
    %and3A_177 = arith.constant 65535 : i32
    %and3A_178 = vector.broadcast %and3A_177 : i32 to vector<16xi32>
    %and3A_179 = arith.andi %get3A_176, %and3A_178 : vector<16xi32>
    %swap3A_180 = arith.constant 0 : i32
    %swap3A_181 = arith.index_cast %swap3A_180 : i32 to index
    %swap3A_182 = arith.constant 112 : index
    %swap3A_183 = tpu.vector_load %arg6[%swap3A_181, %swap3A_182] {strides = array<i32>} : memref<2x128xi32, #tpu.memory_space<vmem>>, vector<1x16xi32>,
    %swap3A_184 = vector.shape_cast %swap3A_183 : vector<1x16xi32> to vector<16xi32>
    %swap3A_185 = vector.shape_cast %and3A_179 : vector<16xi32> to vector<1x16xi32>
    tpu.vector_store %arg6[%swap3A_181, %swap3A_182], %swap3A_185 {strides = array<i32>} : memref<2x128xi32, #tpu.memory_space<vmem>>, vector<1x16xi32>,
    %shift_right_arithmetic3A_186 = arith.constant 16 : i32
    %shift_right_arithmetic3A_187 = vector.broadcast %shift_right_arithmetic3A_186 : i32 to vector<16xi32>
    %shift_right_arithmetic3A_188 = arith.shrsi %get3A_176, %shift_right_arithmetic3A_187 : vector<16xi32>
    %swap3A_189 = arith.constant 0 : i32
    %swap3A_190 = arith.index_cast %swap3A_189 : i32 to index
    %swap3A_191 = arith.constant 112 : index
    %swap3A_192 = tpu.vector_load %arg7[%swap3A_190, %swap3A_191] {strides = array<i32>} : memref<2x128xi32, #tpu.memory_space<vmem>>, vector<1x16xi32>,
    %swap3A_193 = vector.shape_cast %swap3A_192 : vector<1x16xi32> to vector<16xi32>
    %swap3A_194 = vector.shape_cast %shift_right_arithmetic3A_188 : vector<16xi32> to vector<1x16xi32>
    tpu.vector_store %arg7[%swap3A_190, %swap3A_191], %swap3A_194 {strides = array<i32>} : memref<2x128xi32, #tpu.memory_space<vmem>>, vector<1x16xi32>,
    %dma_start3A = arith.constant 0 : i32
    %dma_start3A_195 = arith.constant 0 : i32
    %dma_start3A_196 = tpu.memref_slice %arg6[%dma_start3A, %dma_start3A_195] : memref<2x128xi32, #tpu.memory_space<vmem>> -> memref<1x128xi32, #tpu.memory_space<vmem>>
    %dma_start3A_197 = tpu.memref_squeeze %dma_start3A_196 : memref<1x128xi32, #tpu.memory_space<vmem>> -> memref<128xi32, #tpu.memory_space<vmem>>
    %dma_start3A_198 = arith.constant 0 : i32
    %dma_start3A_199 = arith.constant 0 : i32
    %dma_start3A_200 = tpu.memref_slice %arg2[%dma_start3A_198, %dma_start3A_199] : memref<10000x128xf32, #tpu.memory_space<hbm>> -> memref<10000x128xf32, #tpu.memory_space<hbm>>
    tpu.enqueue_indirect_dma source(%dma_start3A_200 : memref<10000x128xf32, #tpu.memory_space<hbm>>) target(%arg8 : memref<128x128xf32, #tpu.memory_space<vmem>>) offsets(%dma_start3A_197 : memref<128xi32, #tpu.memory_space<vmem>>) semaphore(%arg11 : memref<!tpu.dma_semaphore, #tpu.memory_space<semaphore_mem>>)
    %scan3A_201 = arith.constant 0 : i32
    %scan3A_202 = arith.constant 0 : i32
    %scan3A_203 = arith.constant 39 : i32
    %scan3A_204 = arith.addi %scan3A_202, %scan3A_203 : i32
    %scan3A_205 = arith.constant 1 : i32
    %scan3A_206 = scf.for %scan3A_226 = %scan3A_202 to %scan3A_204 step %scan3A_205 iter_args(%scan3A_227 = %scan3A_201) -> (i32)  : i32 {
      %mul3A_228 = arith.constant 2 : i32
      %mul3A_229 = arith.muli %scan3A_226, %mul3A_228 : i32
      %gt3A = arith.constant 0 : i32
      %gt3A_230 = arith.cmpi sgt, %scan3A_226, %gt3A : i32
      %convert_element_type3A = arith.extui %gt3A_230 : i1 to i32
      %cond3A = arith.constant 0 : i32
      %cond3A_231 = arith.cmpi ne, %convert_element_type3A, %cond3A : i32
      scf.if %cond3A_231 {
        %dma_wait3A_638 = arith.constant 1 : i32
        %dma_wait3A_639 = arith.constant 0 : i32
        %dma_wait3A_640 = tpu.memref_slice %arg7[%dma_wait3A_638, %dma_wait3A_639] : memref<2x128xi32, #tpu.memory_space<vmem>> -> memref<1x128xi32, #tpu.memory_space<vmem>>
        %dma_wait3A_641 = tpu.memref_squeeze %dma_wait3A_640 : memref<1x128xi32, #tpu.memory_space<vmem>> -> memref<128xi32, #tpu.memory_space<vmem>>
        %dma_wait3A_642 = arith.constant 0 : i32
        %dma_wait3A_643 = arith.constant 0 : i32
        %dma_wait3A_644 = tpu.memref_slice %arg10[%dma_wait3A_642, %dma_wait3A_643] : memref<10240x128xf32, #tpu.memory_space<vmem_shared>> -> memref<10240x128xf32, #tpu.memory_space<vmem_shared>>
        tpu.wait_indirect_dma semaphore(%arg14 : memref<!tpu.dma_semaphore, #tpu.memory_space<semaphore_mem>>) src(%arg9 : memref<128x128xf32, #tpu.memory_space<vmem>>) dst(%dma_wait3A_644 : memref<10240x128xf32, #tpu.memory_space<vmem_shared>>)
      } else {
      }
      %add3A_232 = arith.constant 1 : i32
      %add3A_233 = arith.addi %mul3A_229, %add3A_232 : i32
      %get3A_234 = arith.index_cast %add3A_233 : i32 to index
      %get3A_235 = arith.constant 0 : index
      %get3A_236 = tpu.vector_load %arg5[%get3A_234, %get3A_235] {strides = array<i32>} : memref<79x128xi32, #tpu.memory_space<vmem>>, vector<1x16xi32>,
      %get3A_237 = vector.shape_cast %get3A_236 : vector<1x16xi32> to vector<16xi32>
      %and3A_238 = arith.constant 65535 : i32
      %and3A_239 = vector.broadcast %and3A_238 : i32 to vector<16xi32>
      %and3A_240 = arith.andi %get3A_237, %and3A_239 : vector<16xi32>
      %swap3A_241 = arith.constant 1 : i32
      %swap3A_242 = arith.index_cast %swap3A_241 : i32 to index
      %swap3A_243 = arith.constant 0 : index
      %swap3A_244 = tpu.vector_load %arg6[%swap3A_242, %swap3A_243] {strides = array<i32>} : memref<2x128xi32, #tpu.memory_space<vmem>>, vector<1x16xi32>,
      %swap3A_245 = vector.shape_cast %swap3A_244 : vector<1x16xi32> to vector<16xi32>
      %swap3A_246 = vector.shape_cast %and3A_240 : vector<16xi32> to vector<1x16xi32>
      tpu.vector_store %arg6[%swap3A_242, %swap3A_243], %swap3A_246 {strides = array<i32>} : memref<2x128xi32, #tpu.memory_space<vmem>>, vector<1x16xi32>,
      %shift_right_arithmetic3A_247 = arith.constant 16 : i32
      %shift_right_arithmetic3A_248 = vector.broadcast %shift_right_arithmetic3A_247 : i32 to vector<16xi32>
      %shift_right_arithmetic3A_249 = arith.shrsi %get3A_237, %shift_right_arithmetic3A_248 : vector<16xi32>
      %swap3A_250 = arith.constant 1 : i32
      %swap3A_251 = arith.index_cast %swap3A_250 : i32 to index
      %swap3A_252 = arith.constant 0 : index
      %swap3A_253 = tpu.vector_load %arg7[%swap3A_251, %swap3A_252] {strides = array<i32>} : memref<2x128xi32, #tpu.memory_space<vmem>>, vector<1x16xi32>,
      %swap3A_254 = vector.shape_cast %swap3A_253 : vector<1x16xi32> to vector<16xi32>
      %swap3A_255 = vector.shape_cast %shift_right_arithmetic3A_249 : vector<16xi32> to vector<1x16xi32>
      tpu.vector_store %arg7[%swap3A_251, %swap3A_252], %swap3A_255 {strides = array<i32>} : memref<2x128xi32, #tpu.memory_space<vmem>>, vector<1x16xi32>,
      %get3A_256 = arith.index_cast %add3A_233 : i32 to index
      %get3A_257 = arith.constant 16 : index
      %get3A_258 = tpu.vector_load %arg5[%get3A_256, %get3A_257] {strides = array<i32>} : memref<79x128xi32, #tpu.memory_space<vmem>>, vector<1x16xi32>,
      %get3A_259 = vector.shape_cast %get3A_258 : vector<1x16xi32> to vector<16xi32>
      %and3A_260 = arith.constant 65535 : i32
      %and3A_261 = vector.broadcast %and3A_260 : i32 to vector<16xi32>
      %and3A_262 = arith.andi %get3A_259, %and3A_261 : vector<16xi32>
      %swap3A_263 = arith.constant 1 : i32
      %swap3A_264 = arith.index_cast %swap3A_263 : i32 to index
      %swap3A_265 = arith.constant 16 : index
      %swap3A_266 = tpu.vector_load %arg6[%swap3A_264, %swap3A_265] {strides = array<i32>} : memref<2x128xi32, #tpu.memory_space<vmem>>, vector<1x16xi32>,
      %swap3A_267 = vector.shape_cast %swap3A_266 : vector<1x16xi32> to vector<16xi32>
      %swap3A_268 = vector.shape_cast %and3A_262 : vector<16xi32> to vector<1x16xi32>
      tpu.vector_store %arg6[%swap3A_264, %swap3A_265], %swap3A_268 {strides = array<i32>} : memref<2x128xi32, #tpu.memory_space<vmem>>, vector<1x16xi32>,
      %shift_right_arithmetic3A_269 = arith.constant 16 : i32
      %shift_right_arithmetic3A_270 = vector.broadcast %shift_right_arithmetic3A_269 : i32 to vector<16xi32>
      %shift_right_arithmetic3A_271 = arith.shrsi %get3A_259, %shift_right_arithmetic3A_270 : vector<16xi32>
      %swap3A_272 = arith.constant 1 : i32
      %swap3A_273 = arith.index_cast %swap3A_272 : i32 to index
      %swap3A_274 = arith.constant 16 : index
      %swap3A_275 = tpu.vector_load %arg7[%swap3A_273, %swap3A_274] {strides = array<i32>} : memref<2x128xi32, #tpu.memory_space<vmem>>, vector<1x16xi32>,
      %swap3A_276 = vector.shape_cast %swap3A_275 : vector<1x16xi32> to vector<16xi32>
      %swap3A_277 = vector.shape_cast %shift_right_arithmetic3A_271 : vector<16xi32> to vector<1x16xi32>
      tpu.vector_store %arg7[%swap3A_273, %swap3A_274], %swap3A_277 {strides = array<i32>} : memref<2x128xi32, #tpu.memory_space<vmem>>, vector<1x16xi32>,
      %get3A_278 = arith.index_cast %add3A_233 : i32 to index
      %get3A_279 = arith.constant 32 : index
      %get3A_280 = tpu.vector_load %arg5[%get3A_278, %get3A_279] {strides = array<i32>} : memref<79x128xi32, #tpu.memory_space<vmem>>, vector<1x16xi32>,
      %get3A_281 = vector.shape_cast %get3A_280 : vector<1x16xi32> to vector<16xi32>
      %and3A_282 = arith.constant 65535 : i32
      %and3A_283 = vector.broadcast %and3A_282 : i32 to vector<16xi32>
      %and3A_284 = arith.andi %get3A_281, %and3A_283 : vector<16xi32>
      %swap3A_285 = arith.constant 1 : i32
      %swap3A_286 = arith.index_cast %swap3A_285 : i32 to index
      %swap3A_287 = arith.constant 32 : index
      %swap3A_288 = tpu.vector_load %arg6[%swap3A_286, %swap3A_287] {strides = array<i32>} : memref<2x128xi32, #tpu.memory_space<vmem>>, vector<1x16xi32>,
      %swap3A_289 = vector.shape_cast %swap3A_288 : vector<1x16xi32> to vector<16xi32>
      %swap3A_290 = vector.shape_cast %and3A_284 : vector<16xi32> to vector<1x16xi32>
      tpu.vector_store %arg6[%swap3A_286, %swap3A_287], %swap3A_290 {strides = array<i32>} : memref<2x128xi32, #tpu.memory_space<vmem>>, vector<1x16xi32>,
      %shift_right_arithmetic3A_291 = arith.constant 16 : i32
      %shift_right_arithmetic3A_292 = vector.broadcast %shift_right_arithmetic3A_291 : i32 to vector<16xi32>
      %shift_right_arithmetic3A_293 = arith.shrsi %get3A_281, %shift_right_arithmetic3A_292 : vector<16xi32>
      %swap3A_294 = arith.constant 1 : i32
      %swap3A_295 = arith.index_cast %swap3A_294 : i32 to index
      %swap3A_296 = arith.constant 32 : index
      %swap3A_297 = tpu.vector_load %arg7[%swap3A_295, %swap3A_296] {strides = array<i32>} : memref<2x128xi32, #tpu.memory_space<vmem>>, vector<1x16xi32>,
      %swap3A_298 = vector.shape_cast %swap3A_297 : vector<1x16xi32> to vector<16xi32>
      %swap3A_299 = vector.shape_cast %shift_right_arithmetic3A_293 : vector<16xi32> to vector<1x16xi32>
      tpu.vector_store %arg7[%swap3A_295, %swap3A_296], %swap3A_299 {strides = array<i32>} : memref<2x128xi32, #tpu.memory_space<vmem>>, vector<1x16xi32>,
      %get3A_300 = arith.index_cast %add3A_233 : i32 to index
      %get3A_301 = arith.constant 48 : index
      %get3A_302 = tpu.vector_load %arg5[%get3A_300, %get3A_301] {strides = array<i32>} : memref<79x128xi32, #tpu.memory_space<vmem>>, vector<1x16xi32>,
      %get3A_303 = vector.shape_cast %get3A_302 : vector<1x16xi32> to vector<16xi32>
      %and3A_304 = arith.constant 65535 : i32
      %and3A_305 = vector.broadcast %and3A_304 : i32 to vector<16xi32>
      %and3A_306 = arith.andi %get3A_303, %and3A_305 : vector<16xi32>
      %swap3A_307 = arith.constant 1 : i32
      %swap3A_308 = arith.index_cast %swap3A_307 : i32 to index
      %swap3A_309 = arith.constant 48 : index
      %swap3A_310 = tpu.vector_load %arg6[%swap3A_308, %swap3A_309] {strides = array<i32>} : memref<2x128xi32, #tpu.memory_space<vmem>>, vector<1x16xi32>,
      %swap3A_311 = vector.shape_cast %swap3A_310 : vector<1x16xi32> to vector<16xi32>
      %swap3A_312 = vector.shape_cast %and3A_306 : vector<16xi32> to vector<1x16xi32>
      tpu.vector_store %arg6[%swap3A_308, %swap3A_309], %swap3A_312 {strides = array<i32>} : memref<2x128xi32, #tpu.memory_space<vmem>>, vector<1x16xi32>,
      %shift_right_arithmetic3A_313 = arith.constant 16 : i32
      %shift_right_arithmetic3A_314 = vector.broadcast %shift_right_arithmetic3A_313 : i32 to vector<16xi32>
      %shift_right_arithmetic3A_315 = arith.shrsi %get3A_303, %shift_right_arithmetic3A_314 : vector<16xi32>
      %swap3A_316 = arith.constant 1 : i32
      %swap3A_317 = arith.index_cast %swap3A_316 : i32 to index
      %swap3A_318 = arith.constant 48 : index
      %swap3A_319 = tpu.vector_load %arg7[%swap3A_317, %swap3A_318] {strides = array<i32>} : memref<2x128xi32, #tpu.memory_space<vmem>>, vector<1x16xi32>,
      %swap3A_320 = vector.shape_cast %swap3A_319 : vector<1x16xi32> to vector<16xi32>
      %swap3A_321 = vector.shape_cast %shift_right_arithmetic3A_315 : vector<16xi32> to vector<1x16xi32>
      tpu.vector_store %arg7[%swap3A_317, %swap3A_318], %swap3A_321 {strides = array<i32>} : memref<2x128xi32, #tpu.memory_space<vmem>>, vector<1x16xi32>,
      %get3A_322 = arith.index_cast %add3A_233 : i32 to index
      %get3A_323 = arith.constant 64 : index
      %get3A_324 = tpu.vector_load %arg5[%get3A_322, %get3A_323] {strides = array<i32>} : memref<79x128xi32, #tpu.memory_space<vmem>>, vector<1x16xi32>,
      %get3A_325 = vector.shape_cast %get3A_324 : vector<1x16xi32> to vector<16xi32>
      %and3A_326 = arith.constant 65535 : i32
      %and3A_327 = vector.broadcast %and3A_326 : i32 to vector<16xi32>
      %and3A_328 = arith.andi %get3A_325, %and3A_327 : vector<16xi32>
      %swap3A_329 = arith.constant 1 : i32
      %swap3A_330 = arith.index_cast %swap3A_329 : i32 to index
      %swap3A_331 = arith.constant 64 : index
      %swap3A_332 = tpu.vector_load %arg6[%swap3A_330, %swap3A_331] {strides = array<i32>} : memref<2x128xi32, #tpu.memory_space<vmem>>, vector<1x16xi32>,
      %swap3A_333 = vector.shape_cast %swap3A_332 : vector<1x16xi32> to vector<16xi32>
      %swap3A_334 = vector.shape_cast %and3A_328 : vector<16xi32> to vector<1x16xi32>
      tpu.vector_store %arg6[%swap3A_330, %swap3A_331], %swap3A_334 {strides = array<i32>} : memref<2x128xi32, #tpu.memory_space<vmem>>, vector<1x16xi32>,
      %shift_right_arithmetic3A_335 = arith.constant 16 : i32
      %shift_right_arithmetic3A_336 = vector.broadcast %shift_right_arithmetic3A_335 : i32 to vector<16xi32>
      %shift_right_arithmetic3A_337 = arith.shrsi %get3A_325, %shift_right_arithmetic3A_336 : vector<16xi32>
      %swap3A_338 = arith.constant 1 : i32
      %swap3A_339 = arith.index_cast %swap3A_338 : i32 to index
      %swap3A_340 = arith.constant 64 : index
      %swap3A_341 = tpu.vector_load %arg7[%swap3A_339, %swap3A_340] {strides = array<i32>} : memref<2x128xi32, #tpu.memory_space<vmem>>, vector<1x16xi32>,
      %swap3A_342 = vector.shape_cast %swap3A_341 : vector<1x16xi32> to vector<16xi32>
      %swap3A_343 = vector.shape_cast %shift_right_arithmetic3A_337 : vector<16xi32> to vector<1x16xi32>
      tpu.vector_store %arg7[%swap3A_339, %swap3A_340], %swap3A_343 {strides = array<i32>} : memref<2x128xi32, #tpu.memory_space<vmem>>, vector<1x16xi32>,
      %get3A_344 = arith.index_cast %add3A_233 : i32 to index
      %get3A_345 = arith.constant 80 : index
      %get3A_346 = tpu.vector_load %arg5[%get3A_344, %get3A_345] {strides = array<i32>} : memref<79x128xi32, #tpu.memory_space<vmem>>, vector<1x16xi32>,
      %get3A_347 = vector.shape_cast %get3A_346 : vector<1x16xi32> to vector<16xi32>
      %and3A_348 = arith.constant 65535 : i32
      %and3A_349 = vector.broadcast %and3A_348 : i32 to vector<16xi32>
      %and3A_350 = arith.andi %get3A_347, %and3A_349 : vector<16xi32>
      %swap3A_351 = arith.constant 1 : i32
      %swap3A_352 = arith.index_cast %swap3A_351 : i32 to index
      %swap3A_353 = arith.constant 80 : index
      %swap3A_354 = tpu.vector_load %arg6[%swap3A_352, %swap3A_353] {strides = array<i32>} : memref<2x128xi32, #tpu.memory_space<vmem>>, vector<1x16xi32>,
      %swap3A_355 = vector.shape_cast %swap3A_354 : vector<1x16xi32> to vector<16xi32>
      %swap3A_356 = vector.shape_cast %and3A_350 : vector<16xi32> to vector<1x16xi32>
      tpu.vector_store %arg6[%swap3A_352, %swap3A_353], %swap3A_356 {strides = array<i32>} : memref<2x128xi32, #tpu.memory_space<vmem>>, vector<1x16xi32>,
      %shift_right_arithmetic3A_357 = arith.constant 16 : i32
      %shift_right_arithmetic3A_358 = vector.broadcast %shift_right_arithmetic3A_357 : i32 to vector<16xi32>
      %shift_right_arithmetic3A_359 = arith.shrsi %get3A_347, %shift_right_arithmetic3A_358 : vector<16xi32>
      %swap3A_360 = arith.constant 1 : i32
      %swap3A_361 = arith.index_cast %swap3A_360 : i32 to index
      %swap3A_362 = arith.constant 80 : index
      %swap3A_363 = tpu.vector_load %arg7[%swap3A_361, %swap3A_362] {strides = array<i32>} : memref<2x128xi32, #tpu.memory_space<vmem>>, vector<1x16xi32>,
      %swap3A_364 = vector.shape_cast %swap3A_363 : vector<1x16xi32> to vector<16xi32>
      %swap3A_365 = vector.shape_cast %shift_right_arithmetic3A_359 : vector<16xi32> to vector<1x16xi32>
      tpu.vector_store %arg7[%swap3A_361, %swap3A_362], %swap3A_365 {strides = array<i32>} : memref<2x128xi32, #tpu.memory_space<vmem>>, vector<1x16xi32>,
      %get3A_366 = arith.index_cast %add3A_233 : i32 to index
      %get3A_367 = arith.constant 96 : index
      %get3A_368 = tpu.vector_load %arg5[%get3A_366, %get3A_367] {strides = array<i32>} : memref<79x128xi32, #tpu.memory_space<vmem>>, vector<1x16xi32>,
      %get3A_369 = vector.shape_cast %get3A_368 : vector<1x16xi32> to vector<16xi32>
      %and3A_370 = arith.constant 65535 : i32
      %and3A_371 = vector.broadcast %and3A_370 : i32 to vector<16xi32>
      %and3A_372 = arith.andi %get3A_369, %and3A_371 : vector<16xi32>
      %swap3A_373 = arith.constant 1 : i32
      %swap3A_374 = arith.index_cast %swap3A_373 : i32 to index
      %swap3A_375 = arith.constant 96 : index
      %swap3A_376 = tpu.vector_load %arg6[%swap3A_374, %swap3A_375] {strides = array<i32>} : memref<2x128xi32, #tpu.memory_space<vmem>>, vector<1x16xi32>,
      %swap3A_377 = vector.shape_cast %swap3A_376 : vector<1x16xi32> to vector<16xi32>
      %swap3A_378 = vector.shape_cast %and3A_372 : vector<16xi32> to vector<1x16xi32>
      tpu.vector_store %arg6[%swap3A_374, %swap3A_375], %swap3A_378 {strides = array<i32>} : memref<2x128xi32, #tpu.memory_space<vmem>>, vector<1x16xi32>,
      %shift_right_arithmetic3A_379 = arith.constant 16 : i32
      %shift_right_arithmetic3A_380 = vector.broadcast %shift_right_arithmetic3A_379 : i32 to vector<16xi32>
      %shift_right_arithmetic3A_381 = arith.shrsi %get3A_369, %shift_right_arithmetic3A_380 : vector<16xi32>
      %swap3A_382 = arith.constant 1 : i32
      %swap3A_383 = arith.index_cast %swap3A_382 : i32 to index
      %swap3A_384 = arith.constant 96 : index
      %swap3A_385 = tpu.vector_load %arg7[%swap3A_383, %swap3A_384] {strides = array<i32>} : memref<2x128xi32, #tpu.memory_space<vmem>>, vector<1x16xi32>,
      %swap3A_386 = vector.shape_cast %swap3A_385 : vector<1x16xi32> to vector<16xi32>
      %swap3A_387 = vector.shape_cast %shift_right_arithmetic3A_381 : vector<16xi32> to vector<1x16xi32>
      tpu.vector_store %arg7[%swap3A_383, %swap3A_384], %swap3A_387 {strides = array<i32>} : memref<2x128xi32, #tpu.memory_space<vmem>>, vector<1x16xi32>,
      %get3A_388 = arith.index_cast %add3A_233 : i32 to index
      %get3A_389 = arith.constant 112 : index
      %get3A_390 = tpu.vector_load %arg5[%get3A_388, %get3A_389] {strides = array<i32>} : memref<79x128xi32, #tpu.memory_space<vmem>>, vector<1x16xi32>,
      %get3A_391 = vector.shape_cast %get3A_390 : vector<1x16xi32> to vector<16xi32>
      %and3A_392 = arith.constant 65535 : i32
      %and3A_393 = vector.broadcast %and3A_392 : i32 to vector<16xi32>
      %and3A_394 = arith.andi %get3A_391, %and3A_393 : vector<16xi32>
      %swap3A_395 = arith.constant 1 : i32
      %swap3A_396 = arith.index_cast %swap3A_395 : i32 to index
      %swap3A_397 = arith.constant 112 : index
      %swap3A_398 = tpu.vector_load %arg6[%swap3A_396, %swap3A_397] {strides = array<i32>} : memref<2x128xi32, #tpu.memory_space<vmem>>, vector<1x16xi32>,
      %swap3A_399 = vector.shape_cast %swap3A_398 : vector<1x16xi32> to vector<16xi32>
      %swap3A_400 = vector.shape_cast %and3A_394 : vector<16xi32> to vector<1x16xi32>
      tpu.vector_store %arg6[%swap3A_396, %swap3A_397], %swap3A_400 {strides = array<i32>} : memref<2x128xi32, #tpu.memory_space<vmem>>, vector<1x16xi32>,
      %shift_right_arithmetic3A_401 = arith.constant 16 : i32
      %shift_right_arithmetic3A_402 = vector.broadcast %shift_right_arithmetic3A_401 : i32 to vector<16xi32>
      %shift_right_arithmetic3A_403 = arith.shrsi %get3A_391, %shift_right_arithmetic3A_402 : vector<16xi32>
      %swap3A_404 = arith.constant 1 : i32
      %swap3A_405 = arith.index_cast %swap3A_404 : i32 to index
      %swap3A_406 = arith.constant 112 : index
      %swap3A_407 = tpu.vector_load %arg7[%swap3A_405, %swap3A_406] {strides = array<i32>} : memref<2x128xi32, #tpu.memory_space<vmem>>, vector<1x16xi32>,
      %swap3A_408 = vector.shape_cast %swap3A_407 : vector<1x16xi32> to vector<16xi32>
      %swap3A_409 = vector.shape_cast %shift_right_arithmetic3A_403 : vector<16xi32> to vector<1x16xi32>
      tpu.vector_store %arg7[%swap3A_405, %swap3A_406], %swap3A_409 {strides = array<i32>} : memref<2x128xi32, #tpu.memory_space<vmem>>, vector<1x16xi32>,
      %dma_wait3A_410 = arith.constant 0 : i32
      %dma_wait3A_411 = arith.constant 0 : i32
      %dma_wait3A_412 = tpu.memref_slice %arg6[%dma_wait3A_410, %dma_wait3A_411] : memref<2x128xi32, #tpu.memory_space<vmem>> -> memref<1x128xi32, #tpu.memory_space<vmem>>
      %dma_wait3A_413 = tpu.memref_squeeze %dma_wait3A_412 : memref<1x128xi32, #tpu.memory_space<vmem>> -> memref<128xi32, #tpu.memory_space<vmem>>
      %dma_wait3A_414 = arith.constant 0 : i32
      %dma_wait3A_415 = arith.constant 0 : i32
      %dma_wait3A_416 = tpu.memref_slice %arg2[%dma_wait3A_414, %dma_wait3A_415] : memref<10000x128xf32, #tpu.memory_space<hbm>> -> memref<10000x128xf32, #tpu.memory_space<hbm>>
      tpu.wait_indirect_dma semaphore(%arg11 : memref<!tpu.dma_semaphore, #tpu.memory_space<semaphore_mem>>) src(%dma_wait3A_416 : memref<10000x128xf32, #tpu.memory_space<hbm>>) dst(%arg8 : memref<128x128xf32, #tpu.memory_space<vmem>>)
      %dma_start3A_417 = arith.constant 1 : i32
      %dma_start3A_418 = arith.constant 0 : i32
      %dma_start3A_419 = tpu.memref_slice %arg6[%dma_start3A_417, %dma_start3A_418] : memref<2x128xi32, #tpu.memory_space<vmem>> -> memref<1x128xi32, #tpu.memory_space<vmem>>
      %dma_start3A_420 = tpu.memref_squeeze %dma_start3A_419 : memref<1x128xi32, #tpu.memory_space<vmem>> -> memref<128xi32, #tpu.memory_space<vmem>>
      %dma_start3A_421 = arith.constant 0 : i32
      %dma_start3A_422 = arith.constant 0 : i32
      %dma_start3A_423 = tpu.memref_slice %arg2[%dma_start3A_421, %dma_start3A_422] : memref<10000x128xf32, #tpu.memory_space<hbm>> -> memref<10000x128xf32, #tpu.memory_space<hbm>>
      tpu.enqueue_indirect_dma source(%dma_start3A_423 : memref<10000x128xf32, #tpu.memory_space<hbm>>) target(%arg9 : memref<128x128xf32, #tpu.memory_space<vmem>>) offsets(%dma_start3A_420 : memref<128xi32, #tpu.memory_space<vmem>>) semaphore(%arg12 : memref<!tpu.dma_semaphore, #tpu.memory_space<semaphore_mem>>)
      %dma_start3A_424 = arith.constant 0 : i32
      %dma_start3A_425 = arith.constant 0 : i32
      %dma_start3A_426 = tpu.memref_slice %arg7[%dma_start3A_424, %dma_start3A_425] : memref<2x128xi32, #tpu.memory_space<vmem>> -> memref<1x128xi32, #tpu.memory_space<vmem>>
      %dma_start3A_427 = tpu.memref_squeeze %dma_start3A_426 : memref<1x128xi32, #tpu.memory_space<vmem>> -> memref<128xi32, #tpu.memory_space<vmem>>
      %dma_start3A_428 = arith.constant 0 : i32
      %dma_start3A_429 = arith.constant 0 : i32
      %dma_start3A_430 = tpu.memref_slice %arg10[%dma_start3A_428, %dma_start3A_429] : memref<10240x128xf32, #tpu.memory_space<vmem_shared>> -> memref<10240x128xf32, #tpu.memory_space<vmem_shared>>
      tpu.enqueue_indirect_dma source(%arg8 : memref<128x128xf32, #tpu.memory_space<vmem>>) target(%dma_start3A_430 : memref<10240x128xf32, #tpu.memory_space<vmem_shared>>) offsets(%dma_start3A_427 : memref<128xi32, #tpu.memory_space<vmem>>) semaphore(%arg13 : memref<!tpu.dma_semaphore, #tpu.memory_space<semaphore_mem>>) {add = true}
      %dma_wait3A_431 = arith.constant 0 : i32
      %dma_wait3A_432 = arith.constant 0 : i32
      %dma_wait3A_433 = tpu.memref_slice %arg7[%dma_wait3A_431, %dma_wait3A_432] : memref<2x128xi32, #tpu.memory_space<vmem>> -> memref<1x128xi32, #tpu.memory_space<vmem>>
      %dma_wait3A_434 = tpu.memref_squeeze %dma_wait3A_433 : memref<1x128xi32, #tpu.memory_space<vmem>> -> memref<128xi32, #tpu.memory_space<vmem>>
      %dma_wait3A_435 = arith.constant 0 : i32
      %dma_wait3A_436 = arith.constant 0 : i32
      %dma_wait3A_437 = tpu.memref_slice %arg10[%dma_wait3A_435, %dma_wait3A_436] : memref<10240x128xf32, #tpu.memory_space<vmem_shared>> -> memref<10240x128xf32, #tpu.memory_space<vmem_shared>>
      tpu.wait_indirect_dma semaphore(%arg13 : memref<!tpu.dma_semaphore, #tpu.memory_space<semaphore_mem>>) src(%arg8 : memref<128x128xf32, #tpu.memory_space<vmem>>) dst(%dma_wait3A_437 : memref<10240x128xf32, #tpu.memory_space<vmem_shared>>)
      %add3A_438 = arith.constant 2 : i32
      %add3A_439 = arith.addi %mul3A_229, %add3A_438 : i32
      %get3A_440 = arith.index_cast %add3A_439 : i32 to index
      %get3A_441 = arith.constant 0 : index
      %get3A_442 = tpu.vector_load %arg5[%get3A_440, %get3A_441] {strides = array<i32>} : memref<79x128xi32, #tpu.memory_space<vmem>>, vector<1x16xi32>,
      %get3A_443 = vector.shape_cast %get3A_442 : vector<1x16xi32> to vector<16xi32>
      %and3A_444 = arith.constant 65535 : i32
      %and3A_445 = vector.broadcast %and3A_444 : i32 to vector<16xi32>
      %and3A_446 = arith.andi %get3A_443, %and3A_445 : vector<16xi32>
      %swap3A_447 = arith.constant 0 : i32
      %swap3A_448 = arith.index_cast %swap3A_447 : i32 to index
      %swap3A_449 = arith.constant 0 : index
      %swap3A_450 = tpu.vector_load %arg6[%swap3A_448, %swap3A_449] {strides = array<i32>} : memref<2x128xi32, #tpu.memory_space<vmem>>, vector<1x16xi32>,
      %swap3A_451 = vector.shape_cast %swap3A_450 : vector<1x16xi32> to vector<16xi32>
      %swap3A_452 = vector.shape_cast %and3A_446 : vector<16xi32> to vector<1x16xi32>
      tpu.vector_store %arg6[%swap3A_448, %swap3A_449], %swap3A_452 {strides = array<i32>} : memref<2x128xi32, #tpu.memory_space<vmem>>, vector<1x16xi32>,
      %shift_right_arithmetic3A_453 = arith.constant 16 : i32
      %shift_right_arithmetic3A_454 = vector.broadcast %shift_right_arithmetic3A_453 : i32 to vector<16xi32>
      %shift_right_arithmetic3A_455 = arith.shrsi %get3A_443, %shift_right_arithmetic3A_454 : vector<16xi32>
      %swap3A_456 = arith.constant 0 : i32
      %swap3A_457 = arith.index_cast %swap3A_456 : i32 to index
      %swap3A_458 = arith.constant 0 : index
      %swap3A_459 = tpu.vector_load %arg7[%swap3A_457, %swap3A_458] {strides = array<i32>} : memref<2x128xi32, #tpu.memory_space<vmem>>, vector<1x16xi32>,
      %swap3A_460 = vector.shape_cast %swap3A_459 : vector<1x16xi32> to vector<16xi32>
      %swap3A_461 = vector.shape_cast %shift_right_arithmetic3A_455 : vector<16xi32> to vector<1x16xi32>
      tpu.vector_store %arg7[%swap3A_457, %swap3A_458], %swap3A_461 {strides = array<i32>} : memref<2x128xi32, #tpu.memory_space<vmem>>, vector<1x16xi32>,
      %get3A_462 = arith.index_cast %add3A_439 : i32 to index
      %get3A_463 = arith.constant 16 : index
      %get3A_464 = tpu.vector_load %arg5[%get3A_462, %get3A_463] {strides = array<i32>} : memref<79x128xi32, #tpu.memory_space<vmem>>, vector<1x16xi32>,
      %get3A_465 = vector.shape_cast %get3A_464 : vector<1x16xi32> to vector<16xi32>
      %and3A_466 = arith.constant 65535 : i32
      %and3A_467 = vector.broadcast %and3A_466 : i32 to vector<16xi32>
      %and3A_468 = arith.andi %get3A_465, %and3A_467 : vector<16xi32>
      %swap3A_469 = arith.constant 0 : i32
      %swap3A_470 = arith.index_cast %swap3A_469 : i32 to index
      %swap3A_471 = arith.constant 16 : index
      %swap3A_472 = tpu.vector_load %arg6[%swap3A_470, %swap3A_471] {strides = array<i32>} : memref<2x128xi32, #tpu.memory_space<vmem>>, vector<1x16xi32>,
      %swap3A_473 = vector.shape_cast %swap3A_472 : vector<1x16xi32> to vector<16xi32>
      %swap3A_474 = vector.shape_cast %and3A_468 : vector<16xi32> to vector<1x16xi32>
      tpu.vector_store %arg6[%swap3A_470, %swap3A_471], %swap3A_474 {strides = array<i32>} : memref<2x128xi32, #tpu.memory_space<vmem>>, vector<1x16xi32>,
      %shift_right_arithmetic3A_475 = arith.constant 16 : i32
      %shift_right_arithmetic3A_476 = vector.broadcast %shift_right_arithmetic3A_475 : i32 to vector<16xi32>
      %shift_right_arithmetic3A_477 = arith.shrsi %get3A_465, %shift_right_arithmetic3A_476 : vector<16xi32>
      %swap3A_478 = arith.constant 0 : i32
      %swap3A_479 = arith.index_cast %swap3A_478 : i32 to index
      %swap3A_480 = arith.constant 16 : index
      %swap3A_481 = tpu.vector_load %arg7[%swap3A_479, %swap3A_480] {strides = array<i32>} : memref<2x128xi32, #tpu.memory_space<vmem>>, vector<1x16xi32>,
      %swap3A_482 = vector.shape_cast %swap3A_481 : vector<1x16xi32> to vector<16xi32>
      %swap3A_483 = vector.shape_cast %shift_right_arithmetic3A_477 : vector<16xi32> to vector<1x16xi32>
      tpu.vector_store %arg7[%swap3A_479, %swap3A_480], %swap3A_483 {strides = array<i32>} : memref<2x128xi32, #tpu.memory_space<vmem>>, vector<1x16xi32>,
      %get3A_484 = arith.index_cast %add3A_439 : i32 to index
      %get3A_485 = arith.constant 32 : index
      %get3A_486 = tpu.vector_load %arg5[%get3A_484, %get3A_485] {strides = array<i32>} : memref<79x128xi32, #tpu.memory_space<vmem>>, vector<1x16xi32>,
      %get3A_487 = vector.shape_cast %get3A_486 : vector<1x16xi32> to vector<16xi32>
      %and3A_488 = arith.constant 65535 : i32
      %and3A_489 = vector.broadcast %and3A_488 : i32 to vector<16xi32>
      %and3A_490 = arith.andi %get3A_487, %and3A_489 : vector<16xi32>
      %swap3A_491 = arith.constant 0 : i32
      %swap3A_492 = arith.index_cast %swap3A_491 : i32 to index
      %swap3A_493 = arith.constant 32 : index
      %swap3A_494 = tpu.vector_load %arg6[%swap3A_492, %swap3A_493] {strides = array<i32>} : memref<2x128xi32, #tpu.memory_space<vmem>>, vector<1x16xi32>,
      %swap3A_495 = vector.shape_cast %swap3A_494 : vector<1x16xi32> to vector<16xi32>
      %swap3A_496 = vector.shape_cast %and3A_490 : vector<16xi32> to vector<1x16xi32>
      tpu.vector_store %arg6[%swap3A_492, %swap3A_493], %swap3A_496 {strides = array<i32>} : memref<2x128xi32, #tpu.memory_space<vmem>>, vector<1x16xi32>,
      %shift_right_arithmetic3A_497 = arith.constant 16 : i32
      %shift_right_arithmetic3A_498 = vector.broadcast %shift_right_arithmetic3A_497 : i32 to vector<16xi32>
      %shift_right_arithmetic3A_499 = arith.shrsi %get3A_487, %shift_right_arithmetic3A_498 : vector<16xi32>
      %swap3A_500 = arith.constant 0 : i32
      %swap3A_501 = arith.index_cast %swap3A_500 : i32 to index
      %swap3A_502 = arith.constant 32 : index
      %swap3A_503 = tpu.vector_load %arg7[%swap3A_501, %swap3A_502] {strides = array<i32>} : memref<2x128xi32, #tpu.memory_space<vmem>>, vector<1x16xi32>,
      %swap3A_504 = vector.shape_cast %swap3A_503 : vector<1x16xi32> to vector<16xi32>
      %swap3A_505 = vector.shape_cast %shift_right_arithmetic3A_499 : vector<16xi32> to vector<1x16xi32>
      tpu.vector_store %arg7[%swap3A_501, %swap3A_502], %swap3A_505 {strides = array<i32>} : memref<2x128xi32, #tpu.memory_space<vmem>>, vector<1x16xi32>,
      %get3A_506 = arith.index_cast %add3A_439 : i32 to index
      %get3A_507 = arith.constant 48 : index
      %get3A_508 = tpu.vector_load %arg5[%get3A_506, %get3A_507] {strides = array<i32>} : memref<79x128xi32, #tpu.memory_space<vmem>>, vector<1x16xi32>,
      %get3A_509 = vector.shape_cast %get3A_508 : vector<1x16xi32> to vector<16xi32>
      %and3A_510 = arith.constant 65535 : i32
      %and3A_511 = vector.broadcast %and3A_510 : i32 to vector<16xi32>
      %and3A_512 = arith.andi %get3A_509, %and3A_511 : vector<16xi32>
      %swap3A_513 = arith.constant 0 : i32
      %swap3A_514 = arith.index_cast %swap3A_513 : i32 to index
      %swap3A_515 = arith.constant 48 : index
      %swap3A_516 = tpu.vector_load %arg6[%swap3A_514, %swap3A_515] {strides = array<i32>} : memref<2x128xi32, #tpu.memory_space<vmem>>, vector<1x16xi32>,
      %swap3A_517 = vector.shape_cast %swap3A_516 : vector<1x16xi32> to vector<16xi32>
      %swap3A_518 = vector.shape_cast %and3A_512 : vector<16xi32> to vector<1x16xi32>
      tpu.vector_store %arg6[%swap3A_514, %swap3A_515], %swap3A_518 {strides = array<i32>} : memref<2x128xi32, #tpu.memory_space<vmem>>, vector<1x16xi32>,
      %shift_right_arithmetic3A_519 = arith.constant 16 : i32
      %shift_right_arithmetic3A_520 = vector.broadcast %shift_right_arithmetic3A_519 : i32 to vector<16xi32>
      %shift_right_arithmetic3A_521 = arith.shrsi %get3A_509, %shift_right_arithmetic3A_520 : vector<16xi32>
      %swap3A_522 = arith.constant 0 : i32
      %swap3A_523 = arith.index_cast %swap3A_522 : i32 to index
      %swap3A_524 = arith.constant 48 : index
      %swap3A_525 = tpu.vector_load %arg7[%swap3A_523, %swap3A_524] {strides = array<i32>} : memref<2x128xi32, #tpu.memory_space<vmem>>, vector<1x16xi32>,
      %swap3A_526 = vector.shape_cast %swap3A_525 : vector<1x16xi32> to vector<16xi32>
      %swap3A_527 = vector.shape_cast %shift_right_arithmetic3A_521 : vector<16xi32> to vector<1x16xi32>
      tpu.vector_store %arg7[%swap3A_523, %swap3A_524], %swap3A_527 {strides = array<i32>} : memref<2x128xi32, #tpu.memory_space<vmem>>, vector<1x16xi32>,
      %get3A_528 = arith.index_cast %add3A_439 : i32 to index
      %get3A_529 = arith.constant 64 : index
      %get3A_530 = tpu.vector_load %arg5[%get3A_528, %get3A_529] {strides = array<i32>} : memref<79x128xi32, #tpu.memory_space<vmem>>, vector<1x16xi32>,
      %get3A_531 = vector.shape_cast %get3A_530 : vector<1x16xi32> to vector<16xi32>
      %and3A_532 = arith.constant 65535 : i32
      %and3A_533 = vector.broadcast %and3A_532 : i32 to vector<16xi32>
      %and3A_534 = arith.andi %get3A_531, %and3A_533 : vector<16xi32>
      %swap3A_535 = arith.constant 0 : i32
      %swap3A_536 = arith.index_cast %swap3A_535 : i32 to index
      %swap3A_537 = arith.constant 64 : index
      %swap3A_538 = tpu.vector_load %arg6[%swap3A_536, %swap3A_537] {strides = array<i32>} : memref<2x128xi32, #tpu.memory_space<vmem>>, vector<1x16xi32>,
      %swap3A_539 = vector.shape_cast %swap3A_538 : vector<1x16xi32> to vector<16xi32>
      %swap3A_540 = vector.shape_cast %and3A_534 : vector<16xi32> to vector<1x16xi32>
      tpu.vector_store %arg6[%swap3A_536, %swap3A_537], %swap3A_540 {strides = array<i32>} : memref<2x128xi32, #tpu.memory_space<vmem>>, vector<1x16xi32>,
      %shift_right_arithmetic3A_541 = arith.constant 16 : i32
      %shift_right_arithmetic3A_542 = vector.broadcast %shift_right_arithmetic3A_541 : i32 to vector<16xi32>
      %shift_right_arithmetic3A_543 = arith.shrsi %get3A_531, %shift_right_arithmetic3A_542 : vector<16xi32>
      %swap3A_544 = arith.constant 0 : i32
      %swap3A_545 = arith.index_cast %swap3A_544 : i32 to index
      %swap3A_546 = arith.constant 64 : index
      %swap3A_547 = tpu.vector_load %arg7[%swap3A_545, %swap3A_546] {strides = array<i32>} : memref<2x128xi32, #tpu.memory_space<vmem>>, vector<1x16xi32>,
      %swap3A_548 = vector.shape_cast %swap3A_547 : vector<1x16xi32> to vector<16xi32>
      %swap3A_549 = vector.shape_cast %shift_right_arithmetic3A_543 : vector<16xi32> to vector<1x16xi32>
      tpu.vector_store %arg7[%swap3A_545, %swap3A_546], %swap3A_549 {strides = array<i32>} : memref<2x128xi32, #tpu.memory_space<vmem>>, vector<1x16xi32>,
      %get3A_550 = arith.index_cast %add3A_439 : i32 to index
      %get3A_551 = arith.constant 80 : index
      %get3A_552 = tpu.vector_load %arg5[%get3A_550, %get3A_551] {strides = array<i32>} : memref<79x128xi32, #tpu.memory_space<vmem>>, vector<1x16xi32>,
      %get3A_553 = vector.shape_cast %get3A_552 : vector<1x16xi32> to vector<16xi32>
      %and3A_554 = arith.constant 65535 : i32
      %and3A_555 = vector.broadcast %and3A_554 : i32 to vector<16xi32>
      %and3A_556 = arith.andi %get3A_553, %and3A_555 : vector<16xi32>
      %swap3A_557 = arith.constant 0 : i32
      %swap3A_558 = arith.index_cast %swap3A_557 : i32 to index
      %swap3A_559 = arith.constant 80 : index
      %swap3A_560 = tpu.vector_load %arg6[%swap3A_558, %swap3A_559] {strides = array<i32>} : memref<2x128xi32, #tpu.memory_space<vmem>>, vector<1x16xi32>,
      %swap3A_561 = vector.shape_cast %swap3A_560 : vector<1x16xi32> to vector<16xi32>
      %swap3A_562 = vector.shape_cast %and3A_556 : vector<16xi32> to vector<1x16xi32>
      tpu.vector_store %arg6[%swap3A_558, %swap3A_559], %swap3A_562 {strides = array<i32>} : memref<2x128xi32, #tpu.memory_space<vmem>>, vector<1x16xi32>,
      %shift_right_arithmetic3A_563 = arith.constant 16 : i32
      %shift_right_arithmetic3A_564 = vector.broadcast %shift_right_arithmetic3A_563 : i32 to vector<16xi32>
      %shift_right_arithmetic3A_565 = arith.shrsi %get3A_553, %shift_right_arithmetic3A_564 : vector<16xi32>
      %swap3A_566 = arith.constant 0 : i32
      %swap3A_567 = arith.index_cast %swap3A_566 : i32 to index
      %swap3A_568 = arith.constant 80 : index
      %swap3A_569 = tpu.vector_load %arg7[%swap3A_567, %swap3A_568] {strides = array<i32>} : memref<2x128xi32, #tpu.memory_space<vmem>>, vector<1x16xi32>,
      %swap3A_570 = vector.shape_cast %swap3A_569 : vector<1x16xi32> to vector<16xi32>
      %swap3A_571 = vector.shape_cast %shift_right_arithmetic3A_565 : vector<16xi32> to vector<1x16xi32>
      tpu.vector_store %arg7[%swap3A_567, %swap3A_568], %swap3A_571 {strides = array<i32>} : memref<2x128xi32, #tpu.memory_space<vmem>>, vector<1x16xi32>,
      %get3A_572 = arith.index_cast %add3A_439 : i32 to index
      %get3A_573 = arith.constant 96 : index
      %get3A_574 = tpu.vector_load %arg5[%get3A_572, %get3A_573] {strides = array<i32>} : memref<79x128xi32, #tpu.memory_space<vmem>>, vector<1x16xi32>,
      %get3A_575 = vector.shape_cast %get3A_574 : vector<1x16xi32> to vector<16xi32>
      %and3A_576 = arith.constant 65535 : i32
      %and3A_577 = vector.broadcast %and3A_576 : i32 to vector<16xi32>
      %and3A_578 = arith.andi %get3A_575, %and3A_577 : vector<16xi32>
      %swap3A_579 = arith.constant 0 : i32
      %swap3A_580 = arith.index_cast %swap3A_579 : i32 to index
      %swap3A_581 = arith.constant 96 : index
      %swap3A_582 = tpu.vector_load %arg6[%swap3A_580, %swap3A_581] {strides = array<i32>} : memref<2x128xi32, #tpu.memory_space<vmem>>, vector<1x16xi32>,
      %swap3A_583 = vector.shape_cast %swap3A_582 : vector<1x16xi32> to vector<16xi32>
      %swap3A_584 = vector.shape_cast %and3A_578 : vector<16xi32> to vector<1x16xi32>
      tpu.vector_store %arg6[%swap3A_580, %swap3A_581], %swap3A_584 {strides = array<i32>} : memref<2x128xi32, #tpu.memory_space<vmem>>, vector<1x16xi32>,
      %shift_right_arithmetic3A_585 = arith.constant 16 : i32
      %shift_right_arithmetic3A_586 = vector.broadcast %shift_right_arithmetic3A_585 : i32 to vector<16xi32>
      %shift_right_arithmetic3A_587 = arith.shrsi %get3A_575, %shift_right_arithmetic3A_586 : vector<16xi32>
      %swap3A_588 = arith.constant 0 : i32
      %swap3A_589 = arith.index_cast %swap3A_588 : i32 to index
      %swap3A_590 = arith.constant 96 : index
      %swap3A_591 = tpu.vector_load %arg7[%swap3A_589, %swap3A_590] {strides = array<i32>} : memref<2x128xi32, #tpu.memory_space<vmem>>, vector<1x16xi32>,
      %swap3A_592 = vector.shape_cast %swap3A_591 : vector<1x16xi32> to vector<16xi32>
      %swap3A_593 = vector.shape_cast %shift_right_arithmetic3A_587 : vector<16xi32> to vector<1x16xi32>
      tpu.vector_store %arg7[%swap3A_589, %swap3A_590], %swap3A_593 {strides = array<i32>} : memref<2x128xi32, #tpu.memory_space<vmem>>, vector<1x16xi32>,
      %get3A_594 = arith.index_cast %add3A_439 : i32 to index
      %get3A_595 = arith.constant 112 : index
      %get3A_596 = tpu.vector_load %arg5[%get3A_594, %get3A_595] {strides = array<i32>} : memref<79x128xi32, #tpu.memory_space<vmem>>, vector<1x16xi32>,
      %get3A_597 = vector.shape_cast %get3A_596 : vector<1x16xi32> to vector<16xi32>
      %and3A_598 = arith.constant 65535 : i32
      %and3A_599 = vector.broadcast %and3A_598 : i32 to vector<16xi32>
      %and3A_600 = arith.andi %get3A_597, %and3A_599 : vector<16xi32>
      %swap3A_601 = arith.constant 0 : i32
      %swap3A_602 = arith.index_cast %swap3A_601 : i32 to index
      %swap3A_603 = arith.constant 112 : index
      %swap3A_604 = tpu.vector_load %arg6[%swap3A_602, %swap3A_603] {strides = array<i32>} : memref<2x128xi32, #tpu.memory_space<vmem>>, vector<1x16xi32>,
      %swap3A_605 = vector.shape_cast %swap3A_604 : vector<1x16xi32> to vector<16xi32>
      %swap3A_606 = vector.shape_cast %and3A_600 : vector<16xi32> to vector<1x16xi32>
      tpu.vector_store %arg6[%swap3A_602, %swap3A_603], %swap3A_606 {strides = array<i32>} : memref<2x128xi32, #tpu.memory_space<vmem>>, vector<1x16xi32>,
      %shift_right_arithmetic3A_607 = arith.constant 16 : i32
      %shift_right_arithmetic3A_608 = vector.broadcast %shift_right_arithmetic3A_607 : i32 to vector<16xi32>
      %shift_right_arithmetic3A_609 = arith.shrsi %get3A_597, %shift_right_arithmetic3A_608 : vector<16xi32>
      %swap3A_610 = arith.constant 0 : i32
      %swap3A_611 = arith.index_cast %swap3A_610 : i32 to index
      %swap3A_612 = arith.constant 112 : index
      %swap3A_613 = tpu.vector_load %arg7[%swap3A_611, %swap3A_612] {strides = array<i32>} : memref<2x128xi32, #tpu.memory_space<vmem>>, vector<1x16xi32>,
      %swap3A_614 = vector.shape_cast %swap3A_613 : vector<1x16xi32> to vector<16xi32>
      %swap3A_615 = vector.shape_cast %shift_right_arithmetic3A_609 : vector<16xi32> to vector<1x16xi32>
      tpu.vector_store %arg7[%swap3A_611, %swap3A_612], %swap3A_615 {strides = array<i32>} : memref<2x128xi32, #tpu.memory_space<vmem>>, vector<1x16xi32>,
      %dma_wait3A_616 = arith.constant 1 : i32
      %dma_wait3A_617 = arith.constant 0 : i32
      %dma_wait3A_618 = tpu.memref_slice %arg6[%dma_wait3A_616, %dma_wait3A_617] : memref<2x128xi32, #tpu.memory_space<vmem>> -> memref<1x128xi32, #tpu.memory_space<vmem>>
      %dma_wait3A_619 = tpu.memref_squeeze %dma_wait3A_618 : memref<1x128xi32, #tpu.memory_space<vmem>> -> memref<128xi32, #tpu.memory_space<vmem>>
      %dma_wait3A_620 = arith.constant 0 : i32
      %dma_wait3A_621 = arith.constant 0 : i32
      %dma_wait3A_622 = tpu.memref_slice %arg2[%dma_wait3A_620, %dma_wait3A_621] : memref<10000x128xf32, #tpu.memory_space<hbm>> -> memref<10000x128xf32, #tpu.memory_space<hbm>>
      tpu.wait_indirect_dma semaphore(%arg12 : memref<!tpu.dma_semaphore, #tpu.memory_space<semaphore_mem>>) src(%dma_wait3A_622 : memref<10000x128xf32, #tpu.memory_space<hbm>>) dst(%arg9 : memref<128x128xf32, #tpu.memory_space<vmem>>)
      %dma_start3A_623 = arith.constant 0 : i32
      %dma_start3A_624 = arith.constant 0 : i32
      %dma_start3A_625 = tpu.memref_slice %arg6[%dma_start3A_623, %dma_start3A_624] : memref<2x128xi32, #tpu.memory_space<vmem>> -> memref<1x128xi32, #tpu.memory_space<vmem>>
      %dma_start3A_626 = tpu.memref_squeeze %dma_start3A_625 : memref<1x128xi32, #tpu.memory_space<vmem>> -> memref<128xi32, #tpu.memory_space<vmem>>
      %dma_start3A_627 = arith.constant 0 : i32
      %dma_start3A_628 = arith.constant 0 : i32
      %dma_start3A_629 = tpu.memref_slice %arg2[%dma_start3A_627, %dma_start3A_628] : memref<10000x128xf32, #tpu.memory_space<hbm>> -> memref<10000x128xf32, #tpu.memory_space<hbm>>
      tpu.enqueue_indirect_dma source(%dma_start3A_629 : memref<10000x128xf32, #tpu.memory_space<hbm>>) target(%arg8 : memref<128x128xf32, #tpu.memory_space<vmem>>) offsets(%dma_start3A_626 : memref<128xi32, #tpu.memory_space<vmem>>) semaphore(%arg11 : memref<!tpu.dma_semaphore, #tpu.memory_space<semaphore_mem>>)
      %dma_start3A_630 = arith.constant 1 : i32
      %dma_start3A_631 = arith.constant 0 : i32
      %dma_start3A_632 = tpu.memref_slice %arg7[%dma_start3A_630, %dma_start3A_631] : memref<2x128xi32, #tpu.memory_space<vmem>> -> memref<1x128xi32, #tpu.memory_space<vmem>>
      %dma_start3A_633 = tpu.memref_squeeze %dma_start3A_632 : memref<1x128xi32, #tpu.memory_space<vmem>> -> memref<128xi32, #tpu.memory_space<vmem>>
      %dma_start3A_634 = arith.constant 0 : i32
      %dma_start3A_635 = arith.constant 0 : i32
      %dma_start3A_636 = tpu.memref_slice %arg10[%dma_start3A_634, %dma_start3A_635] : memref<10240x128xf32, #tpu.memory_space<vmem_shared>> -> memref<10240x128xf32, #tpu.memory_space<vmem_shared>>
      tpu.enqueue_indirect_dma source(%arg9 : memref<128x128xf32, #tpu.memory_space<vmem>>) target(%dma_start3A_636 : memref<10240x128xf32, #tpu.memory_space<vmem_shared>>) offsets(%dma_start3A_633 : memref<128xi32, #tpu.memory_space<vmem>>) semaphore(%arg14 : memref<!tpu.dma_semaphore, #tpu.memory_space<semaphore_mem>>) {add = true}
      %scan3A_637 = arith.constant 0 : i32
      scf.yield %scan3A_637 : i32
    }
    %scan3A_207 = arith.constant 39 : i32
    %dma_wait3A = arith.constant 1 : i32
    %dma_wait3A_208 = arith.constant 0 : i32
    %dma_wait3A_209 = tpu.memref_slice %arg7[%dma_wait3A, %dma_wait3A_208] : memref<2x128xi32, #tpu.memory_space<vmem>> -> memref<1x128xi32, #tpu.memory_space<vmem>>
    %dma_wait3A_210 = tpu.memref_squeeze %dma_wait3A_209 : memref<1x128xi32, #tpu.memory_space<vmem>> -> memref<128xi32, #tpu.memory_space<vmem>>
    %dma_wait3A_211 = arith.constant 0 : i32
    %dma_wait3A_212 = arith.constant 0 : i32
    %dma_wait3A_213 = tpu.memref_slice %arg10[%dma_wait3A_211, %dma_wait3A_212] : memref<10240x128xf32, #tpu.memory_space<vmem_shared>> -> memref<10240x128xf32, #tpu.memory_space<vmem_shared>>
    tpu.wait_indirect_dma semaphore(%arg14 : memref<!tpu.dma_semaphore, #tpu.memory_space<semaphore_mem>>) src(%arg9 : memref<128x128xf32, #tpu.memory_space<vmem>>) dst(%dma_wait3A_213 : memref<10240x128xf32, #tpu.memory_space<vmem_shared>>)
    %dma_wait3A_214 = arith.constant 0 : i32
    %dma_wait3A_215 = arith.constant 0 : i32
    %dma_wait3A_216 = tpu.memref_slice %arg6[%dma_wait3A_214, %dma_wait3A_215] : memref<2x128xi32, #tpu.memory_space<vmem>> -> memref<1x128xi32, #tpu.memory_space<vmem>>
    %dma_wait3A_217 = tpu.memref_squeeze %dma_wait3A_216 : memref<1x128xi32, #tpu.memory_space<vmem>> -> memref<128xi32, #tpu.memory_space<vmem>>
    %dma_wait3A_218 = arith.constant 0 : i32
    %dma_wait3A_219 = arith.constant 0 : i32
    %dma_wait3A_220 = tpu.memref_slice %arg2[%dma_wait3A_218, %dma_wait3A_219] : memref<10000x128xf32, #tpu.memory_space<hbm>> -> memref<10000x128xf32, #tpu.memory_space<hbm>>
    tpu.wait_indirect_dma semaphore(%arg11 : memref<!tpu.dma_semaphore, #tpu.memory_space<semaphore_mem>>) src(%dma_wait3A_220 : memref<10000x128xf32, #tpu.memory_space<hbm>>) dst(%arg8 : memref<128x128xf32, #tpu.memory_space<vmem>>)
    %run_scoped3A = arith.constant 0 : i32
    "tpu.region"() ({
      %run_scoped3A_226 = tpu.sem_alloc : memref<!tpu.dma_semaphore, #tpu.memory_space<semaphore_mem>>
      %dma_start3A_227 = arith.constant 0 : i32
      %dma_start3A_228 = tpu.memref_slice %arg7[%run_scoped3A, %dma_start3A_227] : memref<2x128xi32, #tpu.memory_space<vmem>> -> memref<1x128xi32, #tpu.memory_space<vmem>>
      %dma_start3A_229 = tpu.memref_squeeze %dma_start3A_228 : memref<1x128xi32, #tpu.memory_space<vmem>> -> memref<128xi32, #tpu.memory_space<vmem>>
      %dma_start3A_230 = arith.constant 0 : i32
      %dma_start3A_231 = arith.constant 0 : i32
      %dma_start3A_232 = tpu.memref_slice %arg10[%dma_start3A_230, %dma_start3A_231] : memref<10240x128xf32, #tpu.memory_space<vmem_shared>> -> memref<10240x128xf32, #tpu.memory_space<vmem_shared>>
      tpu.enqueue_indirect_dma source(%arg8 : memref<128x128xf32, #tpu.memory_space<vmem>>) target(%dma_start3A_232 : memref<10240x128xf32, #tpu.memory_space<vmem_shared>>) offsets(%dma_start3A_229 : memref<128xi32, #tpu.memory_space<vmem>>) semaphore(%run_scoped3A_226 : memref<!tpu.dma_semaphore, #tpu.memory_space<semaphore_mem>>) {add = true}
      %dma_wait3A_233 = arith.constant 0 : i32
      %dma_wait3A_234 = tpu.memref_slice %arg7[%run_scoped3A, %dma_wait3A_233] : memref<2x128xi32, #tpu.memory_space<vmem>> -> memref<1x128xi32, #tpu.memory_space<vmem>>
      %dma_wait3A_235 = tpu.memref_squeeze %dma_wait3A_234 : memref<1x128xi32, #tpu.memory_space<vmem>> -> memref<128xi32, #tpu.memory_space<vmem>>
      %dma_wait3A_236 = arith.constant 0 : i32
      %dma_wait3A_237 = arith.constant 0 : i32
      %dma_wait3A_238 = tpu.memref_slice %arg10[%dma_wait3A_236, %dma_wait3A_237] : memref<10240x128xf32, #tpu.memory_space<vmem_shared>> -> memref<10240x128xf32, #tpu.memory_space<vmem_shared>>
      tpu.wait_indirect_dma semaphore(%run_scoped3A_226 : memref<!tpu.dma_semaphore, #tpu.memory_space<semaphore_mem>>) src(%arg8 : memref<128x128xf32, #tpu.memory_space<vmem>>) dst(%dma_wait3A_238 : memref<10240x128xf32, #tpu.memory_space<vmem_shared>>)
      tpu.yield
    }) : () -> ()
    %barrier3A_221 = arith.constant 0 : index
    tpu.barrier barrier_id(%barrier3A_221)
    %mul3A_222 = arith.constant 640 : i32
    %mul3A_223 = arith.muli %arg1, %mul3A_222 : i32
    %mul3A_224 = arith.constant 640 : i32
    %mul3A_225 = arith.muli %arg1, %mul3A_224 : i32
    "tpu.region"() ({
      %run_scoped3A_226 = tpu.sem_alloc : memref<!tpu.dma_semaphore, #tpu.memory_space<semaphore_mem>>
      %dma_start3A_227 = arith.constant 0 : i32
      %dma_start3A_228 = tpu.memref_slice %arg4[%arg0, %mul3A_225, %dma_start3A_227] : memref<2x10240x128xf32, #tpu.memory_space<hbm>> -> memref<1x640x128xf32, #tpu.memory_space<hbm>>
      %dma_start3A_229 = tpu.memref_squeeze %dma_start3A_228 : memref<1x640x128xf32, #tpu.memory_space<hbm>> -> memref<640x128xf32, #tpu.memory_space<hbm>>
      %dma_start3A_230 = arith.constant 0 : i32
      %dma_start3A_231 = tpu.memref_slice %arg10[%mul3A_223, %dma_start3A_230] : memref<10240x128xf32, #tpu.memory_space<vmem_shared>> -> memref<640x128xf32, #tpu.memory_space<vmem_shared>>
      tpu.enqueue_dma source(%dma_start3A_231 : memref<640x128xf32, #tpu.memory_space<vmem_shared>>) target(%dma_start3A_229 : memref<640x128xf32, #tpu.memory_space<hbm>>) target_semaphore(%run_scoped3A_226 : memref<!tpu.dma_semaphore, #tpu.memory_space<semaphore_mem>>)
      %dma_wait3A_232 = arith.constant 0 : i32
      %dma_wait3A_233 = tpu.memref_slice %arg4[%arg0, %mul3A_225, %dma_wait3A_232] : memref<2x10240x128xf32, #tpu.memory_space<hbm>> -> memref<1x640x128xf32, #tpu.memory_space<hbm>>
      %dma_wait3A_234 = tpu.memref_squeeze %dma_wait3A_233 : memref<1x640x128xf32, #tpu.memory_space<hbm>> -> memref<640x128xf32, #tpu.memory_space<hbm>>
      %dma_wait3A_235 = arith.constant 0 : i32
      %dma_wait3A_236 = tpu.memref_slice %arg10[%mul3A_223, %dma_wait3A_235] : memref<10240x128xf32, #tpu.memory_space<vmem_shared>> -> memref<640x128xf32, #tpu.memory_space<vmem_shared>>
      tpu.wait_dma2 semaphore(%run_scoped3A_226 : memref<!tpu.dma_semaphore, #tpu.memory_space<semaphore_mem>>) src(%dma_wait3A_236 : memref<640x128xf32, #tpu.memory_space<vmem_shared>>) dst(%dma_wait3A_234 : memref<640x128xf32, #tpu.memory_space<hbm>>)
      tpu.yield
    }) : () -> ()
    return
  }
}

#map = affine_map<(d0, d1) -> (0, 0)>
#map1 = affine_map<(d0, d1) -> (0, 0, 0)>
module attributes {stable_mosaic.version = 14 : i64} {
  func.func @_sc_aggregate_body(%arg0: i32, %arg1: i32, %arg2: memref<10000x128xf32, #tpu.memory_space<hbm>>, %arg3: memref<32x79x128xi32, #tpu.memory_space<hbm>>, %arg4: memref<2x10240x128xf32, #tpu.memory_space<hbm>>, %arg5: memref<79x128xi32, #tpu.memory_space<vmem>>, %arg6: memref<2x128xi32, #tpu.memory_space<vmem>>, %arg7: memref<2x128xi32, #tpu.memory_space<vmem>>, %arg8: memref<128x128xf32, #tpu.memory_space<vmem>>, %arg9: memref<128x128xf32, #tpu.memory_space<vmem>>, %arg10: memref<10240x128xf32, #tpu.memory_space<vmem_shared>>, %arg11: memref<!tpu.dma_semaphore, #tpu.memory_space<semaphore_mem>>, %arg12: memref<!tpu.dma_semaphore, #tpu.memory_space<semaphore_mem>>, %arg13: memref<!tpu.dma_semaphore, #tpu.memory_space<semaphore_mem>>, %arg14: memref<!tpu.dma_semaphore, #tpu.memory_space<semaphore_mem>>) attributes {dimension_semantics = [#tpu.dimension_semantics<core_parallel>, #tpu.dimension_semantics<subcore_parallel>], iteration_bounds = array<i64: 2, 16>, scalar_prefetch = 0 : i64, scratch_operands = 10 : i64, tpu.core_type = #tpu.core_type<sc_vector_subcore>, window_params = [{transform_indices = #map}, {transform_indices = #map1}, {transform_indices = #map1}]} {
    %mul3A = arith.constant 2 : i32
    %mul3A_0 = arith.muli %arg1, %mul3A : i32
    %add3A = arith.addi %mul3A_0, %arg0 : i32
    "tpu.region"() ({
      %run_scoped3A_226 = tpu.sem_alloc : memref<!tpu.dma_semaphore, #tpu.memory_space<semaphore_mem>>
      %dma_start3A_227 = arith.constant 0 : i32
      %dma_start3A_228 = arith.constant 0 : i32
      %dma_start3A_229 = tpu.memref_slice %arg3[%add3A, %dma_start3A_227, %dma_start3A_228] : memref<32x79x128xi32, #tpu.memory_space<hbm>> -> memref<1x79x128xi32, #tpu.memory_space<hbm>>
      %dma_start3A_230 = tpu.memref_squeeze %dma_start3A_229 : memref<1x79x128xi32, #tpu.memory_space<hbm>> -> memref<79x128xi32, #tpu.memory_space<hbm>>
      %dma_start3A_231 = arith.constant 0 : i32
      %dma_start3A_232 = arith.constant 0 : i32
      %dma_start3A_233 = tpu.memref_slice %arg3[%add3A, %dma_start3A_231, %dma_start3A_232] : memref<32x79x128xi32, #tpu.memory_space<hbm>> -> memref<1x79x128xi32, #tpu.memory_space<hbm>>
      %dma_start3A_234 = tpu.memref_squeeze %dma_start3A_233 : memref<1x79x128xi32, #tpu.memory_space<hbm>> -> memref<79x128xi32, #tpu.memory_space<hbm>>
      tpu.enqueue_dma source(%dma_start3A_234 : memref<79x128xi32, #tpu.memory_space<hbm>>) target(%arg5 : memref<79x128xi32, #tpu.memory_space<vmem>>) target_semaphore(%run_scoped3A_226 : memref<!tpu.dma_semaphore, #tpu.memory_space<semaphore_mem>>)
      %dma_wait3A_235 = arith.constant 0 : i32
      %dma_wait3A_236 = arith.constant 0 : i32
      %dma_wait3A_237 = tpu.memref_slice %arg3[%add3A, %dma_wait3A_235, %dma_wait3A_236] : memref<32x79x128xi32, #tpu.memory_space<hbm>> -> memref<1x79x128xi32, #tpu.memory_space<hbm>>
      %dma_wait3A_238 = tpu.memref_squeeze %dma_wait3A_237 : memref<1x79x128xi32, #tpu.memory_space<hbm>> -> memref<79x128xi32, #tpu.memory_space<hbm>>
      %dma_wait3A_239 = arith.constant 0 : i32
      %dma_wait3A_240 = arith.constant 0 : i32
      %dma_wait3A_241 = tpu.memref_slice %arg3[%add3A, %dma_wait3A_239, %dma_wait3A_240] : memref<32x79x128xi32, #tpu.memory_space<hbm>> -> memref<1x79x128xi32, #tpu.memory_space<hbm>>
      %dma_wait3A_242 = tpu.memref_squeeze %dma_wait3A_241 : memref<1x79x128xi32, #tpu.memory_space<hbm>> -> memref<79x128xi32, #tpu.memory_space<hbm>>
      tpu.wait_dma2 semaphore(%run_scoped3A_226 : memref<!tpu.dma_semaphore, #tpu.memory_space<semaphore_mem>>) src(%dma_wait3A_242 : memref<79x128xi32, #tpu.memory_space<hbm>>) dst(%arg5 : memref<79x128xi32, #tpu.memory_space<vmem>>)
      tpu.yield
    }) : () -> ()
    %broadcast_in_dim3A = arith.constant 0.000000e+00 : f32
    %broadcast_in_dim3A_1 = vector.broadcast %broadcast_in_dim3A : f32 to vector<16xf32>
    %scan3A = arith.constant 0 : i32
    %scan3A_2 = arith.constant 0 : i32
    %scan3A_3 = arith.constant 128 : i32
    %scan3A_4 = arith.addi %scan3A_2, %scan3A_3 : i32
    %scan3A_5 = arith.constant 1 : i32
    %scan3A_6 = scf.for %scan3A_226 = %scan3A_2 to %scan3A_4 step %scan3A_5 iter_args(%scan3A_227 = %scan3A) -> (i32)  : i32 {
      %swap3A_228 = arith.index_cast %scan3A_226 : i32 to index
      %swap3A_229 = arith.constant 0 : index
      %swap3A_230 = tpu.vector_load %arg8[%swap3A_228, %swap3A_229] {strides = array<i32>} : memref<128x128xf32, #tpu.memory_space<vmem>>, vector<1x16xf32>,
      %swap3A_231 = vector.shape_cast %swap3A_230 : vector<1x16xf32> to vector<16xf32>
      %swap3A_232 = vector.shape_cast %broadcast_in_dim3A_1 : vector<16xf32> to vector<1x16xf32>
      tpu.vector_store %arg8[%swap3A_228, %swap3A_229], %swap3A_232 {strides = array<i32>} : memref<128x128xf32, #tpu.memory_space<vmem>>, vector<1x16xf32>,
      %swap3A_233 = arith.index_cast %scan3A_226 : i32 to index
      %swap3A_234 = arith.constant 16 : index
      %swap3A_235 = tpu.vector_load %arg8[%swap3A_233, %swap3A_234] {strides = array<i32>} : memref<128x128xf32, #tpu.memory_space<vmem>>, vector<1x16xf32>,
      %swap3A_236 = vector.shape_cast %swap3A_235 : vector<1x16xf32> to vector<16xf32>
      %swap3A_237 = vector.shape_cast %broadcast_in_dim3A_1 : vector<16xf32> to vector<1x16xf32>
      tpu.vector_store %arg8[%swap3A_233, %swap3A_234], %swap3A_237 {strides = array<i32>} : memref<128x128xf32, #tpu.memory_space<vmem>>, vector<1x16xf32>,
      %swap3A_238 = arith.index_cast %scan3A_226 : i32 to index
      %swap3A_239 = arith.constant 32 : index
      %swap3A_240 = tpu.vector_load %arg8[%swap3A_238, %swap3A_239] {strides = array<i32>} : memref<128x128xf32, #tpu.memory_space<vmem>>, vector<1x16xf32>,
      %swap3A_241 = vector.shape_cast %swap3A_240 : vector<1x16xf32> to vector<16xf32>
      %swap3A_242 = vector.shape_cast %broadcast_in_dim3A_1 : vector<16xf32> to vector<1x16xf32>
      tpu.vector_store %arg8[%swap3A_238, %swap3A_239], %swap3A_242 {strides = array<i32>} : memref<128x128xf32, #tpu.memory_space<vmem>>, vector<1x16xf32>,
      %swap3A_243 = arith.index_cast %scan3A_226 : i32 to index
      %swap3A_244 = arith.constant 48 : index
      %swap3A_245 = tpu.vector_load %arg8[%swap3A_243, %swap3A_244] {strides = array<i32>} : memref<128x128xf32, #tpu.memory_space<vmem>>, vector<1x16xf32>,
      %swap3A_246 = vector.shape_cast %swap3A_245 : vector<1x16xf32> to vector<16xf32>
      %swap3A_247 = vector.shape_cast %broadcast_in_dim3A_1 : vector<16xf32> to vector<1x16xf32>
      tpu.vector_store %arg8[%swap3A_243, %swap3A_244], %swap3A_247 {strides = array<i32>} : memref<128x128xf32, #tpu.memory_space<vmem>>, vector<1x16xf32>,
      %swap3A_248 = arith.index_cast %scan3A_226 : i32 to index
      %swap3A_249 = arith.constant 64 : index
      %swap3A_250 = tpu.vector_load %arg8[%swap3A_248, %swap3A_249] {strides = array<i32>} : memref<128x128xf32, #tpu.memory_space<vmem>>, vector<1x16xf32>,
      %swap3A_251 = vector.shape_cast %swap3A_250 : vector<1x16xf32> to vector<16xf32>
      %swap3A_252 = vector.shape_cast %broadcast_in_dim3A_1 : vector<16xf32> to vector<1x16xf32>
      tpu.vector_store %arg8[%swap3A_248, %swap3A_249], %swap3A_252 {strides = array<i32>} : memref<128x128xf32, #tpu.memory_space<vmem>>, vector<1x16xf32>,
      %swap3A_253 = arith.index_cast %scan3A_226 : i32 to index
      %swap3A_254 = arith.constant 80 : index
      %swap3A_255 = tpu.vector_load %arg8[%swap3A_253, %swap3A_254] {strides = array<i32>} : memref<128x128xf32, #tpu.memory_space<vmem>>, vector<1x16xf32>,
      %swap3A_256 = vector.shape_cast %swap3A_255 : vector<1x16xf32> to vector<16xf32>
      %swap3A_257 = vector.shape_cast %broadcast_in_dim3A_1 : vector<16xf32> to vector<1x16xf32>
      tpu.vector_store %arg8[%swap3A_253, %swap3A_254], %swap3A_257 {strides = array<i32>} : memref<128x128xf32, #tpu.memory_space<vmem>>, vector<1x16xf32>,
      %swap3A_258 = arith.index_cast %scan3A_226 : i32 to index
      %swap3A_259 = arith.constant 96 : index
      %swap3A_260 = tpu.vector_load %arg8[%swap3A_258, %swap3A_259] {strides = array<i32>} : memref<128x128xf32, #tpu.memory_space<vmem>>, vector<1x16xf32>,
      %swap3A_261 = vector.shape_cast %swap3A_260 : vector<1x16xf32> to vector<16xf32>
      %swap3A_262 = vector.shape_cast %broadcast_in_dim3A_1 : vector<16xf32> to vector<1x16xf32>
      tpu.vector_store %arg8[%swap3A_258, %swap3A_259], %swap3A_262 {strides = array<i32>} : memref<128x128xf32, #tpu.memory_space<vmem>>, vector<1x16xf32>,
      %swap3A_263 = arith.index_cast %scan3A_226 : i32 to index
      %swap3A_264 = arith.constant 112 : index
      %swap3A_265 = tpu.vector_load %arg8[%swap3A_263, %swap3A_264] {strides = array<i32>} : memref<128x128xf32, #tpu.memory_space<vmem>>, vector<1x16xf32>,
      %swap3A_266 = vector.shape_cast %swap3A_265 : vector<1x16xf32> to vector<16xf32>
      %swap3A_267 = vector.shape_cast %broadcast_in_dim3A_1 : vector<16xf32> to vector<1x16xf32>
      tpu.vector_store %arg8[%swap3A_263, %swap3A_264], %swap3A_267 {strides = array<i32>} : memref<128x128xf32, #tpu.memory_space<vmem>>, vector<1x16xf32>,
      %scan3A_268 = arith.constant 0 : i32
      scf.yield %scan3A_268 : i32
    }
    %scan3A_7 = arith.constant 128 : i32
    %scan3A_8 = arith.constant 0 : i32
    %scan3A_9 = arith.constant 0 : i32
    %scan3A_10 = arith.constant 5 : i32
    %scan3A_11 = arith.addi %scan3A_9, %scan3A_10 : i32
    %scan3A_12 = arith.constant 1 : i32
    %scan3A_13 = scf.for %scan3A_226 = %scan3A_9 to %scan3A_11 step %scan3A_12 iter_args(%scan3A_227 = %scan3A_8) -> (i32)  : i32 {
      %mul3A_228 = arith.constant 640 : i32
      %mul3A_229 = arith.muli %arg1, %mul3A_228 : i32
      %mul3A_230 = arith.constant 128 : i32
      %mul3A_231 = arith.muli %scan3A_226, %mul3A_230 : i32
      %add3A_232 = arith.addi %mul3A_229, %mul3A_231 : i32
      "tpu.region"() ({
        %run_scoped3A_234 = tpu.sem_alloc : memref<!tpu.dma_semaphore, #tpu.memory_space<semaphore_mem>>
        %dma_start3A_235 = arith.constant 0 : i32
        %dma_start3A_236 = tpu.memref_slice %arg10[%add3A_232, %dma_start3A_235] : memref<10240x128xf32, #tpu.memory_space<vmem_shared>> -> memref<128x128xf32, #tpu.memory_space<vmem_shared>>
        %dma_start3A_237 = arith.constant 0 : i32
        %dma_start3A_238 = tpu.memref_slice %arg10[%add3A_232, %dma_start3A_237] : memref<10240x128xf32, #tpu.memory_space<vmem_shared>> -> memref<128x128xf32, #tpu.memory_space<vmem_shared>>
        tpu.enqueue_dma source(%arg8 : memref<128x128xf32, #tpu.memory_space<vmem>>) target(%dma_start3A_238 : memref<128x128xf32, #tpu.memory_space<vmem_shared>>) target_semaphore(%run_scoped3A_234 : memref<!tpu.dma_semaphore, #tpu.memory_space<semaphore_mem>>)
        %dma_wait3A_239 = arith.constant 0 : i32
        %dma_wait3A_240 = tpu.memref_slice %arg10[%add3A_232, %dma_wait3A_239] : memref<10240x128xf32, #tpu.memory_space<vmem_shared>> -> memref<128x128xf32, #tpu.memory_space<vmem_shared>>
        %dma_wait3A_241 = arith.constant 0 : i32
        %dma_wait3A_242 = tpu.memref_slice %arg10[%add3A_232, %dma_wait3A_241] : memref<10240x128xf32, #tpu.memory_space<vmem_shared>> -> memref<128x128xf32, #tpu.memory_space<vmem_shared>>
        tpu.wait_dma2 semaphore(%run_scoped3A_234 : memref<!tpu.dma_semaphore, #tpu.memory_space<semaphore_mem>>) src(%arg8 : memref<128x128xf32, #tpu.memory_space<vmem>>) dst(%dma_wait3A_242 : memref<128x128xf32, #tpu.memory_space<vmem_shared>>)
        tpu.yield
      }) : () -> ()
      %scan3A_233 = arith.constant 0 : i32
      scf.yield %scan3A_233 : i32
    }
    %scan3A_14 = arith.constant 5 : i32
    %barrier3A = arith.constant 0 : index
    tpu.barrier barrier_id(%barrier3A)
    %get3A = arith.constant 0 : i32
    %get3A_15 = arith.index_cast %get3A : i32 to index
    %get3A_16 = arith.constant 0 : index
    %get3A_17 = tpu.vector_load %arg5[%get3A_15, %get3A_16] {strides = array<i32>} : memref<79x128xi32, #tpu.memory_space<vmem>>, vector<1x16xi32>,
    %get3A_18 = vector.shape_cast %get3A_17 : vector<1x16xi32> to vector<16xi32>
    %and3A = arith.constant 65535 : i32
    %and3A_19 = vector.broadcast %and3A : i32 to vector<16xi32>
    %and3A_20 = arith.andi %get3A_18, %and3A_19 : vector<16xi32>
    %swap3A = arith.constant 0 : i32
    %swap3A_21 = arith.index_cast %swap3A : i32 to index
    %swap3A_22 = arith.constant 0 : index
    %swap3A_23 = tpu.vector_load %arg6[%swap3A_21, %swap3A_22] {strides = array<i32>} : memref<2x128xi32, #tpu.memory_space<vmem>>, vector<1x16xi32>,
    %swap3A_24 = vector.shape_cast %swap3A_23 : vector<1x16xi32> to vector<16xi32>
    %swap3A_25 = vector.shape_cast %and3A_20 : vector<16xi32> to vector<1x16xi32>
    tpu.vector_store %arg6[%swap3A_21, %swap3A_22], %swap3A_25 {strides = array<i32>} : memref<2x128xi32, #tpu.memory_space<vmem>>, vector<1x16xi32>,
    %shift_right_arithmetic3A = arith.constant 16 : i32
    %shift_right_arithmetic3A_26 = vector.broadcast %shift_right_arithmetic3A : i32 to vector<16xi32>
    %shift_right_arithmetic3A_27 = arith.shrsi %get3A_18, %shift_right_arithmetic3A_26 : vector<16xi32>
    %swap3A_28 = arith.constant 0 : i32
    %swap3A_29 = arith.index_cast %swap3A_28 : i32 to index
    %swap3A_30 = arith.constant 0 : index
    %swap3A_31 = tpu.vector_load %arg7[%swap3A_29, %swap3A_30] {strides = array<i32>} : memref<2x128xi32, #tpu.memory_space<vmem>>, vector<1x16xi32>,
    %swap3A_32 = vector.shape_cast %swap3A_31 : vector<1x16xi32> to vector<16xi32>
    %swap3A_33 = vector.shape_cast %shift_right_arithmetic3A_27 : vector<16xi32> to vector<1x16xi32>
    tpu.vector_store %arg7[%swap3A_29, %swap3A_30], %swap3A_33 {strides = array<i32>} : memref<2x128xi32, #tpu.memory_space<vmem>>, vector<1x16xi32>,
    %get3A_34 = arith.constant 0 : i32
    %get3A_35 = arith.index_cast %get3A_34 : i32 to index
    %get3A_36 = arith.constant 16 : index
    %get3A_37 = tpu.vector_load %arg5[%get3A_35, %get3A_36] {strides = array<i32>} : memref<79x128xi32, #tpu.memory_space<vmem>>, vector<1x16xi32>,
    %get3A_38 = vector.shape_cast %get3A_37 : vector<1x16xi32> to vector<16xi32>
    %and3A_39 = arith.constant 65535 : i32
    %and3A_40 = vector.broadcast %and3A_39 : i32 to vector<16xi32>
    %and3A_41 = arith.andi %get3A_38, %and3A_40 : vector<16xi32>
    %swap3A_42 = arith.constant 0 : i32
    %swap3A_43 = arith.index_cast %swap3A_42 : i32 to index
    %swap3A_44 = arith.constant 16 : index
    %swap3A_45 = tpu.vector_load %arg6[%swap3A_43, %swap3A_44] {strides = array<i32>} : memref<2x128xi32, #tpu.memory_space<vmem>>, vector<1x16xi32>,
    %swap3A_46 = vector.shape_cast %swap3A_45 : vector<1x16xi32> to vector<16xi32>
    %swap3A_47 = vector.shape_cast %and3A_41 : vector<16xi32> to vector<1x16xi32>
    tpu.vector_store %arg6[%swap3A_43, %swap3A_44], %swap3A_47 {strides = array<i32>} : memref<2x128xi32, #tpu.memory_space<vmem>>, vector<1x16xi32>,
    %shift_right_arithmetic3A_48 = arith.constant 16 : i32
    %shift_right_arithmetic3A_49 = vector.broadcast %shift_right_arithmetic3A_48 : i32 to vector<16xi32>
    %shift_right_arithmetic3A_50 = arith.shrsi %get3A_38, %shift_right_arithmetic3A_49 : vector<16xi32>
    %swap3A_51 = arith.constant 0 : i32
    %swap3A_52 = arith.index_cast %swap3A_51 : i32 to index
    %swap3A_53 = arith.constant 16 : index
    %swap3A_54 = tpu.vector_load %arg7[%swap3A_52, %swap3A_53] {strides = array<i32>} : memref<2x128xi32, #tpu.memory_space<vmem>>, vector<1x16xi32>,
    %swap3A_55 = vector.shape_cast %swap3A_54 : vector<1x16xi32> to vector<16xi32>
    %swap3A_56 = vector.shape_cast %shift_right_arithmetic3A_50 : vector<16xi32> to vector<1x16xi32>
    tpu.vector_store %arg7[%swap3A_52, %swap3A_53], %swap3A_56 {strides = array<i32>} : memref<2x128xi32, #tpu.memory_space<vmem>>, vector<1x16xi32>,
    %get3A_57 = arith.constant 0 : i32
    %get3A_58 = arith.index_cast %get3A_57 : i32 to index
    %get3A_59 = arith.constant 32 : index
    %get3A_60 = tpu.vector_load %arg5[%get3A_58, %get3A_59] {strides = array<i32>} : memref<79x128xi32, #tpu.memory_space<vmem>>, vector<1x16xi32>,
    %get3A_61 = vector.shape_cast %get3A_60 : vector<1x16xi32> to vector<16xi32>
    %and3A_62 = arith.constant 65535 : i32
    %and3A_63 = vector.broadcast %and3A_62 : i32 to vector<16xi32>
    %and3A_64 = arith.andi %get3A_61, %and3A_63 : vector<16xi32>
    %swap3A_65 = arith.constant 0 : i32
    %swap3A_66 = arith.index_cast %swap3A_65 : i32 to index
    %swap3A_67 = arith.constant 32 : index
    %swap3A_68 = tpu.vector_load %arg6[%swap3A_66, %swap3A_67] {strides = array<i32>} : memref<2x128xi32, #tpu.memory_space<vmem>>, vector<1x16xi32>,
    %swap3A_69 = vector.shape_cast %swap3A_68 : vector<1x16xi32> to vector<16xi32>
    %swap3A_70 = vector.shape_cast %and3A_64 : vector<16xi32> to vector<1x16xi32>
    tpu.vector_store %arg6[%swap3A_66, %swap3A_67], %swap3A_70 {strides = array<i32>} : memref<2x128xi32, #tpu.memory_space<vmem>>, vector<1x16xi32>,
    %shift_right_arithmetic3A_71 = arith.constant 16 : i32
    %shift_right_arithmetic3A_72 = vector.broadcast %shift_right_arithmetic3A_71 : i32 to vector<16xi32>
    %shift_right_arithmetic3A_73 = arith.shrsi %get3A_61, %shift_right_arithmetic3A_72 : vector<16xi32>
    %swap3A_74 = arith.constant 0 : i32
    %swap3A_75 = arith.index_cast %swap3A_74 : i32 to index
    %swap3A_76 = arith.constant 32 : index
    %swap3A_77 = tpu.vector_load %arg7[%swap3A_75, %swap3A_76] {strides = array<i32>} : memref<2x128xi32, #tpu.memory_space<vmem>>, vector<1x16xi32>,
    %swap3A_78 = vector.shape_cast %swap3A_77 : vector<1x16xi32> to vector<16xi32>
    %swap3A_79 = vector.shape_cast %shift_right_arithmetic3A_73 : vector<16xi32> to vector<1x16xi32>
    tpu.vector_store %arg7[%swap3A_75, %swap3A_76], %swap3A_79 {strides = array<i32>} : memref<2x128xi32, #tpu.memory_space<vmem>>, vector<1x16xi32>,
    %get3A_80 = arith.constant 0 : i32
    %get3A_81 = arith.index_cast %get3A_80 : i32 to index
    %get3A_82 = arith.constant 48 : index
    %get3A_83 = tpu.vector_load %arg5[%get3A_81, %get3A_82] {strides = array<i32>} : memref<79x128xi32, #tpu.memory_space<vmem>>, vector<1x16xi32>,
    %get3A_84 = vector.shape_cast %get3A_83 : vector<1x16xi32> to vector<16xi32>
    %and3A_85 = arith.constant 65535 : i32
    %and3A_86 = vector.broadcast %and3A_85 : i32 to vector<16xi32>
    %and3A_87 = arith.andi %get3A_84, %and3A_86 : vector<16xi32>
    %swap3A_88 = arith.constant 0 : i32
    %swap3A_89 = arith.index_cast %swap3A_88 : i32 to index
    %swap3A_90 = arith.constant 48 : index
    %swap3A_91 = tpu.vector_load %arg6[%swap3A_89, %swap3A_90] {strides = array<i32>} : memref<2x128xi32, #tpu.memory_space<vmem>>, vector<1x16xi32>,
    %swap3A_92 = vector.shape_cast %swap3A_91 : vector<1x16xi32> to vector<16xi32>
    %swap3A_93 = vector.shape_cast %and3A_87 : vector<16xi32> to vector<1x16xi32>
    tpu.vector_store %arg6[%swap3A_89, %swap3A_90], %swap3A_93 {strides = array<i32>} : memref<2x128xi32, #tpu.memory_space<vmem>>, vector<1x16xi32>,
    %shift_right_arithmetic3A_94 = arith.constant 16 : i32
    %shift_right_arithmetic3A_95 = vector.broadcast %shift_right_arithmetic3A_94 : i32 to vector<16xi32>
    %shift_right_arithmetic3A_96 = arith.shrsi %get3A_84, %shift_right_arithmetic3A_95 : vector<16xi32>
    %swap3A_97 = arith.constant 0 : i32
    %swap3A_98 = arith.index_cast %swap3A_97 : i32 to index
    %swap3A_99 = arith.constant 48 : index
    %swap3A_100 = tpu.vector_load %arg7[%swap3A_98, %swap3A_99] {strides = array<i32>} : memref<2x128xi32, #tpu.memory_space<vmem>>, vector<1x16xi32>,
    %swap3A_101 = vector.shape_cast %swap3A_100 : vector<1x16xi32> to vector<16xi32>
    %swap3A_102 = vector.shape_cast %shift_right_arithmetic3A_96 : vector<16xi32> to vector<1x16xi32>
    tpu.vector_store %arg7[%swap3A_98, %swap3A_99], %swap3A_102 {strides = array<i32>} : memref<2x128xi32, #tpu.memory_space<vmem>>, vector<1x16xi32>,
    %get3A_103 = arith.constant 0 : i32
    %get3A_104 = arith.index_cast %get3A_103 : i32 to index
    %get3A_105 = arith.constant 64 : index
    %get3A_106 = tpu.vector_load %arg5[%get3A_104, %get3A_105] {strides = array<i32>} : memref<79x128xi32, #tpu.memory_space<vmem>>, vector<1x16xi32>,
    %get3A_107 = vector.shape_cast %get3A_106 : vector<1x16xi32> to vector<16xi32>
    %and3A_108 = arith.constant 65535 : i32
    %and3A_109 = vector.broadcast %and3A_108 : i32 to vector<16xi32>
    %and3A_110 = arith.andi %get3A_107, %and3A_109 : vector<16xi32>
    %swap3A_111 = arith.constant 0 : i32
    %swap3A_112 = arith.index_cast %swap3A_111 : i32 to index
    %swap3A_113 = arith.constant 64 : index
    %swap3A_114 = tpu.vector_load %arg6[%swap3A_112, %swap3A_113] {strides = array<i32>} : memref<2x128xi32, #tpu.memory_space<vmem>>, vector<1x16xi32>,
    %swap3A_115 = vector.shape_cast %swap3A_114 : vector<1x16xi32> to vector<16xi32>
    %swap3A_116 = vector.shape_cast %and3A_110 : vector<16xi32> to vector<1x16xi32>
    tpu.vector_store %arg6[%swap3A_112, %swap3A_113], %swap3A_116 {strides = array<i32>} : memref<2x128xi32, #tpu.memory_space<vmem>>, vector<1x16xi32>,
    %shift_right_arithmetic3A_117 = arith.constant 16 : i32
    %shift_right_arithmetic3A_118 = vector.broadcast %shift_right_arithmetic3A_117 : i32 to vector<16xi32>
    %shift_right_arithmetic3A_119 = arith.shrsi %get3A_107, %shift_right_arithmetic3A_118 : vector<16xi32>
    %swap3A_120 = arith.constant 0 : i32
    %swap3A_121 = arith.index_cast %swap3A_120 : i32 to index
    %swap3A_122 = arith.constant 64 : index
    %swap3A_123 = tpu.vector_load %arg7[%swap3A_121, %swap3A_122] {strides = array<i32>} : memref<2x128xi32, #tpu.memory_space<vmem>>, vector<1x16xi32>,
    %swap3A_124 = vector.shape_cast %swap3A_123 : vector<1x16xi32> to vector<16xi32>
    %swap3A_125 = vector.shape_cast %shift_right_arithmetic3A_119 : vector<16xi32> to vector<1x16xi32>
    tpu.vector_store %arg7[%swap3A_121, %swap3A_122], %swap3A_125 {strides = array<i32>} : memref<2x128xi32, #tpu.memory_space<vmem>>, vector<1x16xi32>,
    %get3A_126 = arith.constant 0 : i32
    %get3A_127 = arith.index_cast %get3A_126 : i32 to index
    %get3A_128 = arith.constant 80 : index
    %get3A_129 = tpu.vector_load %arg5[%get3A_127, %get3A_128] {strides = array<i32>} : memref<79x128xi32, #tpu.memory_space<vmem>>, vector<1x16xi32>,
    %get3A_130 = vector.shape_cast %get3A_129 : vector<1x16xi32> to vector<16xi32>
    %and3A_131 = arith.constant 65535 : i32
    %and3A_132 = vector.broadcast %and3A_131 : i32 to vector<16xi32>
    %and3A_133 = arith.andi %get3A_130, %and3A_132 : vector<16xi32>
    %swap3A_134 = arith.constant 0 : i32
    %swap3A_135 = arith.index_cast %swap3A_134 : i32 to index
    %swap3A_136 = arith.constant 80 : index
    %swap3A_137 = tpu.vector_load %arg6[%swap3A_135, %swap3A_136] {strides = array<i32>} : memref<2x128xi32, #tpu.memory_space<vmem>>, vector<1x16xi32>,
    %swap3A_138 = vector.shape_cast %swap3A_137 : vector<1x16xi32> to vector<16xi32>
    %swap3A_139 = vector.shape_cast %and3A_133 : vector<16xi32> to vector<1x16xi32>
    tpu.vector_store %arg6[%swap3A_135, %swap3A_136], %swap3A_139 {strides = array<i32>} : memref<2x128xi32, #tpu.memory_space<vmem>>, vector<1x16xi32>,
    %shift_right_arithmetic3A_140 = arith.constant 16 : i32
    %shift_right_arithmetic3A_141 = vector.broadcast %shift_right_arithmetic3A_140 : i32 to vector<16xi32>
    %shift_right_arithmetic3A_142 = arith.shrsi %get3A_130, %shift_right_arithmetic3A_141 : vector<16xi32>
    %swap3A_143 = arith.constant 0 : i32
    %swap3A_144 = arith.index_cast %swap3A_143 : i32 to index
    %swap3A_145 = arith.constant 80 : index
    %swap3A_146 = tpu.vector_load %arg7[%swap3A_144, %swap3A_145] {strides = array<i32>} : memref<2x128xi32, #tpu.memory_space<vmem>>, vector<1x16xi32>,
    %swap3A_147 = vector.shape_cast %swap3A_146 : vector<1x16xi32> to vector<16xi32>
    %swap3A_148 = vector.shape_cast %shift_right_arithmetic3A_142 : vector<16xi32> to vector<1x16xi32>
    tpu.vector_store %arg7[%swap3A_144, %swap3A_145], %swap3A_148 {strides = array<i32>} : memref<2x128xi32, #tpu.memory_space<vmem>>, vector<1x16xi32>,
    %get3A_149 = arith.constant 0 : i32
    %get3A_150 = arith.index_cast %get3A_149 : i32 to index
    %get3A_151 = arith.constant 96 : index
    %get3A_152 = tpu.vector_load %arg5[%get3A_150, %get3A_151] {strides = array<i32>} : memref<79x128xi32, #tpu.memory_space<vmem>>, vector<1x16xi32>,
    %get3A_153 = vector.shape_cast %get3A_152 : vector<1x16xi32> to vector<16xi32>
    %and3A_154 = arith.constant 65535 : i32
    %and3A_155 = vector.broadcast %and3A_154 : i32 to vector<16xi32>
    %and3A_156 = arith.andi %get3A_153, %and3A_155 : vector<16xi32>
    %swap3A_157 = arith.constant 0 : i32
    %swap3A_158 = arith.index_cast %swap3A_157 : i32 to index
    %swap3A_159 = arith.constant 96 : index
    %swap3A_160 = tpu.vector_load %arg6[%swap3A_158, %swap3A_159] {strides = array<i32>} : memref<2x128xi32, #tpu.memory_space<vmem>>, vector<1x16xi32>,
    %swap3A_161 = vector.shape_cast %swap3A_160 : vector<1x16xi32> to vector<16xi32>
    %swap3A_162 = vector.shape_cast %and3A_156 : vector<16xi32> to vector<1x16xi32>
    tpu.vector_store %arg6[%swap3A_158, %swap3A_159], %swap3A_162 {strides = array<i32>} : memref<2x128xi32, #tpu.memory_space<vmem>>, vector<1x16xi32>,
    %shift_right_arithmetic3A_163 = arith.constant 16 : i32
    %shift_right_arithmetic3A_164 = vector.broadcast %shift_right_arithmetic3A_163 : i32 to vector<16xi32>
    %shift_right_arithmetic3A_165 = arith.shrsi %get3A_153, %shift_right_arithmetic3A_164 : vector<16xi32>
    %swap3A_166 = arith.constant 0 : i32
    %swap3A_167 = arith.index_cast %swap3A_166 : i32 to index
    %swap3A_168 = arith.constant 96 : index
    %swap3A_169 = tpu.vector_load %arg7[%swap3A_167, %swap3A_168] {strides = array<i32>} : memref<2x128xi32, #tpu.memory_space<vmem>>, vector<1x16xi32>,
    %swap3A_170 = vector.shape_cast %swap3A_169 : vector<1x16xi32> to vector<16xi32>
    %swap3A_171 = vector.shape_cast %shift_right_arithmetic3A_165 : vector<16xi32> to vector<1x16xi32>
    tpu.vector_store %arg7[%swap3A_167, %swap3A_168], %swap3A_171 {strides = array<i32>} : memref<2x128xi32, #tpu.memory_space<vmem>>, vector<1x16xi32>,
    %get3A_172 = arith.constant 0 : i32
    %get3A_173 = arith.index_cast %get3A_172 : i32 to index
    %get3A_174 = arith.constant 112 : index
    %get3A_175 = tpu.vector_load %arg5[%get3A_173, %get3A_174] {strides = array<i32>} : memref<79x128xi32, #tpu.memory_space<vmem>>, vector<1x16xi32>,
    %get3A_176 = vector.shape_cast %get3A_175 : vector<1x16xi32> to vector<16xi32>
    %and3A_177 = arith.constant 65535 : i32
    %and3A_178 = vector.broadcast %and3A_177 : i32 to vector<16xi32>
    %and3A_179 = arith.andi %get3A_176, %and3A_178 : vector<16xi32>
    %swap3A_180 = arith.constant 0 : i32
    %swap3A_181 = arith.index_cast %swap3A_180 : i32 to index
    %swap3A_182 = arith.constant 112 : index
    %swap3A_183 = tpu.vector_load %arg6[%swap3A_181, %swap3A_182] {strides = array<i32>} : memref<2x128xi32, #tpu.memory_space<vmem>>, vector<1x16xi32>,
    %swap3A_184 = vector.shape_cast %swap3A_183 : vector<1x16xi32> to vector<16xi32>
    %swap3A_185 = vector.shape_cast %and3A_179 : vector<16xi32> to vector<1x16xi32>
    tpu.vector_store %arg6[%swap3A_181, %swap3A_182], %swap3A_185 {strides = array<i32>} : memref<2x128xi32, #tpu.memory_space<vmem>>, vector<1x16xi32>,
    %shift_right_arithmetic3A_186 = arith.constant 16 : i32
    %shift_right_arithmetic3A_187 = vector.broadcast %shift_right_arithmetic3A_186 : i32 to vector<16xi32>
    %shift_right_arithmetic3A_188 = arith.shrsi %get3A_176, %shift_right_arithmetic3A_187 : vector<16xi32>
    %swap3A_189 = arith.constant 0 : i32
    %swap3A_190 = arith.index_cast %swap3A_189 : i32 to index
    %swap3A_191 = arith.constant 112 : index
    %swap3A_192 = tpu.vector_load %arg7[%swap3A_190, %swap3A_191] {strides = array<i32>} : memref<2x128xi32, #tpu.memory_space<vmem>>, vector<1x16xi32>,
    %swap3A_193 = vector.shape_cast %swap3A_192 : vector<1x16xi32> to vector<16xi32>
    %swap3A_194 = vector.shape_cast %shift_right_arithmetic3A_188 : vector<16xi32> to vector<1x16xi32>
    tpu.vector_store %arg7[%swap3A_190, %swap3A_191], %swap3A_194 {strides = array<i32>} : memref<2x128xi32, #tpu.memory_space<vmem>>, vector<1x16xi32>,
    %dma_start3A = arith.constant 0 : i32
    %dma_start3A_195 = arith.constant 0 : i32
    %dma_start3A_196 = tpu.memref_slice %arg6[%dma_start3A, %dma_start3A_195] : memref<2x128xi32, #tpu.memory_space<vmem>> -> memref<1x128xi32, #tpu.memory_space<vmem>>
    %dma_start3A_197 = tpu.memref_squeeze %dma_start3A_196 : memref<1x128xi32, #tpu.memory_space<vmem>> -> memref<128xi32, #tpu.memory_space<vmem>>
    %dma_start3A_198 = arith.constant 0 : i32
    %dma_start3A_199 = arith.constant 0 : i32
    %dma_start3A_200 = tpu.memref_slice %arg2[%dma_start3A_198, %dma_start3A_199] : memref<10000x128xf32, #tpu.memory_space<hbm>> -> memref<10000x128xf32, #tpu.memory_space<hbm>>
    tpu.enqueue_indirect_dma source(%dma_start3A_200 : memref<10000x128xf32, #tpu.memory_space<hbm>>) target(%arg8 : memref<128x128xf32, #tpu.memory_space<vmem>>) offsets(%dma_start3A_197 : memref<128xi32, #tpu.memory_space<vmem>>) semaphore(%arg11 : memref<!tpu.dma_semaphore, #tpu.memory_space<semaphore_mem>>)
    %scan3A_201 = arith.constant 0 : i32
    %scan3A_202 = arith.constant 0 : i32
    %scan3A_203 = arith.constant 39 : i32
    %scan3A_204 = arith.addi %scan3A_202, %scan3A_203 : i32
    %scan3A_205 = arith.constant 1 : i32
    %scan3A_206 = scf.for %scan3A_226 = %scan3A_202 to %scan3A_204 step %scan3A_205 iter_args(%scan3A_227 = %scan3A_201) -> (i32)  : i32 {
      %mul3A_228 = arith.constant 2 : i32
      %mul3A_229 = arith.muli %scan3A_226, %mul3A_228 : i32
      %gt3A = arith.constant 0 : i32
      %gt3A_230 = arith.cmpi sgt, %scan3A_226, %gt3A : i32
      %convert_element_type3A = arith.extui %gt3A_230 : i1 to i32
      %cond3A = arith.constant 0 : i32
      %cond3A_231 = arith.cmpi ne, %convert_element_type3A, %cond3A : i32
      scf.if %cond3A_231 {
        %dma_wait3A_638 = arith.constant 1 : i32
        %dma_wait3A_639 = arith.constant 0 : i32
        %dma_wait3A_640 = tpu.memref_slice %arg7[%dma_wait3A_638, %dma_wait3A_639] : memref<2x128xi32, #tpu.memory_space<vmem>> -> memref<1x128xi32, #tpu.memory_space<vmem>>
        %dma_wait3A_641 = tpu.memref_squeeze %dma_wait3A_640 : memref<1x128xi32, #tpu.memory_space<vmem>> -> memref<128xi32, #tpu.memory_space<vmem>>
        %dma_wait3A_642 = arith.constant 0 : i32
        %dma_wait3A_643 = arith.constant 0 : i32
        %dma_wait3A_644 = tpu.memref_slice %arg10[%dma_wait3A_642, %dma_wait3A_643] : memref<10240x128xf32, #tpu.memory_space<vmem_shared>> -> memref<10240x128xf32, #tpu.memory_space<vmem_shared>>
        tpu.wait_indirect_dma semaphore(%arg14 : memref<!tpu.dma_semaphore, #tpu.memory_space<semaphore_mem>>) src(%arg9 : memref<128x128xf32, #tpu.memory_space<vmem>>) dst(%dma_wait3A_644 : memref<10240x128xf32, #tpu.memory_space<vmem_shared>>)
      } else {
      }
      %add3A_232 = arith.constant 1 : i32
      %add3A_233 = arith.addi %mul3A_229, %add3A_232 : i32
      %get3A_234 = arith.index_cast %add3A_233 : i32 to index
      %get3A_235 = arith.constant 0 : index
      %get3A_236 = tpu.vector_load %arg5[%get3A_234, %get3A_235] {strides = array<i32>} : memref<79x128xi32, #tpu.memory_space<vmem>>, vector<1x16xi32>,
      %get3A_237 = vector.shape_cast %get3A_236 : vector<1x16xi32> to vector<16xi32>
      %and3A_238 = arith.constant 65535 : i32
      %and3A_239 = vector.broadcast %and3A_238 : i32 to vector<16xi32>
      %and3A_240 = arith.andi %get3A_237, %and3A_239 : vector<16xi32>
      %swap3A_241 = arith.constant 1 : i32
      %swap3A_242 = arith.index_cast %swap3A_241 : i32 to index
      %swap3A_243 = arith.constant 0 : index
      %swap3A_244 = tpu.vector_load %arg6[%swap3A_242, %swap3A_243] {strides = array<i32>} : memref<2x128xi32, #tpu.memory_space<vmem>>, vector<1x16xi32>,
      %swap3A_245 = vector.shape_cast %swap3A_244 : vector<1x16xi32> to vector<16xi32>
      %swap3A_246 = vector.shape_cast %and3A_240 : vector<16xi32> to vector<1x16xi32>
      tpu.vector_store %arg6[%swap3A_242, %swap3A_243], %swap3A_246 {strides = array<i32>} : memref<2x128xi32, #tpu.memory_space<vmem>>, vector<1x16xi32>,
      %shift_right_arithmetic3A_247 = arith.constant 16 : i32
      %shift_right_arithmetic3A_248 = vector.broadcast %shift_right_arithmetic3A_247 : i32 to vector<16xi32>
      %shift_right_arithmetic3A_249 = arith.shrsi %get3A_237, %shift_right_arithmetic3A_248 : vector<16xi32>
      %swap3A_250 = arith.constant 1 : i32
      %swap3A_251 = arith.index_cast %swap3A_250 : i32 to index
      %swap3A_252 = arith.constant 0 : index
      %swap3A_253 = tpu.vector_load %arg7[%swap3A_251, %swap3A_252] {strides = array<i32>} : memref<2x128xi32, #tpu.memory_space<vmem>>, vector<1x16xi32>,
      %swap3A_254 = vector.shape_cast %swap3A_253 : vector<1x16xi32> to vector<16xi32>
      %swap3A_255 = vector.shape_cast %shift_right_arithmetic3A_249 : vector<16xi32> to vector<1x16xi32>
      tpu.vector_store %arg7[%swap3A_251, %swap3A_252], %swap3A_255 {strides = array<i32>} : memref<2x128xi32, #tpu.memory_space<vmem>>, vector<1x16xi32>,
      %get3A_256 = arith.index_cast %add3A_233 : i32 to index
      %get3A_257 = arith.constant 16 : index
      %get3A_258 = tpu.vector_load %arg5[%get3A_256, %get3A_257] {strides = array<i32>} : memref<79x128xi32, #tpu.memory_space<vmem>>, vector<1x16xi32>,
      %get3A_259 = vector.shape_cast %get3A_258 : vector<1x16xi32> to vector<16xi32>
      %and3A_260 = arith.constant 65535 : i32
      %and3A_261 = vector.broadcast %and3A_260 : i32 to vector<16xi32>
      %and3A_262 = arith.andi %get3A_259, %and3A_261 : vector<16xi32>
      %swap3A_263 = arith.constant 1 : i32
      %swap3A_264 = arith.index_cast %swap3A_263 : i32 to index
      %swap3A_265 = arith.constant 16 : index
      %swap3A_266 = tpu.vector_load %arg6[%swap3A_264, %swap3A_265] {strides = array<i32>} : memref<2x128xi32, #tpu.memory_space<vmem>>, vector<1x16xi32>,
      %swap3A_267 = vector.shape_cast %swap3A_266 : vector<1x16xi32> to vector<16xi32>
      %swap3A_268 = vector.shape_cast %and3A_262 : vector<16xi32> to vector<1x16xi32>
      tpu.vector_store %arg6[%swap3A_264, %swap3A_265], %swap3A_268 {strides = array<i32>} : memref<2x128xi32, #tpu.memory_space<vmem>>, vector<1x16xi32>,
      %shift_right_arithmetic3A_269 = arith.constant 16 : i32
      %shift_right_arithmetic3A_270 = vector.broadcast %shift_right_arithmetic3A_269 : i32 to vector<16xi32>
      %shift_right_arithmetic3A_271 = arith.shrsi %get3A_259, %shift_right_arithmetic3A_270 : vector<16xi32>
      %swap3A_272 = arith.constant 1 : i32
      %swap3A_273 = arith.index_cast %swap3A_272 : i32 to index
      %swap3A_274 = arith.constant 16 : index
      %swap3A_275 = tpu.vector_load %arg7[%swap3A_273, %swap3A_274] {strides = array<i32>} : memref<2x128xi32, #tpu.memory_space<vmem>>, vector<1x16xi32>,
      %swap3A_276 = vector.shape_cast %swap3A_275 : vector<1x16xi32> to vector<16xi32>
      %swap3A_277 = vector.shape_cast %shift_right_arithmetic3A_271 : vector<16xi32> to vector<1x16xi32>
      tpu.vector_store %arg7[%swap3A_273, %swap3A_274], %swap3A_277 {strides = array<i32>} : memref<2x128xi32, #tpu.memory_space<vmem>>, vector<1x16xi32>,
      %get3A_278 = arith.index_cast %add3A_233 : i32 to index
      %get3A_279 = arith.constant 32 : index
      %get3A_280 = tpu.vector_load %arg5[%get3A_278, %get3A_279] {strides = array<i32>} : memref<79x128xi32, #tpu.memory_space<vmem>>, vector<1x16xi32>,
      %get3A_281 = vector.shape_cast %get3A_280 : vector<1x16xi32> to vector<16xi32>
      %and3A_282 = arith.constant 65535 : i32
      %and3A_283 = vector.broadcast %and3A_282 : i32 to vector<16xi32>
      %and3A_284 = arith.andi %get3A_281, %and3A_283 : vector<16xi32>
      %swap3A_285 = arith.constant 1 : i32
      %swap3A_286 = arith.index_cast %swap3A_285 : i32 to index
      %swap3A_287 = arith.constant 32 : index
      %swap3A_288 = tpu.vector_load %arg6[%swap3A_286, %swap3A_287] {strides = array<i32>} : memref<2x128xi32, #tpu.memory_space<vmem>>, vector<1x16xi32>,
      %swap3A_289 = vector.shape_cast %swap3A_288 : vector<1x16xi32> to vector<16xi32>
      %swap3A_290 = vector.shape_cast %and3A_284 : vector<16xi32> to vector<1x16xi32>
      tpu.vector_store %arg6[%swap3A_286, %swap3A_287], %swap3A_290 {strides = array<i32>} : memref<2x128xi32, #tpu.memory_space<vmem>>, vector<1x16xi32>,
      %shift_right_arithmetic3A_291 = arith.constant 16 : i32
      %shift_right_arithmetic3A_292 = vector.broadcast %shift_right_arithmetic3A_291 : i32 to vector<16xi32>
      %shift_right_arithmetic3A_293 = arith.shrsi %get3A_281, %shift_right_arithmetic3A_292 : vector<16xi32>
      %swap3A_294 = arith.constant 1 : i32
      %swap3A_295 = arith.index_cast %swap3A_294 : i32 to index
      %swap3A_296 = arith.constant 32 : index
      %swap3A_297 = tpu.vector_load %arg7[%swap3A_295, %swap3A_296] {strides = array<i32>} : memref<2x128xi32, #tpu.memory_space<vmem>>, vector<1x16xi32>,
      %swap3A_298 = vector.shape_cast %swap3A_297 : vector<1x16xi32> to vector<16xi32>
      %swap3A_299 = vector.shape_cast %shift_right_arithmetic3A_293 : vector<16xi32> to vector<1x16xi32>
      tpu.vector_store %arg7[%swap3A_295, %swap3A_296], %swap3A_299 {strides = array<i32>} : memref<2x128xi32, #tpu.memory_space<vmem>>, vector<1x16xi32>,
      %get3A_300 = arith.index_cast %add3A_233 : i32 to index
      %get3A_301 = arith.constant 48 : index
      %get3A_302 = tpu.vector_load %arg5[%get3A_300, %get3A_301] {strides = array<i32>} : memref<79x128xi32, #tpu.memory_space<vmem>>, vector<1x16xi32>,
      %get3A_303 = vector.shape_cast %get3A_302 : vector<1x16xi32> to vector<16xi32>
      %and3A_304 = arith.constant 65535 : i32
      %and3A_305 = vector.broadcast %and3A_304 : i32 to vector<16xi32>
      %and3A_306 = arith.andi %get3A_303, %and3A_305 : vector<16xi32>
      %swap3A_307 = arith.constant 1 : i32
      %swap3A_308 = arith.index_cast %swap3A_307 : i32 to index
      %swap3A_309 = arith.constant 48 : index
      %swap3A_310 = tpu.vector_load %arg6[%swap3A_308, %swap3A_309] {strides = array<i32>} : memref<2x128xi32, #tpu.memory_space<vmem>>, vector<1x16xi32>,
      %swap3A_311 = vector.shape_cast %swap3A_310 : vector<1x16xi32> to vector<16xi32>
      %swap3A_312 = vector.shape_cast %and3A_306 : vector<16xi32> to vector<1x16xi32>
      tpu.vector_store %arg6[%swap3A_308, %swap3A_309], %swap3A_312 {strides = array<i32>} : memref<2x128xi32, #tpu.memory_space<vmem>>, vector<1x16xi32>,
      %shift_right_arithmetic3A_313 = arith.constant 16 : i32
      %shift_right_arithmetic3A_314 = vector.broadcast %shift_right_arithmetic3A_313 : i32 to vector<16xi32>
      %shift_right_arithmetic3A_315 = arith.shrsi %get3A_303, %shift_right_arithmetic3A_314 : vector<16xi32>
      %swap3A_316 = arith.constant 1 : i32
      %swap3A_317 = arith.index_cast %swap3A_316 : i32 to index
      %swap3A_318 = arith.constant 48 : index
      %swap3A_319 = tpu.vector_load %arg7[%swap3A_317, %swap3A_318] {strides = array<i32>} : memref<2x128xi32, #tpu.memory_space<vmem>>, vector<1x16xi32>,
      %swap3A_320 = vector.shape_cast %swap3A_319 : vector<1x16xi32> to vector<16xi32>
      %swap3A_321 = vector.shape_cast %shift_right_arithmetic3A_315 : vector<16xi32> to vector<1x16xi32>
      tpu.vector_store %arg7[%swap3A_317, %swap3A_318], %swap3A_321 {strides = array<i32>} : memref<2x128xi32, #tpu.memory_space<vmem>>, vector<1x16xi32>,
      %get3A_322 = arith.index_cast %add3A_233 : i32 to index
      %get3A_323 = arith.constant 64 : index
      %get3A_324 = tpu.vector_load %arg5[%get3A_322, %get3A_323] {strides = array<i32>} : memref<79x128xi32, #tpu.memory_space<vmem>>, vector<1x16xi32>,
      %get3A_325 = vector.shape_cast %get3A_324 : vector<1x16xi32> to vector<16xi32>
      %and3A_326 = arith.constant 65535 : i32
      %and3A_327 = vector.broadcast %and3A_326 : i32 to vector<16xi32>
      %and3A_328 = arith.andi %get3A_325, %and3A_327 : vector<16xi32>
      %swap3A_329 = arith.constant 1 : i32
      %swap3A_330 = arith.index_cast %swap3A_329 : i32 to index
      %swap3A_331 = arith.constant 64 : index
      %swap3A_332 = tpu.vector_load %arg6[%swap3A_330, %swap3A_331] {strides = array<i32>} : memref<2x128xi32, #tpu.memory_space<vmem>>, vector<1x16xi32>,
      %swap3A_333 = vector.shape_cast %swap3A_332 : vector<1x16xi32> to vector<16xi32>
      %swap3A_334 = vector.shape_cast %and3A_328 : vector<16xi32> to vector<1x16xi32>
      tpu.vector_store %arg6[%swap3A_330, %swap3A_331], %swap3A_334 {strides = array<i32>} : memref<2x128xi32, #tpu.memory_space<vmem>>, vector<1x16xi32>,
      %shift_right_arithmetic3A_335 = arith.constant 16 : i32
      %shift_right_arithmetic3A_336 = vector.broadcast %shift_right_arithmetic3A_335 : i32 to vector<16xi32>
      %shift_right_arithmetic3A_337 = arith.shrsi %get3A_325, %shift_right_arithmetic3A_336 : vector<16xi32>
      %swap3A_338 = arith.constant 1 : i32
      %swap3A_339 = arith.index_cast %swap3A_338 : i32 to index
      %swap3A_340 = arith.constant 64 : index
      %swap3A_341 = tpu.vector_load %arg7[%swap3A_339, %swap3A_340] {strides = array<i32>} : memref<2x128xi32, #tpu.memory_space<vmem>>, vector<1x16xi32>,
      %swap3A_342 = vector.shape_cast %swap3A_341 : vector<1x16xi32> to vector<16xi32>
      %swap3A_343 = vector.shape_cast %shift_right_arithmetic3A_337 : vector<16xi32> to vector<1x16xi32>
      tpu.vector_store %arg7[%swap3A_339, %swap3A_340], %swap3A_343 {strides = array<i32>} : memref<2x128xi32, #tpu.memory_space<vmem>>, vector<1x16xi32>,
      %get3A_344 = arith.index_cast %add3A_233 : i32 to index
      %get3A_345 = arith.constant 80 : index
      %get3A_346 = tpu.vector_load %arg5[%get3A_344, %get3A_345] {strides = array<i32>} : memref<79x128xi32, #tpu.memory_space<vmem>>, vector<1x16xi32>,
      %get3A_347 = vector.shape_cast %get3A_346 : vector<1x16xi32> to vector<16xi32>
      %and3A_348 = arith.constant 65535 : i32
      %and3A_349 = vector.broadcast %and3A_348 : i32 to vector<16xi32>
      %and3A_350 = arith.andi %get3A_347, %and3A_349 : vector<16xi32>
      %swap3A_351 = arith.constant 1 : i32
      %swap3A_352 = arith.index_cast %swap3A_351 : i32 to index
      %swap3A_353 = arith.constant 80 : index
      %swap3A_354 = tpu.vector_load %arg6[%swap3A_352, %swap3A_353] {strides = array<i32>} : memref<2x128xi32, #tpu.memory_space<vmem>>, vector<1x16xi32>,
      %swap3A_355 = vector.shape_cast %swap3A_354 : vector<1x16xi32> to vector<16xi32>
      %swap3A_356 = vector.shape_cast %and3A_350 : vector<16xi32> to vector<1x16xi32>
      tpu.vector_store %arg6[%swap3A_352, %swap3A_353], %swap3A_356 {strides = array<i32>} : memref<2x128xi32, #tpu.memory_space<vmem>>, vector<1x16xi32>,
      %shift_right_arithmetic3A_357 = arith.constant 16 : i32
      %shift_right_arithmetic3A_358 = vector.broadcast %shift_right_arithmetic3A_357 : i32 to vector<16xi32>
      %shift_right_arithmetic3A_359 = arith.shrsi %get3A_347, %shift_right_arithmetic3A_358 : vector<16xi32>
      %swap3A_360 = arith.constant 1 : i32
      %swap3A_361 = arith.index_cast %swap3A_360 : i32 to index
      %swap3A_362 = arith.constant 80 : index
      %swap3A_363 = tpu.vector_load %arg7[%swap3A_361, %swap3A_362] {strides = array<i32>} : memref<2x128xi32, #tpu.memory_space<vmem>>, vector<1x16xi32>,
      %swap3A_364 = vector.shape_cast %swap3A_363 : vector<1x16xi32> to vector<16xi32>
      %swap3A_365 = vector.shape_cast %shift_right_arithmetic3A_359 : vector<16xi32> to vector<1x16xi32>
      tpu.vector_store %arg7[%swap3A_361, %swap3A_362], %swap3A_365 {strides = array<i32>} : memref<2x128xi32, #tpu.memory_space<vmem>>, vector<1x16xi32>,
      %get3A_366 = arith.index_cast %add3A_233 : i32 to index
      %get3A_367 = arith.constant 96 : index
      %get3A_368 = tpu.vector_load %arg5[%get3A_366, %get3A_367] {strides = array<i32>} : memref<79x128xi32, #tpu.memory_space<vmem>>, vector<1x16xi32>,
      %get3A_369 = vector.shape_cast %get3A_368 : vector<1x16xi32> to vector<16xi32>
      %and3A_370 = arith.constant 65535 : i32
      %and3A_371 = vector.broadcast %and3A_370 : i32 to vector<16xi32>
      %and3A_372 = arith.andi %get3A_369, %and3A_371 : vector<16xi32>
      %swap3A_373 = arith.constant 1 : i32
      %swap3A_374 = arith.index_cast %swap3A_373 : i32 to index
      %swap3A_375 = arith.constant 96 : index
      %swap3A_376 = tpu.vector_load %arg6[%swap3A_374, %swap3A_375] {strides = array<i32>} : memref<2x128xi32, #tpu.memory_space<vmem>>, vector<1x16xi32>,
      %swap3A_377 = vector.shape_cast %swap3A_376 : vector<1x16xi32> to vector<16xi32>
      %swap3A_378 = vector.shape_cast %and3A_372 : vector<16xi32> to vector<1x16xi32>
      tpu.vector_store %arg6[%swap3A_374, %swap3A_375], %swap3A_378 {strides = array<i32>} : memref<2x128xi32, #tpu.memory_space<vmem>>, vector<1x16xi32>,
      %shift_right_arithmetic3A_379 = arith.constant 16 : i32
      %shift_right_arithmetic3A_380 = vector.broadcast %shift_right_arithmetic3A_379 : i32 to vector<16xi32>
      %shift_right_arithmetic3A_381 = arith.shrsi %get3A_369, %shift_right_arithmetic3A_380 : vector<16xi32>
      %swap3A_382 = arith.constant 1 : i32
      %swap3A_383 = arith.index_cast %swap3A_382 : i32 to index
      %swap3A_384 = arith.constant 96 : index
      %swap3A_385 = tpu.vector_load %arg7[%swap3A_383, %swap3A_384] {strides = array<i32>} : memref<2x128xi32, #tpu.memory_space<vmem>>, vector<1x16xi32>,
      %swap3A_386 = vector.shape_cast %swap3A_385 : vector<1x16xi32> to vector<16xi32>
      %swap3A_387 = vector.shape_cast %shift_right_arithmetic3A_381 : vector<16xi32> to vector<1x16xi32>
      tpu.vector_store %arg7[%swap3A_383, %swap3A_384], %swap3A_387 {strides = array<i32>} : memref<2x128xi32, #tpu.memory_space<vmem>>, vector<1x16xi32>,
      %get3A_388 = arith.index_cast %add3A_233 : i32 to index
      %get3A_389 = arith.constant 112 : index
      %get3A_390 = tpu.vector_load %arg5[%get3A_388, %get3A_389] {strides = array<i32>} : memref<79x128xi32, #tpu.memory_space<vmem>>, vector<1x16xi32>,
      %get3A_391 = vector.shape_cast %get3A_390 : vector<1x16xi32> to vector<16xi32>
      %and3A_392 = arith.constant 65535 : i32
      %and3A_393 = vector.broadcast %and3A_392 : i32 to vector<16xi32>
      %and3A_394 = arith.andi %get3A_391, %and3A_393 : vector<16xi32>
      %swap3A_395 = arith.constant 1 : i32
      %swap3A_396 = arith.index_cast %swap3A_395 : i32 to index
      %swap3A_397 = arith.constant 112 : index
      %swap3A_398 = tpu.vector_load %arg6[%swap3A_396, %swap3A_397] {strides = array<i32>} : memref<2x128xi32, #tpu.memory_space<vmem>>, vector<1x16xi32>,
      %swap3A_399 = vector.shape_cast %swap3A_398 : vector<1x16xi32> to vector<16xi32>
      %swap3A_400 = vector.shape_cast %and3A_394 : vector<16xi32> to vector<1x16xi32>
      tpu.vector_store %arg6[%swap3A_396, %swap3A_397], %swap3A_400 {strides = array<i32>} : memref<2x128xi32, #tpu.memory_space<vmem>>, vector<1x16xi32>,
      %shift_right_arithmetic3A_401 = arith.constant 16 : i32
      %shift_right_arithmetic3A_402 = vector.broadcast %shift_right_arithmetic3A_401 : i32 to vector<16xi32>
      %shift_right_arithmetic3A_403 = arith.shrsi %get3A_391, %shift_right_arithmetic3A_402 : vector<16xi32>
      %swap3A_404 = arith.constant 1 : i32
      %swap3A_405 = arith.index_cast %swap3A_404 : i32 to index
      %swap3A_406 = arith.constant 112 : index
      %swap3A_407 = tpu.vector_load %arg7[%swap3A_405, %swap3A_406] {strides = array<i32>} : memref<2x128xi32, #tpu.memory_space<vmem>>, vector<1x16xi32>,
      %swap3A_408 = vector.shape_cast %swap3A_407 : vector<1x16xi32> to vector<16xi32>
      %swap3A_409 = vector.shape_cast %shift_right_arithmetic3A_403 : vector<16xi32> to vector<1x16xi32>
      tpu.vector_store %arg7[%swap3A_405, %swap3A_406], %swap3A_409 {strides = array<i32>} : memref<2x128xi32, #tpu.memory_space<vmem>>, vector<1x16xi32>,
      %dma_wait3A_410 = arith.constant 0 : i32
      %dma_wait3A_411 = arith.constant 0 : i32
      %dma_wait3A_412 = tpu.memref_slice %arg6[%dma_wait3A_410, %dma_wait3A_411] : memref<2x128xi32, #tpu.memory_space<vmem>> -> memref<1x128xi32, #tpu.memory_space<vmem>>
      %dma_wait3A_413 = tpu.memref_squeeze %dma_wait3A_412 : memref<1x128xi32, #tpu.memory_space<vmem>> -> memref<128xi32, #tpu.memory_space<vmem>>
      %dma_wait3A_414 = arith.constant 0 : i32
      %dma_wait3A_415 = arith.constant 0 : i32
      %dma_wait3A_416 = tpu.memref_slice %arg2[%dma_wait3A_414, %dma_wait3A_415] : memref<10000x128xf32, #tpu.memory_space<hbm>> -> memref<10000x128xf32, #tpu.memory_space<hbm>>
      tpu.wait_indirect_dma semaphore(%arg11 : memref<!tpu.dma_semaphore, #tpu.memory_space<semaphore_mem>>) src(%dma_wait3A_416 : memref<10000x128xf32, #tpu.memory_space<hbm>>) dst(%arg8 : memref<128x128xf32, #tpu.memory_space<vmem>>)
      %dma_start3A_417 = arith.constant 1 : i32
      %dma_start3A_418 = arith.constant 0 : i32
      %dma_start3A_419 = tpu.memref_slice %arg6[%dma_start3A_417, %dma_start3A_418] : memref<2x128xi32, #tpu.memory_space<vmem>> -> memref<1x128xi32, #tpu.memory_space<vmem>>
      %dma_start3A_420 = tpu.memref_squeeze %dma_start3A_419 : memref<1x128xi32, #tpu.memory_space<vmem>> -> memref<128xi32, #tpu.memory_space<vmem>>
      %dma_start3A_421 = arith.constant 0 : i32
      %dma_start3A_422 = arith.constant 0 : i32
      %dma_start3A_423 = tpu.memref_slice %arg2[%dma_start3A_421, %dma_start3A_422] : memref<10000x128xf32, #tpu.memory_space<hbm>> -> memref<10000x128xf32, #tpu.memory_space<hbm>>
      tpu.enqueue_indirect_dma source(%dma_start3A_423 : memref<10000x128xf32, #tpu.memory_space<hbm>>) target(%arg9 : memref<128x128xf32, #tpu.memory_space<vmem>>) offsets(%dma_start3A_420 : memref<128xi32, #tpu.memory_space<vmem>>) semaphore(%arg12 : memref<!tpu.dma_semaphore, #tpu.memory_space<semaphore_mem>>)
      %dma_start3A_424 = arith.constant 0 : i32
      %dma_start3A_425 = arith.constant 0 : i32
      %dma_start3A_426 = tpu.memref_slice %arg7[%dma_start3A_424, %dma_start3A_425] : memref<2x128xi32, #tpu.memory_space<vmem>> -> memref<1x128xi32, #tpu.memory_space<vmem>>
      %dma_start3A_427 = tpu.memref_squeeze %dma_start3A_426 : memref<1x128xi32, #tpu.memory_space<vmem>> -> memref<128xi32, #tpu.memory_space<vmem>>
      %dma_start3A_428 = arith.constant 0 : i32
      %dma_start3A_429 = arith.constant 0 : i32
      %dma_start3A_430 = tpu.memref_slice %arg10[%dma_start3A_428, %dma_start3A_429] : memref<10240x128xf32, #tpu.memory_space<vmem_shared>> -> memref<10240x128xf32, #tpu.memory_space<vmem_shared>>
      tpu.enqueue_indirect_dma source(%arg8 : memref<128x128xf32, #tpu.memory_space<vmem>>) target(%dma_start3A_430 : memref<10240x128xf32, #tpu.memory_space<vmem_shared>>) offsets(%dma_start3A_427 : memref<128xi32, #tpu.memory_space<vmem>>) semaphore(%arg13 : memref<!tpu.dma_semaphore, #tpu.memory_space<semaphore_mem>>) {add = true}
      %dma_wait3A_431 = arith.constant 0 : i32
      %dma_wait3A_432 = arith.constant 0 : i32
      %dma_wait3A_433 = tpu.memref_slice %arg7[%dma_wait3A_431, %dma_wait3A_432] : memref<2x128xi32, #tpu.memory_space<vmem>> -> memref<1x128xi32, #tpu.memory_space<vmem>>
      %dma_wait3A_434 = tpu.memref_squeeze %dma_wait3A_433 : memref<1x128xi32, #tpu.memory_space<vmem>> -> memref<128xi32, #tpu.memory_space<vmem>>
      %dma_wait3A_435 = arith.constant 0 : i32
      %dma_wait3A_436 = arith.constant 0 : i32
      %dma_wait3A_437 = tpu.memref_slice %arg10[%dma_wait3A_435, %dma_wait3A_436] : memref<10240x128xf32, #tpu.memory_space<vmem_shared>> -> memref<10240x128xf32, #tpu.memory_space<vmem_shared>>
      tpu.wait_indirect_dma semaphore(%arg13 : memref<!tpu.dma_semaphore, #tpu.memory_space<semaphore_mem>>) src(%arg8 : memref<128x128xf32, #tpu.memory_space<vmem>>) dst(%dma_wait3A_437 : memref<10240x128xf32, #tpu.memory_space<vmem_shared>>)
      %add3A_438 = arith.constant 2 : i32
      %add3A_439 = arith.addi %mul3A_229, %add3A_438 : i32
      %get3A_440 = arith.index_cast %add3A_439 : i32 to index
      %get3A_441 = arith.constant 0 : index
      %get3A_442 = tpu.vector_load %arg5[%get3A_440, %get3A_441] {strides = array<i32>} : memref<79x128xi32, #tpu.memory_space<vmem>>, vector<1x16xi32>,
      %get3A_443 = vector.shape_cast %get3A_442 : vector<1x16xi32> to vector<16xi32>
      %and3A_444 = arith.constant 65535 : i32
      %and3A_445 = vector.broadcast %and3A_444 : i32 to vector<16xi32>
      %and3A_446 = arith.andi %get3A_443, %and3A_445 : vector<16xi32>
      %swap3A_447 = arith.constant 0 : i32
      %swap3A_448 = arith.index_cast %swap3A_447 : i32 to index
      %swap3A_449 = arith.constant 0 : index
      %swap3A_450 = tpu.vector_load %arg6[%swap3A_448, %swap3A_449] {strides = array<i32>} : memref<2x128xi32, #tpu.memory_space<vmem>>, vector<1x16xi32>,
      %swap3A_451 = vector.shape_cast %swap3A_450 : vector<1x16xi32> to vector<16xi32>
      %swap3A_452 = vector.shape_cast %and3A_446 : vector<16xi32> to vector<1x16xi32>
      tpu.vector_store %arg6[%swap3A_448, %swap3A_449], %swap3A_452 {strides = array<i32>} : memref<2x128xi32, #tpu.memory_space<vmem>>, vector<1x16xi32>,
      %shift_right_arithmetic3A_453 = arith.constant 16 : i32
      %shift_right_arithmetic3A_454 = vector.broadcast %shift_right_arithmetic3A_453 : i32 to vector<16xi32>
      %shift_right_arithmetic3A_455 = arith.shrsi %get3A_443, %shift_right_arithmetic3A_454 : vector<16xi32>
      %swap3A_456 = arith.constant 0 : i32
      %swap3A_457 = arith.index_cast %swap3A_456 : i32 to index
      %swap3A_458 = arith.constant 0 : index
      %swap3A_459 = tpu.vector_load %arg7[%swap3A_457, %swap3A_458] {strides = array<i32>} : memref<2x128xi32, #tpu.memory_space<vmem>>, vector<1x16xi32>,
      %swap3A_460 = vector.shape_cast %swap3A_459 : vector<1x16xi32> to vector<16xi32>
      %swap3A_461 = vector.shape_cast %shift_right_arithmetic3A_455 : vector<16xi32> to vector<1x16xi32>
      tpu.vector_store %arg7[%swap3A_457, %swap3A_458], %swap3A_461 {strides = array<i32>} : memref<2x128xi32, #tpu.memory_space<vmem>>, vector<1x16xi32>,
      %get3A_462 = arith.index_cast %add3A_439 : i32 to index
      %get3A_463 = arith.constant 16 : index
      %get3A_464 = tpu.vector_load %arg5[%get3A_462, %get3A_463] {strides = array<i32>} : memref<79x128xi32, #tpu.memory_space<vmem>>, vector<1x16xi32>,
      %get3A_465 = vector.shape_cast %get3A_464 : vector<1x16xi32> to vector<16xi32>
      %and3A_466 = arith.constant 65535 : i32
      %and3A_467 = vector.broadcast %and3A_466 : i32 to vector<16xi32>
      %and3A_468 = arith.andi %get3A_465, %and3A_467 : vector<16xi32>
      %swap3A_469 = arith.constant 0 : i32
      %swap3A_470 = arith.index_cast %swap3A_469 : i32 to index
      %swap3A_471 = arith.constant 16 : index
      %swap3A_472 = tpu.vector_load %arg6[%swap3A_470, %swap3A_471] {strides = array<i32>} : memref<2x128xi32, #tpu.memory_space<vmem>>, vector<1x16xi32>,
      %swap3A_473 = vector.shape_cast %swap3A_472 : vector<1x16xi32> to vector<16xi32>
      %swap3A_474 = vector.shape_cast %and3A_468 : vector<16xi32> to vector<1x16xi32>
      tpu.vector_store %arg6[%swap3A_470, %swap3A_471], %swap3A_474 {strides = array<i32>} : memref<2x128xi32, #tpu.memory_space<vmem>>, vector<1x16xi32>,
      %shift_right_arithmetic3A_475 = arith.constant 16 : i32
      %shift_right_arithmetic3A_476 = vector.broadcast %shift_right_arithmetic3A_475 : i32 to vector<16xi32>
      %shift_right_arithmetic3A_477 = arith.shrsi %get3A_465, %shift_right_arithmetic3A_476 : vector<16xi32>
      %swap3A_478 = arith.constant 0 : i32
      %swap3A_479 = arith.index_cast %swap3A_478 : i32 to index
      %swap3A_480 = arith.constant 16 : index
      %swap3A_481 = tpu.vector_load %arg7[%swap3A_479, %swap3A_480] {strides = array<i32>} : memref<2x128xi32, #tpu.memory_space<vmem>>, vector<1x16xi32>,
      %swap3A_482 = vector.shape_cast %swap3A_481 : vector<1x16xi32> to vector<16xi32>
      %swap3A_483 = vector.shape_cast %shift_right_arithmetic3A_477 : vector<16xi32> to vector<1x16xi32>
      tpu.vector_store %arg7[%swap3A_479, %swap3A_480], %swap3A_483 {strides = array<i32>} : memref<2x128xi32, #tpu.memory_space<vmem>>, vector<1x16xi32>,
      %get3A_484 = arith.index_cast %add3A_439 : i32 to index
      %get3A_485 = arith.constant 32 : index
      %get3A_486 = tpu.vector_load %arg5[%get3A_484, %get3A_485] {strides = array<i32>} : memref<79x128xi32, #tpu.memory_space<vmem>>, vector<1x16xi32>,
      %get3A_487 = vector.shape_cast %get3A_486 : vector<1x16xi32> to vector<16xi32>
      %and3A_488 = arith.constant 65535 : i32
      %and3A_489 = vector.broadcast %and3A_488 : i32 to vector<16xi32>
      %and3A_490 = arith.andi %get3A_487, %and3A_489 : vector<16xi32>
      %swap3A_491 = arith.constant 0 : i32
      %swap3A_492 = arith.index_cast %swap3A_491 : i32 to index
      %swap3A_493 = arith.constant 32 : index
      %swap3A_494 = tpu.vector_load %arg6[%swap3A_492, %swap3A_493] {strides = array<i32>} : memref<2x128xi32, #tpu.memory_space<vmem>>, vector<1x16xi32>,
      %swap3A_495 = vector.shape_cast %swap3A_494 : vector<1x16xi32> to vector<16xi32>
      %swap3A_496 = vector.shape_cast %and3A_490 : vector<16xi32> to vector<1x16xi32>
      tpu.vector_store %arg6[%swap3A_492, %swap3A_493], %swap3A_496 {strides = array<i32>} : memref<2x128xi32, #tpu.memory_space<vmem>>, vector<1x16xi32>,
      %shift_right_arithmetic3A_497 = arith.constant 16 : i32
      %shift_right_arithmetic3A_498 = vector.broadcast %shift_right_arithmetic3A_497 : i32 to vector<16xi32>
      %shift_right_arithmetic3A_499 = arith.shrsi %get3A_487, %shift_right_arithmetic3A_498 : vector<16xi32>
      %swap3A_500 = arith.constant 0 : i32
      %swap3A_501 = arith.index_cast %swap3A_500 : i32 to index
      %swap3A_502 = arith.constant 32 : index
      %swap3A_503 = tpu.vector_load %arg7[%swap3A_501, %swap3A_502] {strides = array<i32>} : memref<2x128xi32, #tpu.memory_space<vmem>>, vector<1x16xi32>,
      %swap3A_504 = vector.shape_cast %swap3A_503 : vector<1x16xi32> to vector<16xi32>
      %swap3A_505 = vector.shape_cast %shift_right_arithmetic3A_499 : vector<16xi32> to vector<1x16xi32>
      tpu.vector_store %arg7[%swap3A_501, %swap3A_502], %swap3A_505 {strides = array<i32>} : memref<2x128xi32, #tpu.memory_space<vmem>>, vector<1x16xi32>,
      %get3A_506 = arith.index_cast %add3A_439 : i32 to index
      %get3A_507 = arith.constant 48 : index
      %get3A_508 = tpu.vector_load %arg5[%get3A_506, %get3A_507] {strides = array<i32>} : memref<79x128xi32, #tpu.memory_space<vmem>>, vector<1x16xi32>,
      %get3A_509 = vector.shape_cast %get3A_508 : vector<1x16xi32> to vector<16xi32>
      %and3A_510 = arith.constant 65535 : i32
      %and3A_511 = vector.broadcast %and3A_510 : i32 to vector<16xi32>
      %and3A_512 = arith.andi %get3A_509, %and3A_511 : vector<16xi32>
      %swap3A_513 = arith.constant 0 : i32
      %swap3A_514 = arith.index_cast %swap3A_513 : i32 to index
      %swap3A_515 = arith.constant 48 : index
      %swap3A_516 = tpu.vector_load %arg6[%swap3A_514, %swap3A_515] {strides = array<i32>} : memref<2x128xi32, #tpu.memory_space<vmem>>, vector<1x16xi32>,
      %swap3A_517 = vector.shape_cast %swap3A_516 : vector<1x16xi32> to vector<16xi32>
      %swap3A_518 = vector.shape_cast %and3A_512 : vector<16xi32> to vector<1x16xi32>
      tpu.vector_store %arg6[%swap3A_514, %swap3A_515], %swap3A_518 {strides = array<i32>} : memref<2x128xi32, #tpu.memory_space<vmem>>, vector<1x16xi32>,
      %shift_right_arithmetic3A_519 = arith.constant 16 : i32
      %shift_right_arithmetic3A_520 = vector.broadcast %shift_right_arithmetic3A_519 : i32 to vector<16xi32>
      %shift_right_arithmetic3A_521 = arith.shrsi %get3A_509, %shift_right_arithmetic3A_520 : vector<16xi32>
      %swap3A_522 = arith.constant 0 : i32
      %swap3A_523 = arith.index_cast %swap3A_522 : i32 to index
      %swap3A_524 = arith.constant 48 : index
      %swap3A_525 = tpu.vector_load %arg7[%swap3A_523, %swap3A_524] {strides = array<i32>} : memref<2x128xi32, #tpu.memory_space<vmem>>, vector<1x16xi32>,
      %swap3A_526 = vector.shape_cast %swap3A_525 : vector<1x16xi32> to vector<16xi32>
      %swap3A_527 = vector.shape_cast %shift_right_arithmetic3A_521 : vector<16xi32> to vector<1x16xi32>
      tpu.vector_store %arg7[%swap3A_523, %swap3A_524], %swap3A_527 {strides = array<i32>} : memref<2x128xi32, #tpu.memory_space<vmem>>, vector<1x16xi32>,
      %get3A_528 = arith.index_cast %add3A_439 : i32 to index
      %get3A_529 = arith.constant 64 : index
      %get3A_530 = tpu.vector_load %arg5[%get3A_528, %get3A_529] {strides = array<i32>} : memref<79x128xi32, #tpu.memory_space<vmem>>, vector<1x16xi32>,
      %get3A_531 = vector.shape_cast %get3A_530 : vector<1x16xi32> to vector<16xi32>
      %and3A_532 = arith.constant 65535 : i32
      %and3A_533 = vector.broadcast %and3A_532 : i32 to vector<16xi32>
      %and3A_534 = arith.andi %get3A_531, %and3A_533 : vector<16xi32>
      %swap3A_535 = arith.constant 0 : i32
      %swap3A_536 = arith.index_cast %swap3A_535 : i32 to index
      %swap3A_537 = arith.constant 64 : index
      %swap3A_538 = tpu.vector_load %arg6[%swap3A_536, %swap3A_537] {strides = array<i32>} : memref<2x128xi32, #tpu.memory_space<vmem>>, vector<1x16xi32>,
      %swap3A_539 = vector.shape_cast %swap3A_538 : vector<1x16xi32> to vector<16xi32>
      %swap3A_540 = vector.shape_cast %and3A_534 : vector<16xi32> to vector<1x16xi32>
      tpu.vector_store %arg6[%swap3A_536, %swap3A_537], %swap3A_540 {strides = array<i32>} : memref<2x128xi32, #tpu.memory_space<vmem>>, vector<1x16xi32>,
      %shift_right_arithmetic3A_541 = arith.constant 16 : i32
      %shift_right_arithmetic3A_542 = vector.broadcast %shift_right_arithmetic3A_541 : i32 to vector<16xi32>
      %shift_right_arithmetic3A_543 = arith.shrsi %get3A_531, %shift_right_arithmetic3A_542 : vector<16xi32>
      %swap3A_544 = arith.constant 0 : i32
      %swap3A_545 = arith.index_cast %swap3A_544 : i32 to index
      %swap3A_546 = arith.constant 64 : index
      %swap3A_547 = tpu.vector_load %arg7[%swap3A_545, %swap3A_546] {strides = array<i32>} : memref<2x128xi32, #tpu.memory_space<vmem>>, vector<1x16xi32>,
      %swap3A_548 = vector.shape_cast %swap3A_547 : vector<1x16xi32> to vector<16xi32>
      %swap3A_549 = vector.shape_cast %shift_right_arithmetic3A_543 : vector<16xi32> to vector<1x16xi32>
      tpu.vector_store %arg7[%swap3A_545, %swap3A_546], %swap3A_549 {strides = array<i32>} : memref<2x128xi32, #tpu.memory_space<vmem>>, vector<1x16xi32>,
      %get3A_550 = arith.index_cast %add3A_439 : i32 to index
      %get3A_551 = arith.constant 80 : index
      %get3A_552 = tpu.vector_load %arg5[%get3A_550, %get3A_551] {strides = array<i32>} : memref<79x128xi32, #tpu.memory_space<vmem>>, vector<1x16xi32>,
      %get3A_553 = vector.shape_cast %get3A_552 : vector<1x16xi32> to vector<16xi32>
      %and3A_554 = arith.constant 65535 : i32
      %and3A_555 = vector.broadcast %and3A_554 : i32 to vector<16xi32>
      %and3A_556 = arith.andi %get3A_553, %and3A_555 : vector<16xi32>
      %swap3A_557 = arith.constant 0 : i32
      %swap3A_558 = arith.index_cast %swap3A_557 : i32 to index
      %swap3A_559 = arith.constant 80 : index
      %swap3A_560 = tpu.vector_load %arg6[%swap3A_558, %swap3A_559] {strides = array<i32>} : memref<2x128xi32, #tpu.memory_space<vmem>>, vector<1x16xi32>,
      %swap3A_561 = vector.shape_cast %swap3A_560 : vector<1x16xi32> to vector<16xi32>
      %swap3A_562 = vector.shape_cast %and3A_556 : vector<16xi32> to vector<1x16xi32>
      tpu.vector_store %arg6[%swap3A_558, %swap3A_559], %swap3A_562 {strides = array<i32>} : memref<2x128xi32, #tpu.memory_space<vmem>>, vector<1x16xi32>,
      %shift_right_arithmetic3A_563 = arith.constant 16 : i32
      %shift_right_arithmetic3A_564 = vector.broadcast %shift_right_arithmetic3A_563 : i32 to vector<16xi32>
      %shift_right_arithmetic3A_565 = arith.shrsi %get3A_553, %shift_right_arithmetic3A_564 : vector<16xi32>
      %swap3A_566 = arith.constant 0 : i32
      %swap3A_567 = arith.index_cast %swap3A_566 : i32 to index
      %swap3A_568 = arith.constant 80 : index
      %swap3A_569 = tpu.vector_load %arg7[%swap3A_567, %swap3A_568] {strides = array<i32>} : memref<2x128xi32, #tpu.memory_space<vmem>>, vector<1x16xi32>,
      %swap3A_570 = vector.shape_cast %swap3A_569 : vector<1x16xi32> to vector<16xi32>
      %swap3A_571 = vector.shape_cast %shift_right_arithmetic3A_565 : vector<16xi32> to vector<1x16xi32>
      tpu.vector_store %arg7[%swap3A_567, %swap3A_568], %swap3A_571 {strides = array<i32>} : memref<2x128xi32, #tpu.memory_space<vmem>>, vector<1x16xi32>,
      %get3A_572 = arith.index_cast %add3A_439 : i32 to index
      %get3A_573 = arith.constant 96 : index
      %get3A_574 = tpu.vector_load %arg5[%get3A_572, %get3A_573] {strides = array<i32>} : memref<79x128xi32, #tpu.memory_space<vmem>>, vector<1x16xi32>,
      %get3A_575 = vector.shape_cast %get3A_574 : vector<1x16xi32> to vector<16xi32>
      %and3A_576 = arith.constant 65535 : i32
      %and3A_577 = vector.broadcast %and3A_576 : i32 to vector<16xi32>
      %and3A_578 = arith.andi %get3A_575, %and3A_577 : vector<16xi32>
      %swap3A_579 = arith.constant 0 : i32
      %swap3A_580 = arith.index_cast %swap3A_579 : i32 to index
      %swap3A_581 = arith.constant 96 : index
      %swap3A_582 = tpu.vector_load %arg6[%swap3A_580, %swap3A_581] {strides = array<i32>} : memref<2x128xi32, #tpu.memory_space<vmem>>, vector<1x16xi32>,
      %swap3A_583 = vector.shape_cast %swap3A_582 : vector<1x16xi32> to vector<16xi32>
      %swap3A_584 = vector.shape_cast %and3A_578 : vector<16xi32> to vector<1x16xi32>
      tpu.vector_store %arg6[%swap3A_580, %swap3A_581], %swap3A_584 {strides = array<i32>} : memref<2x128xi32, #tpu.memory_space<vmem>>, vector<1x16xi32>,
      %shift_right_arithmetic3A_585 = arith.constant 16 : i32
      %shift_right_arithmetic3A_586 = vector.broadcast %shift_right_arithmetic3A_585 : i32 to vector<16xi32>
      %shift_right_arithmetic3A_587 = arith.shrsi %get3A_575, %shift_right_arithmetic3A_586 : vector<16xi32>
      %swap3A_588 = arith.constant 0 : i32
      %swap3A_589 = arith.index_cast %swap3A_588 : i32 to index
      %swap3A_590 = arith.constant 96 : index
      %swap3A_591 = tpu.vector_load %arg7[%swap3A_589, %swap3A_590] {strides = array<i32>} : memref<2x128xi32, #tpu.memory_space<vmem>>, vector<1x16xi32>,
      %swap3A_592 = vector.shape_cast %swap3A_591 : vector<1x16xi32> to vector<16xi32>
      %swap3A_593 = vector.shape_cast %shift_right_arithmetic3A_587 : vector<16xi32> to vector<1x16xi32>
      tpu.vector_store %arg7[%swap3A_589, %swap3A_590], %swap3A_593 {strides = array<i32>} : memref<2x128xi32, #tpu.memory_space<vmem>>, vector<1x16xi32>,
      %get3A_594 = arith.index_cast %add3A_439 : i32 to index
      %get3A_595 = arith.constant 112 : index
      %get3A_596 = tpu.vector_load %arg5[%get3A_594, %get3A_595] {strides = array<i32>} : memref<79x128xi32, #tpu.memory_space<vmem>>, vector<1x16xi32>,
      %get3A_597 = vector.shape_cast %get3A_596 : vector<1x16xi32> to vector<16xi32>
      %and3A_598 = arith.constant 65535 : i32
      %and3A_599 = vector.broadcast %and3A_598 : i32 to vector<16xi32>
      %and3A_600 = arith.andi %get3A_597, %and3A_599 : vector<16xi32>
      %swap3A_601 = arith.constant 0 : i32
      %swap3A_602 = arith.index_cast %swap3A_601 : i32 to index
      %swap3A_603 = arith.constant 112 : index
      %swap3A_604 = tpu.vector_load %arg6[%swap3A_602, %swap3A_603] {strides = array<i32>} : memref<2x128xi32, #tpu.memory_space<vmem>>, vector<1x16xi32>,
      %swap3A_605 = vector.shape_cast %swap3A_604 : vector<1x16xi32> to vector<16xi32>
      %swap3A_606 = vector.shape_cast %and3A_600 : vector<16xi32> to vector<1x16xi32>
      tpu.vector_store %arg6[%swap3A_602, %swap3A_603], %swap3A_606 {strides = array<i32>} : memref<2x128xi32, #tpu.memory_space<vmem>>, vector<1x16xi32>,
      %shift_right_arithmetic3A_607 = arith.constant 16 : i32
      %shift_right_arithmetic3A_608 = vector.broadcast %shift_right_arithmetic3A_607 : i32 to vector<16xi32>
      %shift_right_arithmetic3A_609 = arith.shrsi %get3A_597, %shift_right_arithmetic3A_608 : vector<16xi32>
      %swap3A_610 = arith.constant 0 : i32
      %swap3A_611 = arith.index_cast %swap3A_610 : i32 to index
      %swap3A_612 = arith.constant 112 : index
      %swap3A_613 = tpu.vector_load %arg7[%swap3A_611, %swap3A_612] {strides = array<i32>} : memref<2x128xi32, #tpu.memory_space<vmem>>, vector<1x16xi32>,
      %swap3A_614 = vector.shape_cast %swap3A_613 : vector<1x16xi32> to vector<16xi32>
      %swap3A_615 = vector.shape_cast %shift_right_arithmetic3A_609 : vector<16xi32> to vector<1x16xi32>
      tpu.vector_store %arg7[%swap3A_611, %swap3A_612], %swap3A_615 {strides = array<i32>} : memref<2x128xi32, #tpu.memory_space<vmem>>, vector<1x16xi32>,
      %dma_wait3A_616 = arith.constant 1 : i32
      %dma_wait3A_617 = arith.constant 0 : i32
      %dma_wait3A_618 = tpu.memref_slice %arg6[%dma_wait3A_616, %dma_wait3A_617] : memref<2x128xi32, #tpu.memory_space<vmem>> -> memref<1x128xi32, #tpu.memory_space<vmem>>
      %dma_wait3A_619 = tpu.memref_squeeze %dma_wait3A_618 : memref<1x128xi32, #tpu.memory_space<vmem>> -> memref<128xi32, #tpu.memory_space<vmem>>
      %dma_wait3A_620 = arith.constant 0 : i32
      %dma_wait3A_621 = arith.constant 0 : i32
      %dma_wait3A_622 = tpu.memref_slice %arg2[%dma_wait3A_620, %dma_wait3A_621] : memref<10000x128xf32, #tpu.memory_space<hbm>> -> memref<10000x128xf32, #tpu.memory_space<hbm>>
      tpu.wait_indirect_dma semaphore(%arg12 : memref<!tpu.dma_semaphore, #tpu.memory_space<semaphore_mem>>) src(%dma_wait3A_622 : memref<10000x128xf32, #tpu.memory_space<hbm>>) dst(%arg9 : memref<128x128xf32, #tpu.memory_space<vmem>>)
      %dma_start3A_623 = arith.constant 0 : i32
      %dma_start3A_624 = arith.constant 0 : i32
      %dma_start3A_625 = tpu.memref_slice %arg6[%dma_start3A_623, %dma_start3A_624] : memref<2x128xi32, #tpu.memory_space<vmem>> -> memref<1x128xi32, #tpu.memory_space<vmem>>
      %dma_start3A_626 = tpu.memref_squeeze %dma_start3A_625 : memref<1x128xi32, #tpu.memory_space<vmem>> -> memref<128xi32, #tpu.memory_space<vmem>>
      %dma_start3A_627 = arith.constant 0 : i32
      %dma_start3A_628 = arith.constant 0 : i32
      %dma_start3A_629 = tpu.memref_slice %arg2[%dma_start3A_627, %dma_start3A_628] : memref<10000x128xf32, #tpu.memory_space<hbm>> -> memref<10000x128xf32, #tpu.memory_space<hbm>>
      tpu.enqueue_indirect_dma source(%dma_start3A_629 : memref<10000x128xf32, #tpu.memory_space<hbm>>) target(%arg8 : memref<128x128xf32, #tpu.memory_space<vmem>>) offsets(%dma_start3A_626 : memref<128xi32, #tpu.memory_space<vmem>>) semaphore(%arg11 : memref<!tpu.dma_semaphore, #tpu.memory_space<semaphore_mem>>)
      %dma_start3A_630 = arith.constant 1 : i32
      %dma_start3A_631 = arith.constant 0 : i32
      %dma_start3A_632 = tpu.memref_slice %arg7[%dma_start3A_630, %dma_start3A_631] : memref<2x128xi32, #tpu.memory_space<vmem>> -> memref<1x128xi32, #tpu.memory_space<vmem>>
      %dma_start3A_633 = tpu.memref_squeeze %dma_start3A_632 : memref<1x128xi32, #tpu.memory_space<vmem>> -> memref<128xi32, #tpu.memory_space<vmem>>
      %dma_start3A_634 = arith.constant 0 : i32
      %dma_start3A_635 = arith.constant 0 : i32
      %dma_start3A_636 = tpu.memref_slice %arg10[%dma_start3A_634, %dma_start3A_635] : memref<10240x128xf32, #tpu.memory_space<vmem_shared>> -> memref<10240x128xf32, #tpu.memory_space<vmem_shared>>
      tpu.enqueue_indirect_dma source(%arg9 : memref<128x128xf32, #tpu.memory_space<vmem>>) target(%dma_start3A_636 : memref<10240x128xf32, #tpu.memory_space<vmem_shared>>) offsets(%dma_start3A_633 : memref<128xi32, #tpu.memory_space<vmem>>) semaphore(%arg14 : memref<!tpu.dma_semaphore, #tpu.memory_space<semaphore_mem>>) {add = true}
      %scan3A_637 = arith.constant 0 : i32
      scf.yield %scan3A_637 : i32
    }
    %scan3A_207 = arith.constant 39 : i32
    %dma_wait3A = arith.constant 1 : i32
    %dma_wait3A_208 = arith.constant 0 : i32
    %dma_wait3A_209 = tpu.memref_slice %arg7[%dma_wait3A, %dma_wait3A_208] : memref<2x128xi32, #tpu.memory_space<vmem>> -> memref<1x128xi32, #tpu.memory_space<vmem>>
    %dma_wait3A_210 = tpu.memref_squeeze %dma_wait3A_209 : memref<1x128xi32, #tpu.memory_space<vmem>> -> memref<128xi32, #tpu.memory_space<vmem>>
    %dma_wait3A_211 = arith.constant 0 : i32
    %dma_wait3A_212 = arith.constant 0 : i32
    %dma_wait3A_213 = tpu.memref_slice %arg10[%dma_wait3A_211, %dma_wait3A_212] : memref<10240x128xf32, #tpu.memory_space<vmem_shared>> -> memref<10240x128xf32, #tpu.memory_space<vmem_shared>>
    tpu.wait_indirect_dma semaphore(%arg14 : memref<!tpu.dma_semaphore, #tpu.memory_space<semaphore_mem>>) src(%arg9 : memref<128x128xf32, #tpu.memory_space<vmem>>) dst(%dma_wait3A_213 : memref<10240x128xf32, #tpu.memory_space<vmem_shared>>)
    %dma_wait3A_214 = arith.constant 0 : i32
    %dma_wait3A_215 = arith.constant 0 : i32
    %dma_wait3A_216 = tpu.memref_slice %arg6[%dma_wait3A_214, %dma_wait3A_215] : memref<2x128xi32, #tpu.memory_space<vmem>> -> memref<1x128xi32, #tpu.memory_space<vmem>>
    %dma_wait3A_217 = tpu.memref_squeeze %dma_wait3A_216 : memref<1x128xi32, #tpu.memory_space<vmem>> -> memref<128xi32, #tpu.memory_space<vmem>>
    %dma_wait3A_218 = arith.constant 0 : i32
    %dma_wait3A_219 = arith.constant 0 : i32
    %dma_wait3A_220 = tpu.memref_slice %arg2[%dma_wait3A_218, %dma_wait3A_219] : memref<10000x128xf32, #tpu.memory_space<hbm>> -> memref<10000x128xf32, #tpu.memory_space<hbm>>
    tpu.wait_indirect_dma semaphore(%arg11 : memref<!tpu.dma_semaphore, #tpu.memory_space<semaphore_mem>>) src(%dma_wait3A_220 : memref<10000x128xf32, #tpu.memory_space<hbm>>) dst(%arg8 : memref<128x128xf32, #tpu.memory_space<vmem>>)
    %run_scoped3A = arith.constant 0 : i32
    "tpu.region"() ({
      %run_scoped3A_226 = tpu.sem_alloc : memref<!tpu.dma_semaphore, #tpu.memory_space<semaphore_mem>>
      %dma_start3A_227 = arith.constant 0 : i32
      %dma_start3A_228 = tpu.memref_slice %arg7[%run_scoped3A, %dma_start3A_227] : memref<2x128xi32, #tpu.memory_space<vmem>> -> memref<1x128xi32, #tpu.memory_space<vmem>>
      %dma_start3A_229 = tpu.memref_squeeze %dma_start3A_228 : memref<1x128xi32, #tpu.memory_space<vmem>> -> memref<128xi32, #tpu.memory_space<vmem>>
      %dma_start3A_230 = arith.constant 0 : i32
      %dma_start3A_231 = arith.constant 0 : i32
      %dma_start3A_232 = tpu.memref_slice %arg10[%dma_start3A_230, %dma_start3A_231] : memref<10240x128xf32, #tpu.memory_space<vmem_shared>> -> memref<10240x128xf32, #tpu.memory_space<vmem_shared>>
      tpu.enqueue_indirect_dma source(%arg8 : memref<128x128xf32, #tpu.memory_space<vmem>>) target(%dma_start3A_232 : memref<10240x128xf32, #tpu.memory_space<vmem_shared>>) offsets(%dma_start3A_229 : memref<128xi32, #tpu.memory_space<vmem>>) semaphore(%run_scoped3A_226 : memref<!tpu.dma_semaphore, #tpu.memory_space<semaphore_mem>>) {add = true}
      %dma_wait3A_233 = arith.constant 0 : i32
      %dma_wait3A_234 = tpu.memref_slice %arg7[%run_scoped3A, %dma_wait3A_233] : memref<2x128xi32, #tpu.memory_space<vmem>> -> memref<1x128xi32, #tpu.memory_space<vmem>>
      %dma_wait3A_235 = tpu.memref_squeeze %dma_wait3A_234 : memref<1x128xi32, #tpu.memory_space<vmem>> -> memref<128xi32, #tpu.memory_space<vmem>>
      %dma_wait3A_236 = arith.constant 0 : i32
      %dma_wait3A_237 = arith.constant 0 : i32
      %dma_wait3A_238 = tpu.memref_slice %arg10[%dma_wait3A_236, %dma_wait3A_237] : memref<10240x128xf32, #tpu.memory_space<vmem_shared>> -> memref<10240x128xf32, #tpu.memory_space<vmem_shared>>
      tpu.wait_indirect_dma semaphore(%run_scoped3A_226 : memref<!tpu.dma_semaphore, #tpu.memory_space<semaphore_mem>>) src(%arg8 : memref<128x128xf32, #tpu.memory_space<vmem>>) dst(%dma_wait3A_238 : memref<10240x128xf32, #tpu.memory_space<vmem_shared>>)
      tpu.yield
    }) : () -> ()
    %barrier3A_221 = arith.constant 0 : index
    tpu.barrier barrier_id(%barrier3A_221)
    %mul3A_222 = arith.constant 640 : i32
    %mul3A_223 = arith.muli %arg1, %mul3A_222 : i32
    %mul3A_224 = arith.constant 640 : i32
    %mul3A_225 = arith.muli %arg1, %mul3A_224 : i32
    "tpu.region"() ({
      %run_scoped3A_226 = tpu.sem_alloc : memref<!tpu.dma_semaphore, #tpu.memory_space<semaphore_mem>>
      %dma_start3A_227 = arith.constant 0 : i32
      %dma_start3A_228 = tpu.memref_slice %arg4[%arg0, %mul3A_225, %dma_start3A_227] : memref<2x10240x128xf32, #tpu.memory_space<hbm>> -> memref<1x640x128xf32, #tpu.memory_space<hbm>>
      %dma_start3A_229 = tpu.memref_squeeze %dma_start3A_228 : memref<1x640x128xf32, #tpu.memory_space<hbm>> -> memref<640x128xf32, #tpu.memory_space<hbm>>
      %dma_start3A_230 = arith.constant 0 : i32
      %dma_start3A_231 = tpu.memref_slice %arg10[%mul3A_223, %dma_start3A_230] : memref<10240x128xf32, #tpu.memory_space<vmem_shared>> -> memref<640x128xf32, #tpu.memory_space<vmem_shared>>
      tpu.enqueue_dma source(%dma_start3A_231 : memref<640x128xf32, #tpu.memory_space<vmem_shared>>) target(%dma_start3A_229 : memref<640x128xf32, #tpu.memory_space<hbm>>) target_semaphore(%run_scoped3A_226 : memref<!tpu.dma_semaphore, #tpu.memory_space<semaphore_mem>>)
      %dma_wait3A_232 = arith.constant 0 : i32
      %dma_wait3A_233 = tpu.memref_slice %arg4[%arg0, %mul3A_225, %dma_wait3A_232] : memref<2x10240x128xf32, #tpu.memory_space<hbm>> -> memref<1x640x128xf32, #tpu.memory_space<hbm>>
      %dma_wait3A_234 = tpu.memref_squeeze %dma_wait3A_233 : memref<1x640x128xf32, #tpu.memory_space<hbm>> -> memref<640x128xf32, #tpu.memory_space<hbm>>
      %dma_wait3A_235 = arith.constant 0 : i32
      %dma_wait3A_236 = tpu.memref_slice %arg10[%mul3A_223, %dma_wait3A_235] : memref<10240x128xf32, #tpu.memory_space<vmem_shared>> -> memref<640x128xf32, #tpu.memory_space<vmem_shared>>
      tpu.wait_dma2 semaphore(%run_scoped3A_226 : memref<!tpu.dma_semaphore, #tpu.memory_space<semaphore_mem>>) src(%dma_wait3A_236 : memref<640x128xf32, #tpu.memory_space<vmem_shared>>) dst(%dma_wait3A_234 : memref<640x128xf32, #tpu.memory_space<hbm>>)
      tpu.yield
    }) : () -> ()
    return
  }
}

module attributes {stable_mosaic.version = 14 : i64} {
  func.func @_tc1_body(%arg0: i32, %arg1: memref<1000x128xf32, #tpu.memory_space<vmem>>, %arg2: memref<128x128xf32, #tpu.memory_space<vmem>>, %arg3: memref<2x1000x16xf32, #tpu.memory_space<vmem>>, %arg4: memref<1000x128xf32, #tpu.memory_space<vmem>>) attributes {dimension_semantics = [#tpu.dimension_semantics<arbitrary>], iteration_bounds = array<i64: 10>, scalar_prefetch = 0 : i64, scratch_operands = 0 : i64, tpu.core_type = #tpu.core_type<tc>, window_params = [{transform_indices = @transform_0, window_bounds = array<i64: 1000, 128>}, {pipeline_mode = #tpu.pipeline_mode<synchronous>, transform_indices = @transform_1, window_bounds = array<i64: 128, 128>}, {transform_indices = @transform_2, window_bounds = array<i64: 2, 1000, 16>}, {transform_indices = @transform_3, window_bounds = array<i64: 1000, 128>}]} {
    %get3A = arith.constant 0 : index
    %get3A_0 = arith.constant 0 : index
    %get3A_1 = arith.constant 0 : index
    %get3A_2 = vector.load %arg3[%get3A, %get3A_0, %get3A_1] : memref<2x1000x16xf32, #tpu.memory_space<vmem>>, vector<2x1000x16xf32>
    %slice3A = vector.extract_strided_slice %get3A_2 {offsets = [0, 0, 0], sizes = [1, 1000, 1], strides = [1, 1, 1]} : vector<2x1000x16xf32> to vector<1x1000x1xf32>
    %squeeze3A = vector.shape_cast %slice3A : vector<1x1000x1xf32> to vector<1000x1xf32>
    %add3A = arith.constant 1.000000e+00 : f32
    %add3A_3 = vector.broadcast %add3A : f32 to vector<1000x1xf32>
    %add3A_4 = arith.addf %add3A_3, %squeeze3A : vector<1000x1xf32>
    %slice3A_5 = vector.extract_strided_slice %get3A_2 {offsets = [1, 0, 0], sizes = [1, 1000, 1], strides = [1, 1, 1]} : vector<2x1000x16xf32> to vector<1x1000x1xf32>
    %squeeze3A_6 = vector.shape_cast %slice3A_5 : vector<1x1000x1xf32> to vector<1000x1xf32>
    %add3A_7 = arith.addf %add3A_4, %squeeze3A_6 : vector<1000x1xf32>
    %rsqrt3A = math.rsqrt %add3A_7 : vector<1000x1xf32>
    %get3A_8 = arith.constant 0 : index
    %get3A_9 = arith.constant 0 : index
    %get3A_10 = vector.load %arg1[%get3A_8, %get3A_9] : memref<1000x128xf32, #tpu.memory_space<vmem>>, vector<1000x128xf32>
    %get3A_11 = arith.constant 0 : index
    %get3A_12 = arith.constant 0 : index
    %get3A_13 = vector.load %arg2[%get3A_11, %get3A_12] : memref<128x128xf32, #tpu.memory_space<vmem>>, vector<128x128xf32>
    %dot_general3A = arith.constant dense<0.000000e+00> : vector<1000x128xf32>
    %dot_general3A_14 = tpu.matmul %get3A_10, %get3A_13, %dot_general3A {dimension_numbers = #tpu.dot_dimension_numbers<[1], [0], [0], [1], [0, 0, 1, 1], [], []>, transpose_lhs_hint = false} : vector<1000x128xf32>, vector<128x128xf32>, vector<1000x128xf32> -> vector<1000x128xf32>
    %mul3A = vector.broadcast %rsqrt3A : vector<1000x1xf32> to vector<1000x128xf32>
    %mul3A_15 = arith.mulf %dot_general3A_14, %mul3A : vector<1000x128xf32>
    %swap3A = arith.constant 0 : index
    %swap3A_16 = arith.constant 0 : index
    %swap3A_17 = vector.load %arg4[%swap3A, %swap3A_16] : memref<1000x128xf32, #tpu.memory_space<vmem>>, vector<1000x128xf32>
    tpu.vector_store %arg4[%swap3A, %swap3A_16], %mul3A_15 {strides = array<i32>} : memref<1000x128xf32, #tpu.memory_space<vmem>>, vector<1000x128xf32>,
    return
  }
  func.func @transform_0(%arg0: i32) -> (i32, i32) {
    %c0_i32 = arith.constant 0 : i32
    %c0_i32_0 = arith.constant 0 : i32
    return %arg0, %c0_i32 : i32, i32
  }
  func.func @transform_1(%arg0: i32) -> (i32, i32) {
    %c0_i32 = arith.constant 0 : i32
    %c0_i32_0 = arith.constant 0 : i32
    %c0_i32_1 = arith.constant 0 : i32
    return %c0_i32, %c0_i32_0 : i32, i32
  }
  func.func @transform_2(%arg0: i32) -> (i32, i32, i32) {
    %c0_i32 = arith.constant 0 : i32
    %c0_i32_0 = arith.constant 0 : i32
    %c0_i32_1 = arith.constant 0 : i32
    return %c0_i32, %arg0, %c0_i32_0 : i32, i32, i32
  }
  func.func @transform_3(%arg0: i32) -> (i32, i32) {
    %c0_i32 = arith.constant 0 : i32
    %c0_i32_0 = arith.constant 0 : i32
    return %arg0, %c0_i32 : i32, i32
  }
}

module attributes {stable_mosaic.version = 14 : i64} {
  func.func @_tc2_body(%arg0: i32, %arg1: memref<2x1000x128xf32, #tpu.memory_space<vmem>>, %arg2: memref<1000x128xf32, #tpu.memory_space<vmem>>, %arg3: memref<2x1000x16xf32, #tpu.memory_space<vmem>>, %arg4: memref<128x128xf32, #tpu.memory_space<vmem>>, %arg5: memref<1000x128xf32, #tpu.memory_space<vmem>>) attributes {dimension_semantics = [#tpu.dimension_semantics<arbitrary>], iteration_bounds = array<i64: 10>, scalar_prefetch = 0 : i64, scratch_operands = 0 : i64, tpu.core_type = #tpu.core_type<tc>, window_params = [{transform_indices = @transform_0, window_bounds = array<i64: 2, 1000, 128>}, {transform_indices = @transform_1, window_bounds = array<i64: 1000, 128>}, {transform_indices = @transform_2, window_bounds = array<i64: 2, 1000, 16>}, {pipeline_mode = #tpu.pipeline_mode<synchronous>, transform_indices = @transform_3, window_bounds = array<i64: 128, 128>}, {transform_indices = @transform_4, window_bounds = array<i64: 1000, 128>}]} {
    %get3A = arith.constant 0 : index
    %get3A_0 = arith.constant 0 : index
    %get3A_1 = arith.constant 0 : index
    %get3A_2 = vector.load %arg3[%get3A, %get3A_0, %get3A_1] : memref<2x1000x16xf32, #tpu.memory_space<vmem>>, vector<2x1000x16xf32>
    %slice3A = vector.extract_strided_slice %get3A_2 {offsets = [0, 0, 0], sizes = [1, 1000, 1], strides = [1, 1, 1]} : vector<2x1000x16xf32> to vector<1x1000x1xf32>
    %squeeze3A = vector.shape_cast %slice3A : vector<1x1000x1xf32> to vector<1000x1xf32>
    %add3A = arith.constant 1.000000e+00 : f32
    %add3A_3 = vector.broadcast %add3A : f32 to vector<1000x1xf32>
    %add3A_4 = arith.addf %add3A_3, %squeeze3A : vector<1000x1xf32>
    %slice3A_5 = vector.extract_strided_slice %get3A_2 {offsets = [1, 0, 0], sizes = [1, 1000, 1], strides = [1, 1, 1]} : vector<2x1000x16xf32> to vector<1x1000x1xf32>
    %squeeze3A_6 = vector.shape_cast %slice3A_5 : vector<1x1000x1xf32> to vector<1000x1xf32>
    %add3A_7 = arith.addf %add3A_4, %squeeze3A_6 : vector<1000x1xf32>
    %rsqrt3A = math.rsqrt %add3A_7 : vector<1000x1xf32>
    %get3A_8 = arith.constant 0 : index
    %get3A_9 = arith.constant 0 : index
    %get3A_10 = arith.constant 0 : index
    %get3A_11 = vector.load %arg1[%get3A_8, %get3A_9, %get3A_10] : memref<2x1000x128xf32, #tpu.memory_space<vmem>>, vector<1x1000x128xf32>
    %get3A_12 = vector.shape_cast %get3A_11 : vector<1x1000x128xf32> to vector<1000x128xf32>
    %get3A_13 = arith.constant 1 : index
    %get3A_14 = arith.constant 0 : index
    %get3A_15 = arith.constant 0 : index
    %get3A_16 = vector.load %arg1[%get3A_13, %get3A_14, %get3A_15] : memref<2x1000x128xf32, #tpu.memory_space<vmem>>, vector<1x1000x128xf32>
    %get3A_17 = vector.shape_cast %get3A_16 : vector<1x1000x128xf32> to vector<1000x128xf32>
    %add3A_18 = arith.addf %get3A_12, %get3A_17 : vector<1000x128xf32>
    %get3A_19 = arith.constant 0 : index
    %get3A_20 = arith.constant 0 : index
    %get3A_21 = vector.load %arg2[%get3A_19, %get3A_20] : memref<1000x128xf32, #tpu.memory_space<vmem>>, vector<1000x128xf32>
    %add3A_22 = arith.addf %add3A_18, %get3A_21 : vector<1000x128xf32>
    %mul3A = vector.broadcast %rsqrt3A : vector<1000x1xf32> to vector<1000x128xf32>
    %mul3A_23 = arith.mulf %add3A_22, %mul3A : vector<1000x128xf32>
    %ge3A = arith.constant 0.000000e+00 : f32
    %ge3A_24 = vector.broadcast %ge3A : f32 to vector<1000x128xf32>
    %ge3A_25 = arith.cmpf oge, %mul3A_23, %ge3A_24 : vector<1000x128xf32>
    %mul3A_26 = arith.constant 3.000000e-01 : f32
    %mul3A_27 = vector.broadcast %mul3A_26 : f32 to vector<1000x128xf32>
    %mul3A_28 = arith.mulf %mul3A_27, %mul3A_23 : vector<1000x128xf32>
    %select_n3A = arith.select %ge3A_25, %mul3A_23, %mul3A_28 : vector<1000x128xi1>, vector<1000x128xf32>
    %get3A_29 = arith.constant 0 : index
    %get3A_30 = arith.constant 0 : index
    %get3A_31 = vector.load %arg4[%get3A_29, %get3A_30] : memref<128x128xf32, #tpu.memory_space<vmem>>, vector<128x128xf32>
    %dot_general3A = arith.constant dense<0.000000e+00> : vector<1000x128xf32>
    %dot_general3A_32 = tpu.matmul %select_n3A, %get3A_31, %dot_general3A {dimension_numbers = #tpu.dot_dimension_numbers<[1], [0], [0], [1], [0, 0, 1, 1], [], []>, transpose_lhs_hint = false} : vector<1000x128xf32>, vector<128x128xf32>, vector<1000x128xf32> -> vector<1000x128xf32>
    %mul3A_33 = vector.broadcast %rsqrt3A : vector<1000x1xf32> to vector<1000x128xf32>
    %mul3A_34 = arith.mulf %dot_general3A_32, %mul3A_33 : vector<1000x128xf32>
    %swap3A = arith.constant 0 : index
    %swap3A_35 = arith.constant 0 : index
    %swap3A_36 = vector.load %arg5[%swap3A, %swap3A_35] : memref<1000x128xf32, #tpu.memory_space<vmem>>, vector<1000x128xf32>
    tpu.vector_store %arg5[%swap3A, %swap3A_35], %mul3A_34 {strides = array<i32>} : memref<1000x128xf32, #tpu.memory_space<vmem>>, vector<1000x128xf32>,
    return
  }
  func.func @transform_0(%arg0: i32) -> (i32, i32, i32) {
    %c0_i32 = arith.constant 0 : i32
    %c0_i32_0 = arith.constant 0 : i32
    %c0_i32_1 = arith.constant 0 : i32
    return %c0_i32, %arg0, %c0_i32_0 : i32, i32, i32
  }
  func.func @transform_1(%arg0: i32) -> (i32, i32) {
    %c0_i32 = arith.constant 0 : i32
    %c0_i32_0 = arith.constant 0 : i32
    return %arg0, %c0_i32 : i32, i32
  }
  func.func @transform_2(%arg0: i32) -> (i32, i32, i32) {
    %c0_i32 = arith.constant 0 : i32
    %c0_i32_0 = arith.constant 0 : i32
    %c0_i32_1 = arith.constant 0 : i32
    return %c0_i32, %arg0, %c0_i32_0 : i32, i32, i32
  }
  func.func @transform_3(%arg0: i32) -> (i32, i32) {
    %c0_i32 = arith.constant 0 : i32
    %c0_i32_0 = arith.constant 0 : i32
    %c0_i32_1 = arith.constant 0 : i32
    return %c0_i32, %c0_i32_0 : i32, i32
  }
  func.func @transform_4(%arg0: i32) -> (i32, i32) {
    %c0_i32 = arith.constant 0 : i32
    %c0_i32_0 = arith.constant 0 : i32
    return %arg0, %c0_i32 : i32, i32
  }
}

module attributes {stable_mosaic.version = 14 : i64} {
  func.func @_tc3_body(%arg0: i32, %arg1: memref<2x1000x128xf32, #tpu.memory_space<vmem>>, %arg2: memref<1000x128xf32, #tpu.memory_space<vmem>>, %arg3: memref<2x1000x16xf32, #tpu.memory_space<vmem>>, %arg4: memref<1000x128xf32, #tpu.memory_space<vmem>>) attributes {dimension_semantics = [#tpu.dimension_semantics<arbitrary>], iteration_bounds = array<i64: 10>, scalar_prefetch = 0 : i64, scratch_operands = 0 : i64, tpu.core_type = #tpu.core_type<tc>, window_params = [{transform_indices = @transform_0, window_bounds = array<i64: 2, 1000, 128>}, {transform_indices = @transform_1, window_bounds = array<i64: 1000, 128>}, {transform_indices = @transform_2, window_bounds = array<i64: 2, 1000, 16>}, {transform_indices = @transform_3, window_bounds = array<i64: 1000, 128>}]} {
    %get3A = arith.constant 0 : index
    %get3A_0 = arith.constant 0 : index
    %get3A_1 = arith.constant 0 : index
    %get3A_2 = vector.load %arg3[%get3A, %get3A_0, %get3A_1] : memref<2x1000x16xf32, #tpu.memory_space<vmem>>, vector<2x1000x16xf32>
    %slice3A = vector.extract_strided_slice %get3A_2 {offsets = [0, 0, 0], sizes = [1, 1000, 1], strides = [1, 1, 1]} : vector<2x1000x16xf32> to vector<1x1000x1xf32>
    %squeeze3A = vector.shape_cast %slice3A : vector<1x1000x1xf32> to vector<1000x1xf32>
    %add3A = arith.constant 1.000000e+00 : f32
    %add3A_3 = vector.broadcast %add3A : f32 to vector<1000x1xf32>
    %add3A_4 = arith.addf %add3A_3, %squeeze3A : vector<1000x1xf32>
    %slice3A_5 = vector.extract_strided_slice %get3A_2 {offsets = [1, 0, 0], sizes = [1, 1000, 1], strides = [1, 1, 1]} : vector<2x1000x16xf32> to vector<1x1000x1xf32>
    %squeeze3A_6 = vector.shape_cast %slice3A_5 : vector<1x1000x1xf32> to vector<1000x1xf32>
    %add3A_7 = arith.addf %add3A_4, %squeeze3A_6 : vector<1000x1xf32>
    %rsqrt3A = math.rsqrt %add3A_7 : vector<1000x1xf32>
    %get3A_8 = arith.constant 0 : index
    %get3A_9 = arith.constant 0 : index
    %get3A_10 = arith.constant 0 : index
    %get3A_11 = vector.load %arg1[%get3A_8, %get3A_9, %get3A_10] : memref<2x1000x128xf32, #tpu.memory_space<vmem>>, vector<1x1000x128xf32>
    %get3A_12 = vector.shape_cast %get3A_11 : vector<1x1000x128xf32> to vector<1000x128xf32>
    %get3A_13 = arith.constant 1 : index
    %get3A_14 = arith.constant 0 : index
    %get3A_15 = arith.constant 0 : index
    %get3A_16 = vector.load %arg1[%get3A_13, %get3A_14, %get3A_15] : memref<2x1000x128xf32, #tpu.memory_space<vmem>>, vector<1x1000x128xf32>
    %get3A_17 = vector.shape_cast %get3A_16 : vector<1x1000x128xf32> to vector<1000x128xf32>
    %add3A_18 = arith.addf %get3A_12, %get3A_17 : vector<1000x128xf32>
    %get3A_19 = arith.constant 0 : index
    %get3A_20 = arith.constant 0 : index
    %get3A_21 = vector.load %arg2[%get3A_19, %get3A_20] : memref<1000x128xf32, #tpu.memory_space<vmem>>, vector<1000x128xf32>
    %add3A_22 = arith.addf %add3A_18, %get3A_21 : vector<1000x128xf32>
    %mul3A = vector.broadcast %rsqrt3A : vector<1000x1xf32> to vector<1000x128xf32>
    %mul3A_23 = arith.mulf %add3A_22, %mul3A : vector<1000x128xf32>
    %max3A = arith.constant 0.000000e+00 : f32
    %max3A_24 = vector.broadcast %max3A : f32 to vector<1000x128xf32>
    %max3A_25 = arith.maximumf %mul3A_23, %max3A_24 : vector<1000x128xf32>
    %swap3A = arith.constant 0 : index
    %swap3A_26 = arith.constant 0 : index
    %swap3A_27 = vector.load %arg4[%swap3A, %swap3A_26] : memref<1000x128xf32, #tpu.memory_space<vmem>>, vector<1000x128xf32>
    tpu.vector_store %arg4[%swap3A, %swap3A_26], %max3A_25 {strides = array<i32>} : memref<1000x128xf32, #tpu.memory_space<vmem>>, vector<1000x128xf32>,
    return
  }
  func.func @transform_0(%arg0: i32) -> (i32, i32, i32) {
    %c0_i32 = arith.constant 0 : i32
    %c0_i32_0 = arith.constant 0 : i32
    %c0_i32_1 = arith.constant 0 : i32
    return %c0_i32, %arg0, %c0_i32_0 : i32, i32, i32
  }
  func.func @transform_1(%arg0: i32) -> (i32, i32) {
    %c0_i32 = arith.constant 0 : i32
    %c0_i32_0 = arith.constant 0 : i32
    return %arg0, %c0_i32 : i32, i32
  }
  func.func @transform_2(%arg0: i32) -> (i32, i32, i32) {
    %c0_i32 = arith.constant 0 : i32
    %c0_i32_0 = arith.constant 0 : i32
    %c0_i32_1 = arith.constant 0 : i32
    return %c0_i32, %arg0, %c0_i32_0 : i32, i32, i32
  }
  func.func @transform_3(%arg0: i32) -> (i32, i32) {
    %c0_i32 = arith.constant 0 : i32
    %c0_i32_0 = arith.constant 0 : i32
    return %arg0, %c0_i32 : i32, i32
  }
}

</mosaic_0001>

<sc_bundles>
// kernel: kernel.11.cloned.1.call-start
scs
__scs_entry_jumppad:
0x0: {  	(pc) =	sbr.rel $0x88, $3  }
0x1: {  	(tag) =	ssettag $0x0;
	lr =	simm.s32 $0x1  }
0x2: {  	[smem:$0x3F9D] =	sst lr;
	_ =	strace $0xD0000000  }
0x3: {  	_ = 	snop  }
0x4: {  	_ = 	snop  }
0x5: {  	_ = 	snop  }
0x6: {  	_ = 	snop  }
0x7: {  	_ = 	snop  }
__scs_overlays_trampoline_lowered:
0x8: {  	[smem:$0x3FAC] =	sst s0  }
0x9: {  	[smem:$0x3FAD] =	sst s1  }
0xa: {  	[smem:$0x3FAE] =	sst s2  }
0xb: {  	[smem:$0x3FAF] =	sst s3  }
0xc: {  	[smem:$0x3FB0] =	sst s4  }
0xd: {  	[smem:$0x3FB1] =	sst s5  }
0xe: {  	[smem:$0x3FB2] =	sst s6  }
0xf: {  	[smem:$0x3FB3] =	sst s7  }
0x10: {  	[smem:$0x3FB4] =	sst s8  }
0x11: {  	[smem:$0x3FB5] =	sst s9;
	s0 =	simm.s32 @!p0 $0x0  }
0x12: {  	s1 =	sld [smem:$0x3F9B];
	s0 =	simm.s32 @p0 $0x1  }
0x13: {  	[smem:$0x3FB6] =	sst s0;
	s0 =	simm.s32 @!p1 $0x0  }
0x14: {  	s2 =	sld [smem:$0x3F9A];
	s0 =	simm.s32 @p1 $0x1  }
0x15: {  	[smem:$0x3FB7] =	sst s0;
	s0 =	simm.s32 @!p2 $0x0  }
0x16: {  	s3 =	sld [smem:$0x3FDB];
	s0 =	simm.s32 @p2 $0x1  }
0x17: {  	s4 =	simm.s32 $0x1BF5;
	[smem:$0x3FB9] =	sst s0  }
0x18: {  	s0 =	sld [smem:$0x3F9C];
	_ =	swait.ge [sflag:s4], $0x0  }
0x19: {  	s7 =	sld [smem:$0x3F9D]  }
0x1a: {  	s8 =	sadd.s32 $0xFFFFE003, lr  }
0x1b: {  	s9 =	sadd.s32 $0xFFFFFEF7, lr;
	s5 =	simm.s32 $0xFFFFFFFF;
	p2 =	slt.u32 s8, $0xFFFFF086  }
0x1c: {  	p1 =	slt.u32 s9, $0xF7A;
	s5 =	simm.s32 @!p2 $0x0  }
0x1d: {  	s5 =	simm.s32 @p1 $0x1;
	p0 =	seq.s32 s7, s2  }
0x1e: {  	s7 =	smul.u32 @!p0 $0xF7A, s2;
	p2 =	seq.s32 @!p0 s5, $0x0  }
0x1f: {  	s9 =	smul.u32 $0xF7A, s1;
	s8 =	simm.s32 @!p0 $0x1BF5;
	p2 =	por !p2, p0  }
0x20: {  	[sflag:s8] =	ssyncset.s32 @!p0 $0xFFFFF086;
	s6 =	sadd.s32 @!p0 s3, s7;
	s7 =	simm.s32 @!p0 $0x108  }
0x21: {  	s3 =	sadd.s32 s3, s9;
	s6 =	sadd.s32 @!p0 $0x88, s6;
	s7 =	simm.s32 @p2 $0x1082  }
0x22: {  	[simem:s7], [sflag:s8] =	dma.local @!p0 [hbm:s6], $0xF7A  }
0x23: {  	s9 =	sor.u32 $0xD0000000, s2;
	s6 =	simm.s32 $0x108;
	_ =	swait.ge @!p0 [sflag:s8], $0x0  }
0x24: {  	s3 =	sadd.s32 $0x88, s3;
	s6 =	simm.s32 @!p1 $0x1082;
	[sflag:s4] =	ssyncset.s32 $0xFFFFF086  }
0x25: {  	[simem:s6], [sflag:s4] =	dma.local [hbm:s3], $0xF7A  }
0x26: {  	[smem:$0x3F9D] =	sst s1;
	(tag) =	ssettag s2;
	_ =	strace s9  }
0x27: {  	s1 =	sld [smem:$0x3FAD]  }
0x28: {  	s2 =	sld [smem:$0x3FAE]  }
0x29: {  	s4 =	sld [smem:$0x3FB0]  }
0x2a: {  	p0 =	seq.s32 s5, $0x0;
	s5 =	sld [smem:$0x3FB1]  }
0x2b: {  	s6 =	sld [smem:$0x3FB2]  }
0x2c: {  	s7 =	sld [smem:$0x3FB3]  }
0x2d: {  	s3 =	simm.s32 $0x108;
	s8 =	sld [smem:$0x3FB4]  }
0x2e: {  	s3 =	simm.s32 @!p0 $0x1082;
	s9 =	sld [smem:$0x3FB5]  }
0x2f: {  	lr =	sadd.s32 s0, s3;
	s0 =	sld [smem:$0x3FAC]  }
0x30: {  	s3 =	sld [smem:$0x3FAF]  }
0x31: {  	[smem:$0x3FB8] =	sst s10  }
0x32: {  	s10 =	sld [smem:$0x3FB6];
	_ =	sdelay $0x3  }
0x33: {  	p0 =	seq.s32 s10, $0x1;
	s10 =	sld [smem:$0x3FB8];
	_ =	sdelay $0x3  }
0x34: {  	[smem:$0x3FB8] =	sst s10  }
0x35: {  	s10 =	sld [smem:$0x3FB7];
	_ =	sdelay $0x3  }
0x36: {  	p1 =	seq.s32 s10, $0x1;
	s10 =	sld [smem:$0x3FB8];
	_ =	sdelay $0x3  }
0x37: {  	[smem:$0x3FB8] =	sst s10  }
0x38: {  	s10 =	sld [smem:$0x3FB9]  }
0x39: {  	_ = 	snop;
	(pc) =	sbr.ind lr, $3  }
0x3a: {  	_ = 	snop  }
0x3b: {  	_ = 	snop  }
0x3c: {  	p2 =	seq.s32 s10, $0x1;
	s10 =	sld [smem:$0x3FB8]  }
0x3d: {  	_ =	shalt  }
0x3e: {  	_ =	shalt  }
0x3f: {  	_ =	shalt  }
0x40: {  	_ =	shalt  }
0x41: {  	_ =	shalt  }
0x42: {  	_ =	shalt  }
0x43: {  	_ =	shalt  }
0x44: {  	_ =	shalt  }
0x45: {  	_ =	shalt  }
0x46: {  	_ =	shalt  }
0x47: {  	_ =	shalt  }
0x48: {  	_ =	shalt  }
0x49: {  	_ =	shalt  }
0x4a: {  	_ =	shalt  }
0x4b: {  	_ =	shalt  }
0x4c: {  	_ =	shalt  }
0x4d: {  	_ =	shalt  }
0x4e: {  	_ =	shalt  }
0x4f: {  	_ =	shalt  }
0x50: {  	_ =	shalt  }
0x51: {  	_ =	shalt  }
0x52: {  	_ =	shalt  }
0x53: {  	_ =	shalt  }
0x54: {  	_ =	shalt  }
0x55: {  	_ =	shalt  }
0x56: {  	_ =	shalt  }
0x57: {  	_ =	shalt  }
0x58: {  	_ =	shalt  }
0x59: {  	_ =	shalt  }
0x5a: {  	_ =	shalt  }
0x5b: {  	_ =	shalt  }
0x5c: {  	_ =	shalt  }
0x5d: {  	_ =	shalt  }
0x5e: {  	_ =	shalt  }
0x5f: {  	_ =	shalt  }
0x60: {  	_ =	shalt  }
0x61: {  	_ =	shalt  }
0x62: {  	_ =	shalt  }
0x63: {  	_ =	shalt  }
0x64: {  	_ =	shalt  }
0x65: {  	_ =	shalt  }
0x66: {  	_ =	shalt  }
0x67: {  	_ =	shalt  }
0x68: {  	_ =	shalt  }
0x69: {  	_ =	shalt  }
0x6a: {  	_ =	shalt  }
0x6b: {  	_ =	shalt  }
0x6c: {  	_ =	shalt  }
0x6d: {  	_ =	shalt  }
0x6e: {  	_ =	shalt  }
0x6f: {  	_ =	shalt  }
0x70: {  	_ =	shalt  }
0x71: {  	_ =	shalt  }
0x72: {  	_ =	shalt  }
0x73: {  	_ =	shalt  }
0x74: {  	_ =	shalt  }
0x75: {  	_ =	shalt  }
0x76: {  	_ =	shalt  }
0x77: {  	_ =	shalt  }
0x78: {  	_ =	shalt  }
0x79: {  	_ =	shalt  }
0x7a: {  	_ =	shalt  }
0x7b: {  	_ =	shalt  }
0x7c: {  	_ =	shalt  }
0x7d: {  	_ =	shalt  }
0x7e: {  	_ =	shalt  }
0x7f: {  	_ =	shalt  }
0x80: {  	_ =	shalt  }
0x81: {  	_ =	shalt  }
0x82: {  	_ =	shalt  }
0x83: {  	_ =	shalt  }
0x84: {  	_ =	shalt  }
0x85: {  	_ =	shalt  }
0x86: {  	_ =	shalt  }
0x87: {  	_ =	shalt  }
.Lfunc_end0:
.L_simem_size_0:
called_computation.1_lowered:
.L_overlay_start_0:
0x88: {  	s2 =	sld [smem:$0x3FD9]  }
0x89: {  	s3 =	sld [smem:$0x3FFE];
	_ =	sdelay $0x1  }
0x8a: {  	s1 =	srdreg.scid  }
0x8b: {  	s0 =	sand.u32 $0x1, s1  }
0x8c: {  	s17 =	sshll.u32 s0, $0xA;
	s2 =	sadd.s32 s3, s2  }
0x8d: {  	s2 =	sadd.s32 s2, s17  }
0x8e: {  	[smem:$0x3FC4] =	sst s2  }
0x8f: {  	_ = 	snop  }
0x90: {  	s2 =	sld [smem:$0x3FD0];
	(tm) =	ssettm $0x1  }
0x91: {  	s18 =	sld [smem:$0x3FFB];
	_ =	sdelay $0x3  }
0x92: {  	_ =	strace s18  }
0x93: {  	s3 =	sld [smem:$0x3FFC];
	_ =	sdelay $0x3  }
0x94: {  	_ =	strace s3  }
0x95: {  	s3 =	sld [smem:$0x3FFD];
	_ =	sdelay $0x3  }
0x96: {  	_ =	strace s3  }
0x97: {  	_ =	strace $0x8FFFFFFF  }
0x98: {  	s19 =	sld [smem:$0x3FDB];
	_ =	sdelay $0x1  }
0x99: {  	s4 =	simm.s32 $_scs_section_size  }
0x9a: {  	s5 =	simm.s32 $_size__tile_overlayer_lowered;
	s6 =	simm.s32 $_tile_overlayer_lowered  }
0x9b: {  	s22 =	simm.s32 $0x1BFF;
	s21 =	sshll.u32 s6, $0x1;
	s3 =	sadd.s32 s4, s19  }
0x9c: {  	s7 =	simm.s32 $0x0;
	s20 =	sshll.u32 s5, $0x1;
	s5 =	sadd.s32 s21, s3  }
0x9d: {  	[timem:s7], [sflag:s22] =	dma.local [hbm:s5], s20  }
0x9e: {  	_ =	swait.ge [sflag:s22], s20  }
0x9f: {  	s4 =	ssub.s32 $0x0, s20;
	[sflag:s22] =	ssyncset.done $0x0  }
0xa0: {  	[sflag:s22] =	ssyncadd.s32 s4;
	_ =	sdelay $0x1  }
0xa1: {  	s23 =	simm.s32 $0x1B8B  }
0xa2: {  	_ =	swait.ge [sflag:s23], $0x1  }
0xa3: {  	[sflag:s23] =	ssyncset.done $0x0  }
0xa4: {  	s25 =	simm.s32 $0x1B8E;
	s24 =	sld [smem:$0x3FFE];
	[sflag:s23] =	ssyncadd.s32 $0xFFFFFFFF  }
0xa5: {  	s26 =	simm.s32 $execute0_lowered;
	[smem:$0x3FD2] =	sst s25  }
0xa6: {  	s5 =	sshll.u32 s26, $0x1;
	_ =	strace $0x80000049;
	[dreg:$0x1] =	wrdreg $0xFFFFFFFF  }
0xa7: {  	s28 =	simm.s32 $_size_execute0_lowered;
	s3 =	sadd.s32 s3, s5;
	[dreg:$0x0] =	wrdreg $0x0  }
0xa8: {  	s5 =	sshll.u32 s28, $0x1;
	[dreg:$0x2] =	wrdreg s3  }
0xa9: {  	[dreg:$0x3] =	wrdreg s5  }
0xaa: {  	[dreg:$0x4] =	wrdreg $0xC0  }
0xab: {  	_ =	task [dreg:s7], $0x5FFFF  }
0xac: {  	[dreg:$0x1] =	wrdreg $0xFFFFFFFF  }
0xad: {  	[dreg:$0x0] =	wrdreg $0x60  }
0xae: {  	[dreg:$0x2] =	wrdreg s2  }
0xaf: {  	[dreg:$0x3] =	wrdreg s24  }
0xb0: {  	[dreg:$0x4] =	wrdreg $0xAA000  }
0xb1: {  	[dreg:$0x5] =	wrdreg $0x9  }
0xb2: {  	_ =	task.clear_ibuf [dreg:s7], $0x6FFFF;
	_ =	strace $0x90000049  }
0xb3: {  	s29 =	simm.s32 $0x9;
	_ =	strace $0x8000004B  }
0xb4: {  	_ =	swait.ge [sflag:s29], $0x1  }
0xb5: {  	[sflag:s29] =	ssyncadd.s32 $0xFFFFFFFF  }
0xb6: {  	_ =	strace $0x9000004B  }
0xb7: {  	_ =	sfence  }
0xb8: {  	s30 =	sld [smem:$0x0];
	_ =	sdelay $0x2  }
0xb9: {  	s31 =	sshll.u32 s1, $0xD;
	s1 =	sshrl.u32 s1, $0x2  }
0xba: {  	s3 =	sand.u32 $0x4000, s31;
	s1 =	sadd.s32 s1, s30  }
0xbb: {  	s0 =	sor.u32 s3, s0;
	s1 =	sshll.u32 s1, $0x11  }
0xbc: {  	s0 =	sor.u32 s1, s0  }
0xbd: {  	s0 =	sadd.s32 $0x8F2B, s0  }
0xbe: {  	[sflag:s0] =	ssyncadd.remote.s32 $0x1  }
0xbf: {  	_ =	sfence.sel $0xFFFF  }
0xc0: {  	[dreg:$0x0] =	wrdreg $0xFFFFFFFF;
	(pc) =	sbr.abs _section_cstart, $3  }
0xc1: {  	[dreg:$0x1] =	wrdreg $0xFFFFFFFF  }
0xc2: {  	_ =	task.clear_ibuf [dreg:s7], $0x2FFFF;
	_ =	strace $0x9FFFFFFF  }
0xc3: {  	(tm) =	ssettm $0x7FFFFFFF  }
tec
execute0_lowered:
.L_overlay_start_1:
0x0: {  	(tag) =	ssettag $0x1  }
0x1: {  	s1 =	rddreg [dreg:$0x0]  }
0x2: {  	s5 =	rddreg [dreg:$0x1]  }
0x3: {  	s3 =	rddreg [dreg:$0x2];
	s4 =	srdreg.scid  }
0x4: {  	s0 =	rddreg [dreg:$0x3];
	s2 =	stileid.u32  }
0x5: {  	s13 =	simm.s32 $0x5;
	s14 =	simm.s32 $0x2A00;
	s15 =	simm.s32 $0x80  }
0x6: {  	s16 =	simm.s32 $0x2800;
	s17 =	simm.s32 $0x1;
	s18 =	simm.s32 $0x2880  }
0x7: {  	s19 =	simm.s32 $0x6A00;
	s20 =	simm.s32 $0x2900;
	s21 =	simm.s32 $0x3  }
0x8: {  	s22 =	simm.s32 $0x2;
	s23 =	simm.s32 $0x2980;
	s24 =	simm.s32 $0x4  }
0x9: {  	s25 =	simm.s32 $0x0;
	s6 =	sand.u32 $0x1, s4;
	s9 =	smul.u32 $0x14000, s2  }
0xa: {  	s4 =	simm.s32 $0x0;
	s7 =	sshll.u32 s2, $0x1;
	s30 =	smul.u32 $0x50000, s2  }
0xb: {  	s8 =	smul.u32 $0x140000, s6;
	[smem:$0x7FF] =	sst s4;
	s7 =	sor.u32 s6, s7  }
0xc: {  	s6 =	ssub.s32 $0x2, s6;
	_ =	strace $0x8000004A;
	s7 =	smul.u32 $0x500, s7  }
0xd: {  	s10 =	sshrl.u32 s6, $0x1;
	s31 =	sshrl.u32 s30, $0x2;
	s8 =	sadd.s32 s9, s8  }
0xe: {  	s10 =	ssub.s32 s6, s10;
	s6 =	sadd.s32 s31, s3;
	s7 =	sadd.s32 s7, s5  }
0xf: {  	s8 =	sshrl.u32 s8, $0x3;
	s9 =	sadd.s32 $0x4000, s6;
	s11 =	sadd.s32 $0xC000, s6  }
0x10: {  	s12 =	sadd.s32 $0x10000, s6;
	s8 =	sadd.s32 s8, s5;
	s5 =	sadd.s32 $0xBC00, s7  }
0x11: {  	v0 =	vimm.f32 $0.0e+00;
	s7 =	sadd.s32 $0x65C00, s8;
	s8 =	smax.u32 s10, $0x1;
	s10 =	sadd.s32 $0x8000, s6  }
.LBB2_1:
0x12: {  	[tilespmem:s4], [sflag:$0x5] =	stream.linear.gather [hbm4b:s5+s4], $0x2780, $0x38;
	[tilespmem:$0x1EA00] =	vst v63  }
0x13: {  	_ =	swait.ge [sflag:s13], $0x2780  }
0x14: {  	[sflag:s13] =	ssyncset.done $0x0  }
0x15: {  	s26 =	simm.s32 $0x0;
	s28 =	simm.s32 $0x200;
	[sflag:s13] =	ssyncadd.s32 $0xFFFFD880  }
.LBB2_2:
0x16: {  	p0 =	sne.s32 s28, $0xFE00;
	[tilespmem:s26+$0x2A70] =	vst v0  }
0x17: {  	[tilespmem:s26+$0x2A00] =	vst v0  }
0x18: {  	[tilespmem:s26+$0x2A10] =	vst v0  }
.Ltmp0:
0x19: {  	[tilespmem:s26+$0x2A20] =	vst v0;
	(pc) =	sbr.rel @p0 .LBB2_2-.Ltmp0, $4  }
0x1a: {  	[tilespmem:s26+$0x2A30] =	vst v0  }
0x1b: {  	[tilespmem:s26+$0x2A40] =	vst v0  }
0x1c: {  	[tilespmem:s26+$0x2A50] =	vst v0  }
0x1d: {  	[tilespmem:s26+$0x2A60] =	vst v0;
	s26 =	sshra.s32 s28, $0x2;
	s28 =	sadd.s32 $0x200, s28  }
0x1e: {  	[tilespmem:s26+$0x2A70] =	vst v0  }
0x1f: {  	[tilespmem:s26+$0x2A00] =	vst v0  }
0x20: {  	[tilespmem:s26+$0x2A10] =	vst v0  }
0x21: {  	[tilespmem:s26+$0x2A20] =	vst v0  }
0x22: {  	[tilespmem:s26+$0x2A30] =	vst v0  }
0x23: {  	[tilespmem:s26+$0x2A40] =	vst v0  }
0x24: {  	[tilespmem:s26+$0x2A50] =	vst v0  }
0x25: {  	[tilespmem:s26+$0x2A60] =	vst v0  }
0x26: {  	[spmem:s6] =	stream.linear.scatter [tilespmem:s14], [sflag:$0x5], $0x4000, $0x38;
	[tilespmem:$0x1EA00] =	vst v63  }
0x27: {  	_ =	swait.ge [sflag:s13], $0x4000  }
0x28: {  	[sflag:s13] =	ssyncset.done $0x0  }
0x29: {  	[sflag:s13] =	ssyncadd.s32 $0xFFFFC000  }
0x2a: {  	[spmem:s9] =	stream.linear.scatter [tilespmem:s14], [sflag:$0x5], $0x4000, $0x38;
	[tilespmem:$0x1EA00] =	vst v63  }
0x2b: {  	_ =	swait.ge [sflag:s13], $0x4000  }
0x2c: {  	[sflag:s13] =	ssyncset.done $0x0  }
0x2d: {  	[sflag:s13] =	ssyncadd.s32 $0xFFFFC000  }
0x2e: {  	[spmem:s10] =	stream.linear.scatter [tilespmem:s14], [sflag:$0x5], $0x4000, $0x38;
	[tilespmem:$0x1EA00] =	vst v63  }
0x2f: {  	_ =	swait.ge [sflag:s13], $0x4000  }
0x30: {  	[sflag:s13] =	ssyncset.done $0x0  }
0x31: {  	[sflag:s13] =	ssyncadd.s32 $0xFFFFC000  }
0x32: {  	[spmem:s11] =	stream.linear.scatter [tilespmem:s14], [sflag:$0x5], $0x4000, $0x38;
	[tilespmem:$0x1EA00] =	vst v63  }
0x33: {  	_ =	swait.ge [sflag:s13], $0x4000  }
0x34: {  	[sflag:s13] =	ssyncset.done $0x0  }
0x35: {  	[sflag:s13] =	ssyncadd.s32 $0xFFFFC000  }
0x36: {  	[spmem:s12] =	stream.linear.scatter [tilespmem:s14], [sflag:$0x5], $0x4000, $0x38;
	[tilespmem:$0x1EA00] =	vst v63  }
0x37: {  	_ =	swait.ge [sflag:s13], $0x4000  }
0x38: {  	[sflag:s13] =	ssyncset.done $0x0  }
0x39: {  	[sflag:s13] =	ssyncadd.s32 $0xFFFFC000  }
0x3a: {  	[bflag:$0x0] =	sbarrier.arrive $0xFFFF  }
0x3b: {  	v1 =	vld [tilespmem:$0x0];
	_ =	sdelay $0x1  }
0x3c: {  	v2 =	vld [tilespmem:$0x10];
	_ =	sdelay $0x1  }
0x3d: {  	v3 =	vld [tilespmem:$0x20]  }
0x3e: {  	v4 =	vand.u32 $0xFFFF, v1  }
0x3f: {  	v62 =	vld [tilespmem:$0x30];
	v1 =	vshra.s32 v1, $0x10;
	[tilespmem:$0x2800] =	vst v4  }
0x40: {  	[tilespmem:$0x2900] =	vst v1;
	v1 =	vand.u32 $0xFFFF, v2  }
0x41: {  	[tilespmem:$0x2810] =	vst v1;
	v1 =	vshra.s32 v2, $0x10;
	v2 =	vld [tilespmem:$0x40]  }
0x42: {  	[tilespmem:$0x2910] =	vst v1;
	v1 =	vand.u32 $0xFFFF, v3  }
0x43: {  	[tilespmem:$0x2820] =	vst v1;
	v1 =	vshra.s32 v3, $0x10;
	v3 =	vld [tilespmem:$0x50]  }
0x44: {  	[tilespmem:$0x2920] =	vst v1;
	v1 =	vand.u32 $0xFFFF, v62  }
0x45: {  	v63 =	vld [tilespmem:$0x60];
	[tilespmem:$0x2830] =	vst v1;
	v1 =	vshra.s32 v62, $0x10  }
0x46: {  	[tilespmem:$0x2930] =	vst v1;
	v1 =	vand.u32 $0xFFFF, v2  }
0x47: {  	[tilespmem:$0x2840] =	vst v1;
	v1 =	vshra.s32 v2, $0x10;
	v2 =	vld [tilespmem:$0x70]  }
0x48: {  	[tilespmem:$0x2940] =	vst v1;
	v1 =	vand.u32 $0xFFFF, v3  }
0x49: {  	[tilespmem:$0x2850] =	vst v1;
	v1 =	vshra.s32 v3, $0x10  }
0x4a: {  	[tilespmem:$0x2950] =	vst v1;
	v1 =	vand.u32 $0xFFFF, v63  }
0x4b: {  	[tilespmem:$0x2860] =	vst v1;
	v1 =	vshra.s32 v63, $0x10  }
0x4c: {  	[tilespmem:$0x2960] =	vst v1;
	v1 =	vand.u32 $0xFFFF, v2  }
0x4d: {  	p0 =	por $0x1, $0x1;
	[tilespmem:$0x2870] =	vst v1;
	v1 =	vshra.s32 v2, $0x10  }
0x4e: {  	s26 =	simm.s32 @!p0 $0x4;
	[tilespmem:$0x2970] =	vst v1  }
0x4f: {  	[tilespmem:s14], [sflag:$0x1] =	stream.indirect.gather [hbm4b:s1+s15], $0x80, s16, s15, $0xb8;
	[tilespmem:$0x1EA00] =	vst v63  }
0x50: {  	_ =	swait.ge @!p0 [sflag:s26], $0x4000  }
0x51: {  	[sflag:s26] =	ssyncset.done @!p0 $0x0  }
0x52: {  	[sflag:s26] =	ssyncadd.s32 @!p0 $0xFFFFC000;
	s26 =	simm.s32 $0x0  }
0x53: {  	v1 =	vld [tilespmem:s26+$0x80];
	_ =	sdelay $0x4  }
0x54: {  	v2 =	vand.u32 $0xFFFF, v1  }
0x55: {  	v1 =	vshra.s32 v1, $0x10;
	[tilespmem:$0x2880] =	vst v2  }
0x56: {  	[tilespmem:$0x2980] =	vst v1  }
0x57: {  	v1 =	vld [tilespmem:s26+$0x90];
	_ =	sdelay $0x4  }
0x58: {  	v2 =	vand.u32 $0xFFFF, v1  }
0x59: {  	v1 =	vshra.s32 v1, $0x10;
	[tilespmem:$0x2890] =	vst v2  }
0x5a: {  	[tilespmem:$0x2990] =	vst v1  }
0x5b: {  	v1 =	vld [tilespmem:s26+$0xA0];
	_ =	sdelay $0x4  }
0x5c: {  	v2 =	vand.u32 $0xFFFF, v1  }
0x5d: {  	v1 =	vshra.s32 v1, $0x10;
	[tilespmem:$0x28A0] =	vst v2  }
0x5e: {  	[tilespmem:$0x29A0] =	vst v1  }
0x5f: {  	v1 =	vld [tilespmem:s26+$0xB0];
	_ =	sdelay $0x4  }
0x60: {  	v2 =	vand.u32 $0xFFFF, v1  }
0x61: {  	v1 =	vshra.s32 v1, $0x10;
	[tilespmem:$0x28B0] =	vst v2  }
0x62: {  	[tilespmem:$0x29B0] =	vst v1  }
0x63: {  	v1 =	vld [tilespmem:s26+$0xC0];
	_ =	sdelay $0x4  }
0x64: {  	v2 =	vand.u32 $0xFFFF, v1  }
0x65: {  	v1 =	vshra.s32 v1, $0x10;
	[tilespmem:$0x28C0] =	vst v2  }
0x66: {  	[tilespmem:$0x29C0] =	vst v1  }
0x67: {  	v1 =	vld [tilespmem:s26+$0xD0];
	_ =	sdelay $0x4  }
0x68: {  	v2 =	vand.u32 $0xFFFF, v1  }
0x69: {  	v1 =	vshra.s32 v1, $0x10;
	[tilespmem:$0x28D0] =	vst v2  }
0x6a: {  	[tilespmem:$0x29D0] =	vst v1  }
0x6b: {  	v1 =	vld [tilespmem:s26+$0xE0];
	_ =	sdelay $0x4  }
0x6c: {  	v2 =	vand.u32 $0xFFFF, v1  }
0x6d: {  	v1 =	vshra.s32 v1, $0x10;
	[tilespmem:$0x28E0] =	vst v2  }
0x6e: {  	[tilespmem:$0x29E0] =	vst v1  }
0x6f: {  	v1 =	vld [tilespmem:s26+$0xF0];
	_ =	sdelay $0x4  }
0x70: {  	v2 =	vand.u32 $0xFFFF, v1  }
0x71: {  	v1 =	vshra.s32 v1, $0x10;
	[tilespmem:$0x28F0] =	vst v2  }
0x72: {  	[tilespmem:$0x29F0] =	vst v1  }
0x73: {  	_ =	swait.ge [sflag:s17], $0x4000  }
0x74: {  	[sflag:s17] =	ssyncset.done $0x0  }
0x75: {  	[sflag:s17] =	ssyncadd.s32 $0xFFFFC000  }
0x76: {  	[tilespmem:s19], [sflag:$0x2] =	stream.indirect.gather [hbm4b:s1+s15], $0x80, s18, s15, $0xb8;
	[tilespmem:$0x1EA00] =	vst v63  }
0x77: {  	_ = 	snop  }
0x78: {  	[spmem:s3] =	stream.indirect.scatter.add.f32 [tilespmem:s14], [sflag:$0x3], $0x80, s20, s15, $0xb8;
	[tilespmem:$0x1EA00] =	vst v63  }
0x79: {  	_ =	swait.ge [sflag:s21], $0x4000  }
0x7a: {  	[sflag:s21] =	ssyncset.done $0x0  }
0x7b: {  	[sflag:s21] =	ssyncadd.s32 $0xFFFFC000  }
0x7c: {  	v1 =	vld [tilespmem:s26+$0x100];
	_ =	sdelay $0x4  }
0x7d: {  	v2 =	vand.u32 $0xFFFF, v1  }
0x7e: {  	v1 =	vshra.s32 v1, $0x10;
	[tilespmem:$0x2800] =	vst v2  }
0x7f: {  	[tilespmem:$0x2900] =	vst v1  }
0x80: {  	v1 =	vld [tilespmem:s26+$0x110];
	_ =	sdelay $0x4  }
0x81: {  	v2 =	vand.u32 $0xFFFF, v1  }
0x82: {  	v1 =	vshra.s32 v1, $0x10;
	[tilespmem:$0x2810] =	vst v2  }
0x83: {  	[tilespmem:$0x2910] =	vst v1  }
0x84: {  	v1 =	vld [tilespmem:s26+$0x120];
	_ =	sdelay $0x4  }
0x85: {  	v2 =	vand.u32 $0xFFFF, v1  }
0x86: {  	v1 =	vshra.s32 v1, $0x10;
	[tilespmem:$0x2820] =	vst v2  }
0x87: {  	[tilespmem:$0x2920] =	vst v1  }
0x88: {  	v1 =	vld [tilespmem:s26+$0x130];
	_ =	sdelay $0x4  }
0x89: {  	v2 =	vand.u32 $0xFFFF, v1  }
0x8a: {  	v1 =	vshra.s32 v1, $0x10;
	[tilespmem:$0x2830] =	vst v2  }
0x8b: {  	[tilespmem:$0x2930] =	vst v1  }
0x8c: {  	v1 =	vld [tilespmem:s26+$0x140];
	_ =	sdelay $0x4  }
0x8d: {  	v2 =	vand.u32 $0xFFFF, v1  }
0x8e: {  	v1 =	vshra.s32 v1, $0x10;
	[tilespmem:$0x2840] =	vst v2  }
0x8f: {  	[tilespmem:$0x2940] =	vst v1  }
0x90: {  	v1 =	vld [tilespmem:s26+$0x150];
	_ =	sdelay $0x4  }
0x91: {  	v2 =	vand.u32 $0xFFFF, v1  }
0x92: {  	v1 =	vshra.s32 v1, $0x10;
	[tilespmem:$0x2850] =	vst v2  }
0x93: {  	[tilespmem:$0x2950] =	vst v1  }
0x94: {  	s28 =	simm.s32 $0x400;
	v1 =	vld [tilespmem:s26+$0x160]  }
.LBB2_4:
0x95: {  	_ =	sdelay $0x2  }
0x96: {  	s29 =	smov.u32 s28;
	s28 =	sadd.s32 $0x400, s28  }
0x97: {  	p0 =	sne.s32 s28, $0x9C00;
	v2 =	vand.u32 $0xFFFF, v1;
	v1 =	vshra.s32 v1, $0x10  }
0x98: {  	[tilespmem:$0x2860] =	vst v2  }
0x99: {  	[tilespmem:$0x2960] =	vst v1  }
0x9a: {  	v1 =	vld [tilespmem:s26+$0x170];
	_ =	sdelay $0x4  }
0x9b: {  	v2 =	vand.u32 $0xFFFF, v1;
	v1 =	vshra.s32 v1, $0x10  }
0x9c: {  	[tilespmem:$0x2870] =	vst v2  }
0x9d: {  	[tilespmem:$0x2970] =	vst v1  }
0x9e: {  	_ =	swait.ge [sflag:s22], $0x4000  }
0x9f: {  	[sflag:s22] =	ssyncset.done $0x0  }
0xa0: {  	p1 =	seq.s32 s29, $0x0;
	[sflag:s22] =	ssyncadd.s32 $0xFFFFC000  }
0xa1: {  	[tilespmem:s14], [sflag:$0x1] =	stream.indirect.gather [hbm4b:s1+s15], $0x80, s16, s15, $0xb8;
	[tilespmem:$0x1EA00] =	vst v63  }
0xa2: {  	s26 =	simm.s32 @!p1 $0x4  }
0xa3: {  	[spmem:s3] =	stream.indirect.scatter.add.f32 [tilespmem:s19], [sflag:$0x4], $0x80, s23, s15, $0xb8;
	[tilespmem:$0x1EA00] =	vst v63  }
0xa4: {  	_ =	swait.ge @!p1 [sflag:s26], $0x4000  }
0xa5: {  	[sflag:s26] =	ssyncset.done @!p1 $0x0  }
0xa6: {  	[sflag:s26] =	ssyncadd.s32 @!p1 $0xFFFFC000;
	s26 =	sshra.s32 s29, $0x2  }
0xa7: {  	v1 =	vld [tilespmem:s26+$0x80];
	_ =	sdelay $0x4  }
0xa8: {  	v2 =	vand.u32 $0xFFFF, v1;
	v1 =	vshra.s32 v1, $0x10  }
0xa9: {  	[tilespmem:$0x2880] =	vst v2  }
0xaa: {  	[tilespmem:$0x2980] =	vst v1  }
0xab: {  	v1 =	vld [tilespmem:s26+$0x90];
	_ =	sdelay $0x4  }
0xac: {  	v2 =	vand.u32 $0xFFFF, v1;
	v1 =	vshra.s32 v1, $0x10  }
0xad: {  	[tilespmem:$0x2890] =	vst v2  }
0xae: {  	[tilespmem:$0x2990] =	vst v1  }
0xaf: {  	v1 =	vld [tilespmem:s26+$0xA0];
	_ =	sdelay $0x4  }
0xb0: {  	v2 =	vand.u32 $0xFFFF, v1;
	v1 =	vshra.s32 v1, $0x10  }
0xb1: {  	[tilespmem:$0x28A0] =	vst v2  }
0xb2: {  	[tilespmem:$0x29A0] =	vst v1  }
0xb3: {  	v1 =	vld [tilespmem:s26+$0xB0];
	_ =	sdelay $0x4  }
0xb4: {  	v2 =	vand.u32 $0xFFFF, v1;
	v1 =	vshra.s32 v1, $0x10  }
0xb5: {  	[tilespmem:$0x28B0] =	vst v2  }
0xb6: {  	[tilespmem:$0x29B0] =	vst v1  }
0xb7: {  	v1 =	vld [tilespmem:s26+$0xC0];
	_ =	sdelay $0x4  }
0xb8: {  	v2 =	vand.u32 $0xFFFF, v1;
	v1 =	vshra.s32 v1, $0x10  }
0xb9: {  	[tilespmem:$0x28C0] =	vst v2  }
0xba: {  	[tilespmem:$0x29C0] =	vst v1  }
0xbb: {  	v1 =	vld [tilespmem:s26+$0xD0];
	_ =	sdelay $0x4  }
0xbc: {  	v2 =	vand.u32 $0xFFFF, v1;
	v1 =	vshra.s32 v1, $0x10  }
0xbd: {  	[tilespmem:$0x28D0] =	vst v2  }
0xbe: {  	[tilespmem:$0x29D0] =	vst v1  }
0xbf: {  	v1 =	vld [tilespmem:s26+$0xE0];
	_ =	sdelay $0x4  }
0xc0: {  	v2 =	vand.u32 $0xFFFF, v1;
	v1 =	vshra.s32 v1, $0x10  }
0xc1: {  	[tilespmem:$0x28E0] =	vst v2  }
0xc2: {  	[tilespmem:$0x29E0] =	vst v1  }
0xc3: {  	v1 =	vld [tilespmem:s26+$0xF0];
	_ =	sdelay $0x4  }
0xc4: {  	v2 =	vand.u32 $0xFFFF, v1;
	v1 =	vshra.s32 v1, $0x10  }
0xc5: {  	[tilespmem:$0x28F0] =	vst v2  }
0xc6: {  	[tilespmem:$0x29F0] =	vst v1  }
0xc7: {  	_ =	swait.ge [sflag:s17], $0x4000  }
0xc8: {  	[sflag:s17] =	ssyncset.done $0x0  }
0xc9: {  	[sflag:s17] =	ssyncadd.s32 $0xFFFFC000  }
0xca: {  	[tilespmem:s19], [sflag:$0x2] =	stream.indirect.gather [hbm4b:s1+s15], $0x80, s18, s15, $0xb8;
	[tilespmem:$0x1EA00] =	vst v63  }
0xcb: {  	_ = 	snop  }
0xcc: {  	[spmem:s3] =	stream.indirect.scatter.add.f32 [tilespmem:s14], [sflag:$0x3], $0x80, s20, s15, $0xb8;
	[tilespmem:$0x1EA00] =	vst v63  }
0xcd: {  	_ =	swait.ge [sflag:s21], $0x4000  }
0xce: {  	[sflag:s21] =	ssyncset.done $0x0  }
0xcf: {  	[sflag:s21] =	ssyncadd.s32 $0xFFFFC000  }
0xd0: {  	v1 =	vld [tilespmem:s26+$0x100];
	_ =	sdelay $0x4  }
0xd1: {  	v2 =	vand.u32 $0xFFFF, v1;
	v1 =	vshra.s32 v1, $0x10  }
0xd2: {  	[tilespmem:$0x2800] =	vst v2  }
0xd3: {  	[tilespmem:$0x2900] =	vst v1  }
0xd4: {  	v1 =	vld [tilespmem:s26+$0x110];
	_ =	sdelay $0x4  }
0xd5: {  	v2 =	vand.u32 $0xFFFF, v1;
	v1 =	vshra.s32 v1, $0x10  }
0xd6: {  	[tilespmem:$0x2810] =	vst v2  }
0xd7: {  	[tilespmem:$0x2910] =	vst v1  }
0xd8: {  	v1 =	vld [tilespmem:s26+$0x120];
	_ =	sdelay $0x4  }
0xd9: {  	v2 =	vand.u32 $0xFFFF, v1;
	v1 =	vshra.s32 v1, $0x10  }
0xda: {  	[tilespmem:$0x2820] =	vst v2  }
0xdb: {  	[tilespmem:$0x2920] =	vst v1  }
0xdc: {  	v1 =	vld [tilespmem:s26+$0x130];
	_ =	sdelay $0x4  }
0xdd: {  	v2 =	vand.u32 $0xFFFF, v1;
	v1 =	vshra.s32 v1, $0x10  }
0xde: {  	[tilespmem:$0x2830] =	vst v2  }
0xdf: {  	[tilespmem:$0x2930] =	vst v1  }
0xe0: {  	v1 =	vld [tilespmem:s26+$0x140];
	_ =	sdelay $0x4  }
0xe1: {  	v2 =	vand.u32 $0xFFFF, v1;
	v1 =	vshra.s32 v1, $0x10  }
0xe2: {  	[tilespmem:$0x2840] =	vst v2  }
0xe3: {  	[tilespmem:$0x2940] =	vst v1  }
0xe4: {  	v1 =	vld [tilespmem:s26+$0x150];
	_ =	sdelay $0x3  }
.Ltmp1:
0xe5: {  	(pc) =	sbr.rel @p0 .LBB2_4-.Ltmp1, $4  }
0xe6: {  	v2 =	vand.u32 $0xFFFF, v1;
	v1 =	vshra.s32 v1, $0x10  }
0xe7: {  	[tilespmem:$0x2850] =	vst v2  }
0xe8: {  	[tilespmem:$0x2950] =	vst v1  }
0xe9: {  	v1 =	vld [tilespmem:s26+$0x160]  }
0xea: {  	_ =	sdelay $0x3  }
0xeb: {  	v2 =	vand.u32 $0xFFFF, v1  }
0xec: {  	v1 =	vshra.s32 v1, $0x10;
	[tilespmem:$0x2860] =	vst v2  }
0xed: {  	[tilespmem:$0x2960] =	vst v1  }
0xee: {  	v1 =	vld [tilespmem:s26+$0x170];
	_ =	sdelay $0x4  }
0xef: {  	v2 =	vand.u32 $0xFFFF, v1  }
0xf0: {  	v1 =	vshra.s32 v1, $0x10;
	[tilespmem:$0x2870] =	vst v2  }
0xf1: {  	[tilespmem:$0x2970] =	vst v1  }
0xf2: {  	_ =	swait.ge [sflag:s22], $0x4000  }
0xf3: {  	[sflag:s22] =	ssyncset.done $0x0  }
0xf4: {  	[sflag:s22] =	ssyncadd.s32 $0xFFFFC000  }
0xf5: {  	[tilespmem:s14], [sflag:$0x1] =	stream.indirect.gather [hbm4b:s1+s15], $0x80, s16, s15, $0xb8;
	[tilespmem:$0x1EA00] =	vst v63  }
0xf6: {  	_ = 	snop  }
0xf7: {  	[spmem:s3] =	stream.indirect.scatter.add.f32 [tilespmem:s19], [sflag:$0x4], $0x80, s23, s15, $0xb8;
	[tilespmem:$0x1EA00] =	vst v63  }
0xf8: {  	_ =	swait.ge [sflag:s24], $0x4000  }
0xf9: {  	[sflag:s24] =	ssyncset.done $0x0  }
0xfa: {  	[sflag:s24] =	ssyncadd.s32 $0xFFFFC000  }
0xfb: {  	_ =	swait.ge [sflag:s17], $0x4000  }
0xfc: {  	[sflag:s17] =	ssyncset.done $0x0  }
0xfd: {  	[sflag:s17] =	ssyncadd.s32 $0xFFFFC000  }
0xfe: {  	[spmem:s3] =	stream.indirect.scatter.add.f32 [tilespmem:s14], [sflag:$0x5], $0x80, s20, s15, $0xb8;
	[tilespmem:$0x1EA00] =	vst v63  }
0xff: {  	_ =	swait.ge [sflag:s13], $0x4000  }
0x100: {  	s31 =	sshll.u32 s2, $0x6;
	s25 =	sadd.s32 $0x1, s25;
	[sflag:s13] =	ssyncset.done $0x0  }
0x101: {  	s28 =	sshrl.u32 s6, $0x3;
	p0 =	sne.s32 s25, s8;
	[sflag:s13] =	ssyncadd.s32 $0xFFFFC000  }
.Ltmp2:
0x102: {  	s26 =	sor.u32 $0x1C05, s31;
	[bflag:$0x0] =	sbarrier.arrive $0xFFFF;
	(pc) =	sbr.rel @p0 .LBB2_1-.Ltmp2, $4  }
0x103: {  	[hbm:s7], [sflag:s26] =	dma.local [spmem:s28], $0x2800  }
0x104: {  	_ =	swait.ge [sflag:s13], $0x2800  }
0x105: {  	[sflag:s13] =	ssyncset.done $0x0  }
0x106: {  	[sflag:s13] =	ssyncadd.s32 $0xFFFFD800  }
0x107: {  	_ =	sfence.sel $0x180000  }
0x108: {  	[bflag:$0x0] =	sbarrier.arrive $0xFFFF  }
0x109: {  	p0 =	sne.s32 s2, $0x0;
	_ =	strace $0x9000004A  }
0x10a: {  	s0 =	sadd.s32 @!p0 $0x100000, s0;
	[bflag:$0x2] =	sbarrier.arrive $0xFFFF  }
0x10b: {  	[sflag:s0] =	ssyncadd.tile.s32 @!p0 $0x1;
	_ =	shalt  }
.Lfunc_end2:
_tile_overlayer_lowered:
.L_overlay_start_2:
0x10c: {  	(tag) =	ssettag $0x2  }
0x10d: {  	s0 =	rddreg [dreg:$0x0];
	s2 =	stileid.u32  }
0x10e: {  	s1 =	rddreg [dreg:$0x1];
	p0 =	sne.s32 s2, $0x0  }
0x10f: {  	s3 =	rddreg [dreg:$0x2];
	[bflag:$0x3] =	sbarrier.arrive $0xFFFF;
	s2 =	simm.s32 @!p0 $0x1C05  }
0x110: {  	[timem:s3], [sflag:s2] =	dma.local @!p0 [hbm:s0], s1  }
0x111: {  	s0 =	simm.s32 @!p0 $0x5  }
0x112: {  	_ =	swait.ge @!p0 [sflag:s0], s1  }
0x113: {  	s1 =	ssub.s32 @!p0 $0x0, s1;
	[sflag:s0] =	ssyncset.done @!p0 $0x0  }
0x114: {  	[sflag:s0] =	ssyncadd.s32 @!p0 s1  }
0x115: {  	[bflag:$0x3] =	sbarrier.arrive $0xFFFF  }
0x116: {  	_ =	shalt  }

// kernel: kernel.14.cloned.1.call-start
scs
__scs_entry_jumppad:
0x0: {  	(pc) =	sbr.rel $0x88, $3  }
0x1: {  	(tag) =	ssettag $0x0;
	lr =	simm.s32 $0x1  }
0x2: {  	[smem:$0x3F9D] =	sst lr;
	_ =	strace $0xD0000000  }
0x3: {  	_ = 	snop  }
0x4: {  	_ = 	snop  }
0x5: {  	_ = 	snop  }
0x6: {  	_ = 	snop  }
0x7: {  	_ = 	snop  }
__scs_overlays_trampoline_lowered:
0x8: {  	[smem:$0x3FAC] =	sst s0  }
0x9: {  	[smem:$0x3FAD] =	sst s1  }
0xa: {  	[smem:$0x3FAE] =	sst s2  }
0xb: {  	[smem:$0x3FAF] =	sst s3  }
0xc: {  	[smem:$0x3FB0] =	sst s4  }
0xd: {  	[smem:$0x3FB1] =	sst s5  }
0xe: {  	[smem:$0x3FB2] =	sst s6  }
0xf: {  	[smem:$0x3FB3] =	sst s7  }
0x10: {  	[smem:$0x3FB4] =	sst s8  }
0x11: {  	[smem:$0x3FB5] =	sst s9;
	s0 =	simm.s32 @!p0 $0x0  }
0x12: {  	s1 =	sld [smem:$0x3F9B];
	s0 =	simm.s32 @p0 $0x1  }
0x13: {  	[smem:$0x3FB6] =	sst s0;
	s0 =	simm.s32 @!p1 $0x0  }
0x14: {  	s2 =	sld [smem:$0x3F9A];
	s0 =	simm.s32 @p1 $0x1  }
0x15: {  	[smem:$0x3FB7] =	sst s0;
	s0 =	simm.s32 @!p2 $0x0  }
0x16: {  	s3 =	sld [smem:$0x3FDB];
	s0 =	simm.s32 @p2 $0x1  }
0x17: {  	s4 =	simm.s32 $0x1BF5;
	[smem:$0x3FB9] =	sst s0  }
0x18: {  	s0 =	sld [smem:$0x3F9C];
	_ =	swait.ge [sflag:s4], $0x0  }
0x19: {  	s7 =	sld [smem:$0x3F9D]  }
0x1a: {  	s8 =	sadd.s32 $0xFFFFE003, lr  }
0x1b: {  	s9 =	sadd.s32 $0xFFFFFEF7, lr;
	s5 =	simm.s32 $0xFFFFFFFF;
	p2 =	slt.u32 s8, $0xFFFFF086  }
0x1c: {  	p1 =	slt.u32 s9, $0xF7A;
	s5 =	simm.s32 @!p2 $0x0  }
0x1d: {  	s5 =	simm.s32 @p1 $0x1;
	p0 =	seq.s32 s7, s2  }
0x1e: {  	s7 =	smul.u32 @!p0 $0xF7A, s2;
	p2 =	seq.s32 @!p0 s5, $0x0  }
0x1f: {  	s9 =	smul.u32 $0xF7A, s1;
	s8 =	simm.s32 @!p0 $0x1BF5;
	p2 =	por !p2, p0  }
0x20: {  	[sflag:s8] =	ssyncset.s32 @!p0 $0xFFFFF086;
	s6 =	sadd.s32 @!p0 s3, s7;
	s7 =	simm.s32 @!p0 $0x108  }
0x21: {  	s3 =	sadd.s32 s3, s9;
	s6 =	sadd.s32 @!p0 $0x88, s6;
	s7 =	simm.s32 @p2 $0x1082  }
0x22: {  	[simem:s7], [sflag:s8] =	dma.local @!p0 [hbm:s6], $0xF7A  }
0x23: {  	s9 =	sor.u32 $0xD0000000, s2;
	s6 =	simm.s32 $0x108;
	_ =	swait.ge @!p0 [sflag:s8], $0x0  }
0x24: {  	s3 =	sadd.s32 $0x88, s3;
	s6 =	simm.s32 @!p1 $0x1082;
	[sflag:s4] =	ssyncset.s32 $0xFFFFF086  }
0x25: {  	[simem:s6], [sflag:s4] =	dma.local [hbm:s3], $0xF7A  }
0x26: {  	[smem:$0x3F9D] =	sst s1;
	(tag) =	ssettag s2;
	_ =	strace s9  }
0x27: {  	s1 =	sld [smem:$0x3FAD]  }
0x28: {  	s2 =	sld [smem:$0x3FAE]  }
0x29: {  	s4 =	sld [smem:$0x3FB0]  }
0x2a: {  	p0 =	seq.s32 s5, $0x0;
	s5 =	sld [smem:$0x3FB1]  }
0x2b: {  	s6 =	sld [smem:$0x3FB2]  }
0x2c: {  	s7 =	sld [smem:$0x3FB3]  }
0x2d: {  	s3 =	simm.s32 $0x108;
	s8 =	sld [smem:$0x3FB4]  }
0x2e: {  	s3 =	simm.s32 @!p0 $0x1082;
	s9 =	sld [smem:$0x3FB5]  }
0x2f: {  	lr =	sadd.s32 s0, s3;
	s0 =	sld [smem:$0x3FAC]  }
0x30: {  	s3 =	sld [smem:$0x3FAF]  }
0x31: {  	[smem:$0x3FB8] =	sst s10  }
0x32: {  	s10 =	sld [smem:$0x3FB6];
	_ =	sdelay $0x3  }
0x33: {  	p0 =	seq.s32 s10, $0x1;
	s10 =	sld [smem:$0x3FB8];
	_ =	sdelay $0x3  }
0x34: {  	[smem:$0x3FB8] =	sst s10  }
0x35: {  	s10 =	sld [smem:$0x3FB7];
	_ =	sdelay $0x3  }
0x36: {  	p1 =	seq.s32 s10, $0x1;
	s10 =	sld [smem:$0x3FB8];
	_ =	sdelay $0x3  }
0x37: {  	[smem:$0x3FB8] =	sst s10  }
0x38: {  	s10 =	sld [smem:$0x3FB9]  }
0x39: {  	_ = 	snop;
	(pc) =	sbr.ind lr, $3  }
0x3a: {  	_ = 	snop  }
0x3b: {  	_ = 	snop  }
0x3c: {  	p2 =	seq.s32 s10, $0x1;
	s10 =	sld [smem:$0x3FB8]  }
0x3d: {  	_ =	shalt  }
0x3e: {  	_ =	shalt  }
0x3f: {  	_ =	shalt  }
0x40: {  	_ =	shalt  }
0x41: {  	_ =	shalt  }
0x42: {  	_ =	shalt  }
0x43: {  	_ =	shalt  }
0x44: {  	_ =	shalt  }
0x45: {  	_ =	shalt  }
0x46: {  	_ =	shalt  }
0x47: {  	_ =	shalt  }
0x48: {  	_ =	shalt  }
0x49: {  	_ =	shalt  }
0x4a: {  	_ =	shalt  }
0x4b: {  	_ =	shalt  }
0x4c: {  	_ =	shalt  }
0x4d: {  	_ =	shalt  }
0x4e: {  	_ =	shalt  }
0x4f: {  	_ =	shalt  }
0x50: {  	_ =	shalt  }
0x51: {  	_ =	shalt  }
0x52: {  	_ =	shalt  }
0x53: {  	_ =	shalt  }
0x54: {  	_ =	shalt  }
0x55: {  	_ =	shalt  }
0x56: {  	_ =	shalt  }
0x57: {  	_ =	shalt  }
0x58: {  	_ =	shalt  }
0x59: {  	_ =	shalt  }
0x5a: {  	_ =	shalt  }
0x5b: {  	_ =	shalt  }
0x5c: {  	_ =	shalt  }
0x5d: {  	_ =	shalt  }
0x5e: {  	_ =	shalt  }
0x5f: {  	_ =	shalt  }
0x60: {  	_ =	shalt  }
0x61: {  	_ =	shalt  }
0x62: {  	_ =	shalt  }
0x63: {  	_ =	shalt  }
0x64: {  	_ =	shalt  }
0x65: {  	_ =	shalt  }
0x66: {  	_ =	shalt  }
0x67: {  	_ =	shalt  }
0x68: {  	_ =	shalt  }
0x69: {  	_ =	shalt  }
0x6a: {  	_ =	shalt  }
0x6b: {  	_ =	shalt  }
0x6c: {  	_ =	shalt  }
0x6d: {  	_ =	shalt  }
0x6e: {  	_ =	shalt  }
0x6f: {  	_ =	shalt  }
0x70: {  	_ =	shalt  }
0x71: {  	_ =	shalt  }
0x72: {  	_ =	shalt  }
0x73: {  	_ =	shalt  }
0x74: {  	_ =	shalt  }
0x75: {  	_ =	shalt  }
0x76: {  	_ =	shalt  }
0x77: {  	_ =	shalt  }
0x78: {  	_ =	shalt  }
0x79: {  	_ =	shalt  }
0x7a: {  	_ =	shalt  }
0x7b: {  	_ =	shalt  }
0x7c: {  	_ =	shalt  }
0x7d: {  	_ =	shalt  }
0x7e: {  	_ =	shalt  }
0x7f: {  	_ =	shalt  }
0x80: {  	_ =	shalt  }
0x81: {  	_ =	shalt  }
0x82: {  	_ =	shalt  }
0x83: {  	_ =	shalt  }
0x84: {  	_ =	shalt  }
0x85: {  	_ =	shalt  }
0x86: {  	_ =	shalt  }
0x87: {  	_ =	shalt  }
.Lfunc_end0:
.L_simem_size_0:
called_computation.2_lowered:
.L_overlay_start_0:
0x88: {  	s2 =	sld [smem:$0x3FD9]  }
0x89: {  	s3 =	sld [smem:$0x3FFE];
	_ =	sdelay $0x1  }
0x8a: {  	s1 =	srdreg.scid  }
0x8b: {  	s0 =	sand.u32 $0x1, s1  }
0x8c: {  	s17 =	sshll.u32 s0, $0xA;
	s2 =	sadd.s32 s3, s2  }
0x8d: {  	s2 =	sadd.s32 s2, s17  }
0x8e: {  	[smem:$0x3FC4] =	sst s2  }
0x8f: {  	_ = 	snop  }
0x90: {  	s2 =	sld [smem:$0x3FD0];
	(tm) =	ssettm $0x1  }
0x91: {  	s18 =	sld [smem:$0x3FFB];
	_ =	sdelay $0x3  }
0x92: {  	_ =	strace s18  }
0x93: {  	s3 =	sld [smem:$0x3FFC];
	_ =	sdelay $0x3  }
0x94: {  	_ =	strace s3  }
0x95: {  	s3 =	sld [smem:$0x3FFD];
	_ =	sdelay $0x3  }
0x96: {  	_ =	strace s3  }
0x97: {  	_ =	strace $0x8FFFFFFF  }
0x98: {  	s19 =	sld [smem:$0x3FDB];
	_ =	sdelay $0x1  }
0x99: {  	s4 =	simm.s32 $_scs_section_size  }
0x9a: {  	s5 =	simm.s32 $_size__tile_overlayer_lowered;
	s6 =	simm.s32 $_tile_overlayer_lowered  }
0x9b: {  	s22 =	simm.s32 $0x1BFF;
	s21 =	sshll.u32 s6, $0x1;
	s3 =	sadd.s32 s4, s19  }
0x9c: {  	s7 =	simm.s32 $0x0;
	s20 =	sshll.u32 s5, $0x1;
	s5 =	sadd.s32 s21, s3  }
0x9d: {  	[timem:s7], [sflag:s22] =	dma.local [hbm:s5], s20  }
0x9e: {  	_ =	swait.ge [sflag:s22], s20  }
0x9f: {  	s4 =	ssub.s32 $0x0, s20;
	[sflag:s22] =	ssyncset.done $0x0  }
0xa0: {  	[sflag:s22] =	ssyncadd.s32 s4;
	_ =	sdelay $0x1  }
0xa1: {  	s23 =	simm.s32 $0x1B8B  }
0xa2: {  	_ =	swait.ge [sflag:s23], $0x1  }
0xa3: {  	[sflag:s23] =	ssyncset.done $0x0  }
0xa4: {  	s25 =	simm.s32 $0x1B8E;
	s24 =	sld [smem:$0x3FFE];
	[sflag:s23] =	ssyncadd.s32 $0xFFFFFFFF  }
0xa5: {  	s26 =	simm.s32 $execute0_lowered;
	[smem:$0x3FD2] =	sst s25  }
0xa6: {  	s5 =	sshll.u32 s26, $0x1;
	_ =	strace $0x8000004C;
	[dreg:$0x1] =	wrdreg $0xFFFFFFFF  }
0xa7: {  	s28 =	simm.s32 $_size_execute0_lowered;
	s3 =	sadd.s32 s3, s5;
	[dreg:$0x0] =	wrdreg $0x0  }
0xa8: {  	s5 =	sshll.u32 s28, $0x1;
	[dreg:$0x2] =	wrdreg s3  }
0xa9: {  	[dreg:$0x3] =	wrdreg s5  }
0xaa: {  	[dreg:$0x4] =	wrdreg $0xC0  }
0xab: {  	_ =	task [dreg:s7], $0x5FFFF  }
0xac: {  	[dreg:$0x1] =	wrdreg $0xFFFFFFFF  }
0xad: {  	[dreg:$0x0] =	wrdreg $0x60  }
0xae: {  	[dreg:$0x2] =	wrdreg s2  }
0xaf: {  	[dreg:$0x3] =	wrdreg s24  }
0xb0: {  	[dreg:$0x4] =	wrdreg $0xAA000  }
0xb1: {  	[dreg:$0x5] =	wrdreg $0x9  }
0xb2: {  	_ =	task.clear_ibuf [dreg:s7], $0x6FFFF;
	_ =	strace $0x9000004C  }
0xb3: {  	s29 =	simm.s32 $0x9;
	_ =	strace $0x8000004E  }
0xb4: {  	_ =	swait.ge [sflag:s29], $0x1  }
0xb5: {  	[sflag:s29] =	ssyncadd.s32 $0xFFFFFFFF  }
0xb6: {  	_ =	strace $0x9000004E  }
0xb7: {  	_ =	sfence  }
0xb8: {  	s30 =	sld [smem:$0x0];
	_ =	sdelay $0x2  }
0xb9: {  	s31 =	sshll.u32 s1, $0xD;
	s1 =	sshrl.u32 s1, $0x2  }
0xba: {  	s3 =	sand.u32 $0x4000, s31;
	s1 =	sadd.s32 s1, s30  }
0xbb: {  	s0 =	sor.u32 s3, s0;
	s1 =	sshll.u32 s1, $0x11  }
0xbc: {  	s0 =	sor.u32 s1, s0  }
0xbd: {  	s0 =	sadd.s32 $0x8F2B, s0  }
0xbe: {  	[sflag:s0] =	ssyncadd.remote.s32 $0x1  }
0xbf: {  	_ =	sfence.sel $0xFFFF  }
0xc0: {  	[dreg:$0x0] =	wrdreg $0xFFFFFFFF;
	(pc) =	sbr.abs _section_cstart, $3  }
0xc1: {  	[dreg:$0x1] =	wrdreg $0xFFFFFFFF  }
0xc2: {  	_ =	task.clear_ibuf [dreg:s7], $0x2FFFF;
	_ =	strace $0x9FFFFFFF  }
0xc3: {  	(tm) =	ssettm $0x7FFFFFFF  }
tec
execute0_lowered:
.L_overlay_start_1:
0x0: {  	(tag) =	ssettag $0x1  }
0x1: {  	s1 =	rddreg [dreg:$0x0]  }
0x2: {  	s5 =	rddreg [dreg:$0x1]  }
0x3: {  	s3 =	rddreg [dreg:$0x2];
	s4 =	srdreg.scid  }
0x4: {  	s0 =	rddreg [dreg:$0x3];
	s2 =	stileid.u32  }
0x5: {  	s13 =	simm.s32 $0x5;
	s14 =	simm.s32 $0x2A00;
	s15 =	simm.s32 $0x80  }
0x6: {  	s16 =	simm.s32 $0x2800;
	s17 =	simm.s32 $0x1;
	s18 =	simm.s32 $0x2880  }
0x7: {  	s19 =	simm.s32 $0x6A00;
	s20 =	simm.s32 $0x2900;
	s21 =	simm.s32 $0x3  }
0x8: {  	s22 =	simm.s32 $0x2;
	s23 =	simm.s32 $0x2980;
	s24 =	simm.s32 $0x4  }
0x9: {  	s25 =	simm.s32 $0x0;
	s6 =	sand.u32 $0x1, s4;
	s9 =	smul.u32 $0x14000, s2  }
0xa: {  	s4 =	simm.s32 $0x0;
	s7 =	sshll.u32 s2, $0x1;
	s30 =	smul.u32 $0x50000, s2  }
0xb: {  	s8 =	smul.u32 $0x140000, s6;
	[smem:$0x7FF] =	sst s4;
	s7 =	sor.u32 s6, s7  }
0xc: {  	s6 =	ssub.s32 $0x2, s6;
	_ =	strace $0x8000004D;
	s7 =	smul.u32 $0x500, s7  }
0xd: {  	s10 =	sshrl.u32 s6, $0x1;
	s31 =	sshrl.u32 s30, $0x2;
	s8 =	sadd.s32 s9, s8  }
0xe: {  	s10 =	ssub.s32 s6, s10;
	s6 =	sadd.s32 s31, s3;
	s7 =	sadd.s32 s7, s5  }
0xf: {  	s8 =	sshrl.u32 s8, $0x3;
	s9 =	sadd.s32 $0x4000, s6;
	s11 =	sadd.s32 $0xC000, s6  }
0x10: {  	s12 =	sadd.s32 $0x10000, s6;
	s8 =	sadd.s32 s8, s5;
	s5 =	sadd.s32 $0xBC00, s7  }
0x11: {  	v0 =	vimm.f32 $0.0e+00;
	s7 =	sadd.s32 $0x65C00, s8;
	s8 =	smax.u32 s10, $0x1;
	s10 =	sadd.s32 $0x8000, s6  }
.LBB2_1:
0x12: {  	[tilespmem:s4], [sflag:$0x5] =	stream.linear.gather [hbm4b:s5+s4], $0x2780, $0x38;
	[tilespmem:$0x1EA00] =	vst v63  }
0x13: {  	_ =	swait.ge [sflag:s13], $0x2780  }
0x14: {  	[sflag:s13] =	ssyncset.done $0x0  }
0x15: {  	s26 =	simm.s32 $0x0;
	s28 =	simm.s32 $0x200;
	[sflag:s13] =	ssyncadd.s32 $0xFFFFD880  }
.LBB2_2:
0x16: {  	p0 =	sne.s32 s28, $0xFE00;
	[tilespmem:s26+$0x2A70] =	vst v0  }
0x17: {  	[tilespmem:s26+$0x2A00] =	vst v0  }
0x18: {  	[tilespmem:s26+$0x2A10] =	vst v0  }
.Ltmp0:
0x19: {  	[tilespmem:s26+$0x2A20] =	vst v0;
	(pc) =	sbr.rel @p0 .LBB2_2-.Ltmp0, $4  }
0x1a: {  	[tilespmem:s26+$0x2A30] =	vst v0  }
0x1b: {  	[tilespmem:s26+$0x2A40] =	vst v0  }
0x1c: {  	[tilespmem:s26+$0x2A50] =	vst v0  }
0x1d: {  	[tilespmem:s26+$0x2A60] =	vst v0;
	s26 =	sshra.s32 s28, $0x2;
	s28 =	sadd.s32 $0x200, s28  }
0x1e: {  	[tilespmem:s26+$0x2A70] =	vst v0  }
0x1f: {  	[tilespmem:s26+$0x2A00] =	vst v0  }
0x20: {  	[tilespmem:s26+$0x2A10] =	vst v0  }
0x21: {  	[tilespmem:s26+$0x2A20] =	vst v0  }
0x22: {  	[tilespmem:s26+$0x2A30] =	vst v0  }
0x23: {  	[tilespmem:s26+$0x2A40] =	vst v0  }
0x24: {  	[tilespmem:s26+$0x2A50] =	vst v0  }
0x25: {  	[tilespmem:s26+$0x2A60] =	vst v0  }
0x26: {  	[spmem:s6] =	stream.linear.scatter [tilespmem:s14], [sflag:$0x5], $0x4000, $0x38;
	[tilespmem:$0x1EA00] =	vst v63  }
0x27: {  	_ =	swait.ge [sflag:s13], $0x4000  }
0x28: {  	[sflag:s13] =	ssyncset.done $0x0  }
0x29: {  	[sflag:s13] =	ssyncadd.s32 $0xFFFFC000  }
0x2a: {  	[spmem:s9] =	stream.linear.scatter [tilespmem:s14], [sflag:$0x5], $0x4000, $0x38;
	[tilespmem:$0x1EA00] =	vst v63  }
0x2b: {  	_ =	swait.ge [sflag:s13], $0x4000  }
0x2c: {  	[sflag:s13] =	ssyncset.done $0x0  }
0x2d: {  	[sflag:s13] =	ssyncadd.s32 $0xFFFFC000  }
0x2e: {  	[spmem:s10] =	stream.linear.scatter [tilespmem:s14], [sflag:$0x5], $0x4000, $0x38;
	[tilespmem:$0x1EA00] =	vst v63  }
0x2f: {  	_ =	swait.ge [sflag:s13], $0x4000  }
0x30: {  	[sflag:s13] =	ssyncset.done $0x0  }
0x31: {  	[sflag:s13] =	ssyncadd.s32 $0xFFFFC000  }
0x32: {  	[spmem:s11] =	stream.linear.scatter [tilespmem:s14], [sflag:$0x5], $0x4000, $0x38;
	[tilespmem:$0x1EA00] =	vst v63  }
0x33: {  	_ =	swait.ge [sflag:s13], $0x4000  }
0x34: {  	[sflag:s13] =	ssyncset.done $0x0  }
0x35: {  	[sflag:s13] =	ssyncadd.s32 $0xFFFFC000  }
0x36: {  	[spmem:s12] =	stream.linear.scatter [tilespmem:s14], [sflag:$0x5], $0x4000, $0x38;
	[tilespmem:$0x1EA00] =	vst v63  }
0x37: {  	_ =	swait.ge [sflag:s13], $0x4000  }
0x38: {  	[sflag:s13] =	ssyncset.done $0x0  }
0x39: {  	[sflag:s13] =	ssyncadd.s32 $0xFFFFC000  }
0x3a: {  	[bflag:$0x0] =	sbarrier.arrive $0xFFFF  }
0x3b: {  	v1 =	vld [tilespmem:$0x0];
	_ =	sdelay $0x1  }
0x3c: {  	v2 =	vld [tilespmem:$0x10];
	_ =	sdelay $0x1  }
0x3d: {  	v3 =	vld [tilespmem:$0x20]  }
0x3e: {  	v4 =	vand.u32 $0xFFFF, v1  }
0x3f: {  	v62 =	vld [tilespmem:$0x30];
	v1 =	vshra.s32 v1, $0x10;
	[tilespmem:$0x2800] =	vst v4  }
0x40: {  	[tilespmem:$0x2900] =	vst v1;
	v1 =	vand.u32 $0xFFFF, v2  }
0x41: {  	[tilespmem:$0x2810] =	vst v1;
	v1 =	vshra.s32 v2, $0x10;
	v2 =	vld [tilespmem:$0x40]  }
0x42: {  	[tilespmem:$0x2910] =	vst v1;
	v1 =	vand.u32 $0xFFFF, v3  }
0x43: {  	[tilespmem:$0x2820] =	vst v1;
	v1 =	vshra.s32 v3, $0x10;
	v3 =	vld [tilespmem:$0x50]  }
0x44: {  	[tilespmem:$0x2920] =	vst v1;
	v1 =	vand.u32 $0xFFFF, v62  }
0x45: {  	v63 =	vld [tilespmem:$0x60];
	[tilespmem:$0x2830] =	vst v1;
	v1 =	vshra.s32 v62, $0x10  }
0x46: {  	[tilespmem:$0x2930] =	vst v1;
	v1 =	vand.u32 $0xFFFF, v2  }
0x47: {  	[tilespmem:$0x2840] =	vst v1;
	v1 =	vshra.s32 v2, $0x10;
	v2 =	vld [tilespmem:$0x70]  }
0x48: {  	[tilespmem:$0x2940] =	vst v1;
	v1 =	vand.u32 $0xFFFF, v3  }
0x49: {  	[tilespmem:$0x2850] =	vst v1;
	v1 =	vshra.s32 v3, $0x10  }
0x4a: {  	[tilespmem:$0x2950] =	vst v1;
	v1 =	vand.u32 $0xFFFF, v63  }
0x4b: {  	[tilespmem:$0x2860] =	vst v1;
	v1 =	vshra.s32 v63, $0x10  }
0x4c: {  	[tilespmem:$0x2960] =	vst v1;
	v1 =	vand.u32 $0xFFFF, v2  }
0x4d: {  	p0 =	por $0x1, $0x1;
	[tilespmem:$0x2870] =	vst v1;
	v1 =	vshra.s32 v2, $0x10  }
0x4e: {  	s26 =	simm.s32 @!p0 $0x4;
	[tilespmem:$0x2970] =	vst v1  }
0x4f: {  	[tilespmem:s14], [sflag:$0x1] =	stream.indirect.gather [hbm4b:s1+s15], $0x80, s16, s15, $0xb8;
	[tilespmem:$0x1EA00] =	vst v63  }
0x50: {  	_ =	swait.ge @!p0 [sflag:s26], $0x4000  }
0x51: {  	[sflag:s26] =	ssyncset.done @!p0 $0x0  }
0x52: {  	[sflag:s26] =	ssyncadd.s32 @!p0 $0xFFFFC000;
	s26 =	simm.s32 $0x0  }
0x53: {  	v1 =	vld [tilespmem:s26+$0x80];
	_ =	sdelay $0x4  }
0x54: {  	v2 =	vand.u32 $0xFFFF, v1  }
0x55: {  	v1 =	vshra.s32 v1, $0x10;
	[tilespmem:$0x2880] =	vst v2  }
0x56: {  	[tilespmem:$0x2980] =	vst v1  }
0x57: {  	v1 =	vld [tilespmem:s26+$0x90];
	_ =	sdelay $0x4  }
0x58: {  	v2 =	vand.u32 $0xFFFF, v1  }
0x59: {  	v1 =	vshra.s32 v1, $0x10;
	[tilespmem:$0x2890] =	vst v2  }
0x5a: {  	[tilespmem:$0x2990] =	vst v1  }
0x5b: {  	v1 =	vld [tilespmem:s26+$0xA0];
	_ =	sdelay $0x4  }
0x5c: {  	v2 =	vand.u32 $0xFFFF, v1  }
0x5d: {  	v1 =	vshra.s32 v1, $0x10;
	[tilespmem:$0x28A0] =	vst v2  }
0x5e: {  	[tilespmem:$0x29A0] =	vst v1  }
0x5f: {  	v1 =	vld [tilespmem:s26+$0xB0];
	_ =	sdelay $0x4  }
0x60: {  	v2 =	vand.u32 $0xFFFF, v1  }
0x61: {  	v1 =	vshra.s32 v1, $0x10;
	[tilespmem:$0x28B0] =	vst v2  }
0x62: {  	[tilespmem:$0x29B0] =	vst v1  }
0x63: {  	v1 =	vld [tilespmem:s26+$0xC0];
	_ =	sdelay $0x4  }
0x64: {  	v2 =	vand.u32 $0xFFFF, v1  }
0x65: {  	v1 =	vshra.s32 v1, $0x10;
	[tilespmem:$0x28C0] =	vst v2  }
0x66: {  	[tilespmem:$0x29C0] =	vst v1  }
0x67: {  	v1 =	vld [tilespmem:s26+$0xD0];
	_ =	sdelay $0x4  }
0x68: {  	v2 =	vand.u32 $0xFFFF, v1  }
0x69: {  	v1 =	vshra.s32 v1, $0x10;
	[tilespmem:$0x28D0] =	vst v2  }
0x6a: {  	[tilespmem:$0x29D0] =	vst v1  }
0x6b: {  	v1 =	vld [tilespmem:s26+$0xE0];
	_ =	sdelay $0x4  }
0x6c: {  	v2 =	vand.u32 $0xFFFF, v1  }
0x6d: {  	v1 =	vshra.s32 v1, $0x10;
	[tilespmem:$0x28E0] =	vst v2  }
0x6e: {  	[tilespmem:$0x29E0] =	vst v1  }
0x6f: {  	v1 =	vld [tilespmem:s26+$0xF0];
	_ =	sdelay $0x4  }
0x70: {  	v2 =	vand.u32 $0xFFFF, v1  }
0x71: {  	v1 =	vshra.s32 v1, $0x10;
	[tilespmem:$0x28F0] =	vst v2  }
0x72: {  	[tilespmem:$0x29F0] =	vst v1  }
0x73: {  	_ =	swait.ge [sflag:s17], $0x4000  }
0x74: {  	[sflag:s17] =	ssyncset.done $0x0  }
0x75: {  	[sflag:s17] =	ssyncadd.s32 $0xFFFFC000  }
0x76: {  	[tilespmem:s19], [sflag:$0x2] =	stream.indirect.gather [hbm4b:s1+s15], $0x80, s18, s15, $0xb8;
	[tilespmem:$0x1EA00] =	vst v63  }
0x77: {  	_ = 	snop  }
0x78: {  	[spmem:s3] =	stream.indirect.scatter.add.f32 [tilespmem:s14], [sflag:$0x3], $0x80, s20, s15, $0xb8;
	[tilespmem:$0x1EA00] =	vst v63  }
0x79: {  	_ =	swait.ge [sflag:s21], $0x4000  }
0x7a: {  	[sflag:s21] =	ssyncset.done $0x0  }
0x7b: {  	[sflag:s21] =	ssyncadd.s32 $0xFFFFC000  }
0x7c: {  	v1 =	vld [tilespmem:s26+$0x100];
	_ =	sdelay $0x4  }
0x7d: {  	v2 =	vand.u32 $0xFFFF, v1  }
0x7e: {  	v1 =	vshra.s32 v1, $0x10;
	[tilespmem:$0x2800] =	vst v2  }
0x7f: {  	[tilespmem:$0x2900] =	vst v1  }
0x80: {  	v1 =	vld [tilespmem:s26+$0x110];
	_ =	sdelay $0x4  }
0x81: {  	v2 =	vand.u32 $0xFFFF, v1  }
0x82: {  	v1 =	vshra.s32 v1, $0x10;
	[tilespmem:$0x2810] =	vst v2  }
0x83: {  	[tilespmem:$0x2910] =	vst v1  }
0x84: {  	v1 =	vld [tilespmem:s26+$0x120];
	_ =	sdelay $0x4  }
0x85: {  	v2 =	vand.u32 $0xFFFF, v1  }
0x86: {  	v1 =	vshra.s32 v1, $0x10;
	[tilespmem:$0x2820] =	vst v2  }
0x87: {  	[tilespmem:$0x2920] =	vst v1  }
0x88: {  	v1 =	vld [tilespmem:s26+$0x130];
	_ =	sdelay $0x4  }
0x89: {  	v2 =	vand.u32 $0xFFFF, v1  }
0x8a: {  	v1 =	vshra.s32 v1, $0x10;
	[tilespmem:$0x2830] =	vst v2  }
0x8b: {  	[tilespmem:$0x2930] =	vst v1  }
0x8c: {  	v1 =	vld [tilespmem:s26+$0x140];
	_ =	sdelay $0x4  }
0x8d: {  	v2 =	vand.u32 $0xFFFF, v1  }
0x8e: {  	v1 =	vshra.s32 v1, $0x10;
	[tilespmem:$0x2840] =	vst v2  }
0x8f: {  	[tilespmem:$0x2940] =	vst v1  }
0x90: {  	v1 =	vld [tilespmem:s26+$0x150];
	_ =	sdelay $0x4  }
0x91: {  	v2 =	vand.u32 $0xFFFF, v1  }
0x92: {  	v1 =	vshra.s32 v1, $0x10;
	[tilespmem:$0x2850] =	vst v2  }
0x93: {  	[tilespmem:$0x2950] =	vst v1  }
0x94: {  	s28 =	simm.s32 $0x400;
	v1 =	vld [tilespmem:s26+$0x160]  }
.LBB2_4:
0x95: {  	_ =	sdelay $0x2  }
0x96: {  	s29 =	smov.u32 s28;
	s28 =	sadd.s32 $0x400, s28  }
0x97: {  	p0 =	sne.s32 s28, $0x9C00;
	v2 =	vand.u32 $0xFFFF, v1;
	v1 =	vshra.s32 v1, $0x10  }
0x98: {  	[tilespmem:$0x2860] =	vst v2  }
0x99: {  	[tilespmem:$0x2960] =	vst v1  }
0x9a: {  	v1 =	vld [tilespmem:s26+$0x170];
	_ =	sdelay $0x4  }
0x9b: {  	v2 =	vand.u32 $0xFFFF, v1;
	v1 =	vshra.s32 v1, $0x10  }
0x9c: {  	[tilespmem:$0x2870] =	vst v2  }
0x9d: {  	[tilespmem:$0x2970] =	vst v1  }
0x9e: {  	_ =	swait.ge [sflag:s22], $0x4000  }
0x9f: {  	[sflag:s22] =	ssyncset.done $0x0  }
0xa0: {  	p1 =	seq.s32 s29, $0x0;
	[sflag:s22] =	ssyncadd.s32 $0xFFFFC000  }
0xa1: {  	[tilespmem:s14], [sflag:$0x1] =	stream.indirect.gather [hbm4b:s1+s15], $0x80, s16, s15, $0xb8;
	[tilespmem:$0x1EA00] =	vst v63  }
0xa2: {  	s26 =	simm.s32 @!p1 $0x4  }
0xa3: {  	[spmem:s3] =	stream.indirect.scatter.add.f32 [tilespmem:s19], [sflag:$0x4], $0x80, s23, s15, $0xb8;
	[tilespmem:$0x1EA00] =	vst v63  }
0xa4: {  	_ =	swait.ge @!p1 [sflag:s26], $0x4000  }
0xa5: {  	[sflag:s26] =	ssyncset.done @!p1 $0x0  }
0xa6: {  	[sflag:s26] =	ssyncadd.s32 @!p1 $0xFFFFC000;
	s26 =	sshra.s32 s29, $0x2  }
0xa7: {  	v1 =	vld [tilespmem:s26+$0x80];
	_ =	sdelay $0x4  }
0xa8: {  	v2 =	vand.u32 $0xFFFF, v1;
	v1 =	vshra.s32 v1, $0x10  }
0xa9: {  	[tilespmem:$0x2880] =	vst v2  }
0xaa: {  	[tilespmem:$0x2980] =	vst v1  }
0xab: {  	v1 =	vld [tilespmem:s26+$0x90];
	_ =	sdelay $0x4  }
0xac: {  	v2 =	vand.u32 $0xFFFF, v1;
	v1 =	vshra.s32 v1, $0x10  }
0xad: {  	[tilespmem:$0x2890] =	vst v2  }
0xae: {  	[tilespmem:$0x2990] =	vst v1  }
0xaf: {  	v1 =	vld [tilespmem:s26+$0xA0];
	_ =	sdelay $0x4  }
0xb0: {  	v2 =	vand.u32 $0xFFFF, v1;
	v1 =	vshra.s32 v1, $0x10  }
0xb1: {  	[tilespmem:$0x28A0] =	vst v2  }
0xb2: {  	[tilespmem:$0x29A0] =	vst v1  }
0xb3: {  	v1 =	vld [tilespmem:s26+$0xB0];
	_ =	sdelay $0x4  }
0xb4: {  	v2 =	vand.u32 $0xFFFF, v1;
	v1 =	vshra.s32 v1, $0x10  }
0xb5: {  	[tilespmem:$0x28B0] =	vst v2  }
0xb6: {  	[tilespmem:$0x29B0] =	vst v1  }
0xb7: {  	v1 =	vld [tilespmem:s26+$0xC0];
	_ =	sdelay $0x4  }
0xb8: {  	v2 =	vand.u32 $0xFFFF, v1;
	v1 =	vshra.s32 v1, $0x10  }
0xb9: {  	[tilespmem:$0x28C0] =	vst v2  }
0xba: {  	[tilespmem:$0x29C0] =	vst v1  }
0xbb: {  	v1 =	vld [tilespmem:s26+$0xD0];
	_ =	sdelay $0x4  }
0xbc: {  	v2 =	vand.u32 $0xFFFF, v1;
	v1 =	vshra.s32 v1, $0x10  }
0xbd: {  	[tilespmem:$0x28D0] =	vst v2  }
0xbe: {  	[tilespmem:$0x29D0] =	vst v1  }
0xbf: {  	v1 =	vld [tilespmem:s26+$0xE0];
	_ =	sdelay $0x4  }
0xc0: {  	v2 =	vand.u32 $0xFFFF, v1;
	v1 =	vshra.s32 v1, $0x10  }
0xc1: {  	[tilespmem:$0x28E0] =	vst v2  }
0xc2: {  	[tilespmem:$0x29E0] =	vst v1  }
0xc3: {  	v1 =	vld [tilespmem:s26+$0xF0];
	_ =	sdelay $0x4  }
0xc4: {  	v2 =	vand.u32 $0xFFFF, v1;
	v1 =	vshra.s32 v1, $0x10  }
0xc5: {  	[tilespmem:$0x28F0] =	vst v2  }
0xc6: {  	[tilespmem:$0x29F0] =	vst v1  }
0xc7: {  	_ =	swait.ge [sflag:s17], $0x4000  }
0xc8: {  	[sflag:s17] =	ssyncset.done $0x0  }
0xc9: {  	[sflag:s17] =	ssyncadd.s32 $0xFFFFC000  }
0xca: {  	[tilespmem:s19], [sflag:$0x2] =	stream.indirect.gather [hbm4b:s1+s15], $0x80, s18, s15, $0xb8;
	[tilespmem:$0x1EA00] =	vst v63  }
0xcb: {  	_ = 	snop  }
0xcc: {  	[spmem:s3] =	stream.indirect.scatter.add.f32 [tilespmem:s14], [sflag:$0x3], $0x80, s20, s15, $0xb8;
	[tilespmem:$0x1EA00] =	vst v63  }
0xcd: {  	_ =	swait.ge [sflag:s21], $0x4000  }
0xce: {  	[sflag:s21] =	ssyncset.done $0x0  }
0xcf: {  	[sflag:s21] =	ssyncadd.s32 $0xFFFFC000  }
0xd0: {  	v1 =	vld [tilespmem:s26+$0x100];
	_ =	sdelay $0x4  }
0xd1: {  	v2 =	vand.u32 $0xFFFF, v1;
	v1 =	vshra.s32 v1, $0x10  }
0xd2: {  	[tilespmem:$0x2800] =	vst v2  }
0xd3: {  	[tilespmem:$0x2900] =	vst v1  }
0xd4: {  	v1 =	vld [tilespmem:s26+$0x110];
	_ =	sdelay $0x4  }
0xd5: {  	v2 =	vand.u32 $0xFFFF, v1;
	v1 =	vshra.s32 v1, $0x10  }
0xd6: {  	[tilespmem:$0x2810] =	vst v2  }
0xd7: {  	[tilespmem:$0x2910] =	vst v1  }
0xd8: {  	v1 =	vld [tilespmem:s26+$0x120];
	_ =	sdelay $0x4  }
0xd9: {  	v2 =	vand.u32 $0xFFFF, v1;
	v1 =	vshra.s32 v1, $0x10  }
0xda: {  	[tilespmem:$0x2820] =	vst v2  }
0xdb: {  	[tilespmem:$0x2920] =	vst v1  }
0xdc: {  	v1 =	vld [tilespmem:s26+$0x130];
	_ =	sdelay $0x4  }
0xdd: {  	v2 =	vand.u32 $0xFFFF, v1;
	v1 =	vshra.s32 v1, $0x10  }
0xde: {  	[tilespmem:$0x2830] =	vst v2  }
0xdf: {  	[tilespmem:$0x2930] =	vst v1  }
0xe0: {  	v1 =	vld [tilespmem:s26+$0x140];
	_ =	sdelay $0x4  }
0xe1: {  	v2 =	vand.u32 $0xFFFF, v1;
	v1 =	vshra.s32 v1, $0x10  }
0xe2: {  	[tilespmem:$0x2840] =	vst v2  }
0xe3: {  	[tilespmem:$0x2940] =	vst v1  }
0xe4: {  	v1 =	vld [tilespmem:s26+$0x150];
	_ =	sdelay $0x3  }
.Ltmp1:
0xe5: {  	(pc) =	sbr.rel @p0 .LBB2_4-.Ltmp1, $4  }
0xe6: {  	v2 =	vand.u32 $0xFFFF, v1;
	v1 =	vshra.s32 v1, $0x10  }
0xe7: {  	[tilespmem:$0x2850] =	vst v2  }
0xe8: {  	[tilespmem:$0x2950] =	vst v1  }
0xe9: {  	v1 =	vld [tilespmem:s26+$0x160]  }
0xea: {  	_ =	sdelay $0x3  }
0xeb: {  	v2 =	vand.u32 $0xFFFF, v1  }
0xec: {  	v1 =	vshra.s32 v1, $0x10;
	[tilespmem:$0x2860] =	vst v2  }
0xed: {  	[tilespmem:$0x2960] =	vst v1  }
0xee: {  	v1 =	vld [tilespmem:s26+$0x170];
	_ =	sdelay $0x4  }
0xef: {  	v2 =	vand.u32 $0xFFFF, v1  }
0xf0: {  	v1 =	vshra.s32 v1, $0x10;
	[tilespmem:$0x2870] =	vst v2  }
0xf1: {  	[tilespmem:$0x2970] =	vst v1  }
0xf2: {  	_ =	swait.ge [sflag:s22], $0x4000  }
0xf3: {  	[sflag:s22] =	ssyncset.done $0x0  }
0xf4: {  	[sflag:s22] =	ssyncadd.s32 $0xFFFFC000  }
0xf5: {  	[tilespmem:s14], [sflag:$0x1] =	stream.indirect.gather [hbm4b:s1+s15], $0x80, s16, s15, $0xb8;
	[tilespmem:$0x1EA00] =	vst v63  }
0xf6: {  	_ = 	snop  }
0xf7: {  	[spmem:s3] =	stream.indirect.scatter.add.f32 [tilespmem:s19], [sflag:$0x4], $0x80, s23, s15, $0xb8;
	[tilespmem:$0x1EA00] =	vst v63  }
0xf8: {  	_ =	swait.ge [sflag:s24], $0x4000  }
0xf9: {  	[sflag:s24] =	ssyncset.done $0x0  }
0xfa: {  	[sflag:s24] =	ssyncadd.s32 $0xFFFFC000  }
0xfb: {  	_ =	swait.ge [sflag:s17], $0x4000  }
0xfc: {  	[sflag:s17] =	ssyncset.done $0x0  }
0xfd: {  	[sflag:s17] =	ssyncadd.s32 $0xFFFFC000  }
0xfe: {  	[spmem:s3] =	stream.indirect.scatter.add.f32 [tilespmem:s14], [sflag:$0x5], $0x80, s20, s15, $0xb8;
	[tilespmem:$0x1EA00] =	vst v63  }
0xff: {  	_ =	swait.ge [sflag:s13], $0x4000  }
0x100: {  	s31 =	sshll.u32 s2, $0x6;
	s25 =	sadd.s32 $0x1, s25;
	[sflag:s13] =	ssyncset.done $0x0  }
0x101: {  	s28 =	sshrl.u32 s6, $0x3;
	p0 =	sne.s32 s25, s8;
	[sflag:s13] =	ssyncadd.s32 $0xFFFFC000  }
.Ltmp2:
0x102: {  	s26 =	sor.u32 $0x1C05, s31;
	[bflag:$0x0] =	sbarrier.arrive $0xFFFF;
	(pc) =	sbr.rel @p0 .LBB2_1-.Ltmp2, $4  }
0x103: {  	[hbm:s7], [sflag:s26] =	dma.local [spmem:s28], $0x2800  }
0x104: {  	_ =	swait.ge [sflag:s13], $0x2800  }
0x105: {  	[sflag:s13] =	ssyncset.done $0x0  }
0x106: {  	[sflag:s13] =	ssyncadd.s32 $0xFFFFD800  }
0x107: {  	_ =	sfence.sel $0x180000  }
0x108: {  	[bflag:$0x0] =	sbarrier.arrive $0xFFFF  }
0x109: {  	p0 =	sne.s32 s2, $0x0;
	_ =	strace $0x9000004D  }
0x10a: {  	s0 =	sadd.s32 @!p0 $0x100000, s0;
	[bflag:$0x2] =	sbarrier.arrive $0xFFFF  }
0x10b: {  	[sflag:s0] =	ssyncadd.tile.s32 @!p0 $0x1;
	_ =	shalt  }
.Lfunc_end2:
_tile_overlayer_lowered:
.L_overlay_start_2:
0x10c: {  	(tag) =	ssettag $0x2  }
0x10d: {  	s0 =	rddreg [dreg:$0x0];
	s2 =	stileid.u32  }
0x10e: {  	s1 =	rddreg [dreg:$0x1];
	p0 =	sne.s32 s2, $0x0  }
0x10f: {  	s3 =	rddreg [dreg:$0x2];
	[bflag:$0x3] =	sbarrier.arrive $0xFFFF;
	s2 =	simm.s32 @!p0 $0x1C05  }
0x110: {  	[timem:s3], [sflag:s2] =	dma.local @!p0 [hbm:s0], s1  }
0x111: {  	s0 =	simm.s32 @!p0 $0x5  }
0x112: {  	_ =	swait.ge @!p0 [sflag:s0], s1  }
0x113: {  	s1 =	ssub.s32 @!p0 $0x0, s1;
	[sflag:s0] =	ssyncset.done @!p0 $0x0  }
0x114: {  	[sflag:s0] =	ssyncadd.s32 @!p0 s1  }
0x115: {  	[bflag:$0x3] =	sbarrier.arrive $0xFFFF  }
0x116: {  	_ =	shalt  }

// kernel: kernel.8.cloned.1.call-start
scs
__scs_entry_jumppad:
0x0: {  	(pc) =	sbr.rel $0x88, $3  }
0x1: {  	(tag) =	ssettag $0x0;
	lr =	simm.s32 $0x1  }
0x2: {  	[smem:$0x3F9D] =	sst lr;
	_ =	strace $0xD0000000  }
0x3: {  	_ = 	snop  }
0x4: {  	_ = 	snop  }
0x5: {  	_ = 	snop  }
0x6: {  	_ = 	snop  }
0x7: {  	_ = 	snop  }
__scs_overlays_trampoline_lowered:
0x8: {  	[smem:$0x3FAC] =	sst s0  }
0x9: {  	[smem:$0x3FAD] =	sst s1  }
0xa: {  	[smem:$0x3FAE] =	sst s2  }
0xb: {  	[smem:$0x3FAF] =	sst s3  }
0xc: {  	[smem:$0x3FB0] =	sst s4  }
0xd: {  	[smem:$0x3FB1] =	sst s5  }
0xe: {  	[smem:$0x3FB2] =	sst s6  }
0xf: {  	[smem:$0x3FB3] =	sst s7  }
0x10: {  	[smem:$0x3FB4] =	sst s8  }
0x11: {  	[smem:$0x3FB5] =	sst s9;
	s0 =	simm.s32 @!p0 $0x0  }
0x12: {  	s1 =	sld [smem:$0x3F9B];
	s0 =	simm.s32 @p0 $0x1  }
0x13: {  	[smem:$0x3FB6] =	sst s0;
	s0 =	simm.s32 @!p1 $0x0  }
0x14: {  	s2 =	sld [smem:$0x3F9A];
	s0 =	simm.s32 @p1 $0x1  }
0x15: {  	[smem:$0x3FB7] =	sst s0;
	s0 =	simm.s32 @!p2 $0x0  }
0x16: {  	s3 =	sld [smem:$0x3FDB];
	s0 =	simm.s32 @p2 $0x1  }
0x17: {  	s4 =	simm.s32 $0x1BF5;
	[smem:$0x3FB9] =	sst s0  }
0x18: {  	s0 =	sld [smem:$0x3F9C];
	_ =	swait.ge [sflag:s4], $0x0  }
0x19: {  	s7 =	sld [smem:$0x3F9D]  }
0x1a: {  	s8 =	sadd.s32 $0xFFFFE003, lr  }
0x1b: {  	s9 =	sadd.s32 $0xFFFFFEF7, lr;
	s5 =	simm.s32 $0xFFFFFFFF;
	p2 =	slt.u32 s8, $0xFFFFF086  }
0x1c: {  	p1 =	slt.u32 s9, $0xF7A;
	s5 =	simm.s32 @!p2 $0x0  }
0x1d: {  	s5 =	simm.s32 @p1 $0x1;
	p0 =	seq.s32 s7, s2  }
0x1e: {  	s7 =	smul.u32 @!p0 $0xF7A, s2;
	p2 =	seq.s32 @!p0 s5, $0x0  }
0x1f: {  	s9 =	smul.u32 $0xF7A, s1;
	s8 =	simm.s32 @!p0 $0x1BF5;
	p2 =	por !p2, p0  }
0x20: {  	[sflag:s8] =	ssyncset.s32 @!p0 $0xFFFFF086;
	s6 =	sadd.s32 @!p0 s3, s7;
	s7 =	simm.s32 @!p0 $0x108  }
0x21: {  	s3 =	sadd.s32 s3, s9;
	s6 =	sadd.s32 @!p0 $0x88, s6;
	s7 =	simm.s32 @p2 $0x1082  }
0x22: {  	[simem:s7], [sflag:s8] =	dma.local @!p0 [hbm:s6], $0xF7A  }
0x23: {  	s9 =	sor.u32 $0xD0000000, s2;
	s6 =	simm.s32 $0x108;
	_ =	swait.ge @!p0 [sflag:s8], $0x0  }
0x24: {  	s3 =	sadd.s32 $0x88, s3;
	s6 =	simm.s32 @!p1 $0x1082;
	[sflag:s4] =	ssyncset.s32 $0xFFFFF086  }
0x25: {  	[simem:s6], [sflag:s4] =	dma.local [hbm:s3], $0xF7A  }
0x26: {  	[smem:$0x3F9D] =	sst s1;
	(tag) =	ssettag s2;
	_ =	strace s9  }
0x27: {  	s1 =	sld [smem:$0x3FAD]  }
0x28: {  	s2 =	sld [smem:$0x3FAE]  }
0x29: {  	s4 =	sld [smem:$0x3FB0]  }
0x2a: {  	p0 =	seq.s32 s5, $0x0;
	s5 =	sld [smem:$0x3FB1]  }
0x2b: {  	s6 =	sld [smem:$0x3FB2]  }
0x2c: {  	s7 =	sld [smem:$0x3FB3]  }
0x2d: {  	s3 =	simm.s32 $0x108;
	s8 =	sld [smem:$0x3FB4]  }
0x2e: {  	s3 =	simm.s32 @!p0 $0x1082;
	s9 =	sld [smem:$0x3FB5]  }
0x2f: {  	lr =	sadd.s32 s0, s3;
	s0 =	sld [smem:$0x3FAC]  }
0x30: {  	s3 =	sld [smem:$0x3FAF]  }
0x31: {  	[smem:$0x3FB8] =	sst s10  }
0x32: {  	s10 =	sld [smem:$0x3FB6];
	_ =	sdelay $0x3  }
0x33: {  	p0 =	seq.s32 s10, $0x1;
	s10 =	sld [smem:$0x3FB8];
	_ =	sdelay $0x3  }
0x34: {  	[smem:$0x3FB8] =	sst s10  }
0x35: {  	s10 =	sld [smem:$0x3FB7];
	_ =	sdelay $0x3  }
0x36: {  	p1 =	seq.s32 s10, $0x1;
	s10 =	sld [smem:$0x3FB8];
	_ =	sdelay $0x3  }
0x37: {  	[smem:$0x3FB8] =	sst s10  }
0x38: {  	s10 =	sld [smem:$0x3FB9]  }
0x39: {  	_ = 	snop;
	(pc) =	sbr.ind lr, $3  }
0x3a: {  	_ = 	snop  }
0x3b: {  	_ = 	snop  }
0x3c: {  	p2 =	seq.s32 s10, $0x1;
	s10 =	sld [smem:$0x3FB8]  }
0x3d: {  	_ =	shalt  }
0x3e: {  	_ =	shalt  }
0x3f: {  	_ =	shalt  }
0x40: {  	_ =	shalt  }
0x41: {  	_ =	shalt  }
0x42: {  	_ =	shalt  }
0x43: {  	_ =	shalt  }
0x44: {  	_ =	shalt  }
0x45: {  	_ =	shalt  }
0x46: {  	_ =	shalt  }
0x47: {  	_ =	shalt  }
0x48: {  	_ =	shalt  }
0x49: {  	_ =	shalt  }
0x4a: {  	_ =	shalt  }
0x4b: {  	_ =	shalt  }
0x4c: {  	_ =	shalt  }
0x4d: {  	_ =	shalt  }
0x4e: {  	_ =	shalt  }
0x4f: {  	_ =	shalt  }
0x50: {  	_ =	shalt  }
0x51: {  	_ =	shalt  }
0x52: {  	_ =	shalt  }
0x53: {  	_ =	shalt  }
0x54: {  	_ =	shalt  }
0x55: {  	_ =	shalt  }
0x56: {  	_ =	shalt  }
0x57: {  	_ =	shalt  }
0x58: {  	_ =	shalt  }
0x59: {  	_ =	shalt  }
0x5a: {  	_ =	shalt  }
0x5b: {  	_ =	shalt  }
0x5c: {  	_ =	shalt  }
0x5d: {  	_ =	shalt  }
0x5e: {  	_ =	shalt  }
0x5f: {  	_ =	shalt  }
0x60: {  	_ =	shalt  }
0x61: {  	_ =	shalt  }
0x62: {  	_ =	shalt  }
0x63: {  	_ =	shalt  }
0x64: {  	_ =	shalt  }
0x65: {  	_ =	shalt  }
0x66: {  	_ =	shalt  }
0x67: {  	_ =	shalt  }
0x68: {  	_ =	shalt  }
0x69: {  	_ =	shalt  }
0x6a: {  	_ =	shalt  }
0x6b: {  	_ =	shalt  }
0x6c: {  	_ =	shalt  }
0x6d: {  	_ =	shalt  }
0x6e: {  	_ =	shalt  }
0x6f: {  	_ =	shalt  }
0x70: {  	_ =	shalt  }
0x71: {  	_ =	shalt  }
0x72: {  	_ =	shalt  }
0x73: {  	_ =	shalt  }
0x74: {  	_ =	shalt  }
0x75: {  	_ =	shalt  }
0x76: {  	_ =	shalt  }
0x77: {  	_ =	shalt  }
0x78: {  	_ =	shalt  }
0x79: {  	_ =	shalt  }
0x7a: {  	_ =	shalt  }
0x7b: {  	_ =	shalt  }
0x7c: {  	_ =	shalt  }
0x7d: {  	_ =	shalt  }
0x7e: {  	_ =	shalt  }
0x7f: {  	_ =	shalt  }
0x80: {  	_ =	shalt  }
0x81: {  	_ =	shalt  }
0x82: {  	_ =	shalt  }
0x83: {  	_ =	shalt  }
0x84: {  	_ =	shalt  }
0x85: {  	_ =	shalt  }
0x86: {  	_ =	shalt  }
0x87: {  	_ =	shalt  }
.Lfunc_end0:
.L_simem_size_0:
called_computation_lowered:
.L_overlay_start_0:
0x88: {  	s2 =	sld [smem:$0x3FD9]  }
0x89: {  	s3 =	sld [smem:$0x3FFE];
	_ =	sdelay $0x1  }
0x8a: {  	s1 =	srdreg.scid  }
0x8b: {  	s0 =	sand.u32 $0x1, s1  }
0x8c: {  	s17 =	sshll.u32 s0, $0xA;
	s2 =	sadd.s32 s3, s2  }
0x8d: {  	s2 =	sadd.s32 s2, s17  }
0x8e: {  	[smem:$0x3FC4] =	sst s2  }
0x8f: {  	_ = 	snop  }
0x90: {  	s2 =	sld [smem:$0x3FD0];
	(tm) =	ssettm $0x1  }
0x91: {  	s18 =	sld [smem:$0x3FFB];
	_ =	sdelay $0x3  }
0x92: {  	_ =	strace s18  }
0x93: {  	s3 =	sld [smem:$0x3FFC];
	_ =	sdelay $0x3  }
0x94: {  	_ =	strace s3  }
0x95: {  	s3 =	sld [smem:$0x3FFD];
	_ =	sdelay $0x3  }
0x96: {  	_ =	strace s3  }
0x97: {  	_ =	strace $0x8FFFFFFF  }
0x98: {  	s19 =	sld [smem:$0x3FDB];
	_ =	sdelay $0x1  }
0x99: {  	s4 =	simm.s32 $_scs_section_size  }
0x9a: {  	s5 =	simm.s32 $_size__tile_overlayer_lowered;
	s6 =	simm.s32 $_tile_overlayer_lowered  }
0x9b: {  	s22 =	simm.s32 $0x1BFF;
	s21 =	sshll.u32 s6, $0x1;
	s3 =	sadd.s32 s4, s19  }
0x9c: {  	s7 =	simm.s32 $0x0;
	s20 =	sshll.u32 s5, $0x1;
	s5 =	sadd.s32 s21, s3  }
0x9d: {  	[timem:s7], [sflag:s22] =	dma.local [hbm:s5], s20  }
0x9e: {  	_ =	swait.ge [sflag:s22], s20  }
0x9f: {  	s4 =	ssub.s32 $0x0, s20;
	[sflag:s22] =	ssyncset.done $0x0  }
0xa0: {  	[sflag:s22] =	ssyncadd.s32 s4;
	_ =	sdelay $0x1  }
0xa1: {  	s23 =	simm.s32 $0x1B8B  }
0xa2: {  	_ =	swait.ge [sflag:s23], $0x1  }
0xa3: {  	[sflag:s23] =	ssyncset.done $0x0  }
0xa4: {  	s25 =	simm.s32 $0x1B8E;
	s24 =	sld [smem:$0x3FFE];
	[sflag:s23] =	ssyncadd.s32 $0xFFFFFFFF  }
0xa5: {  	s26 =	simm.s32 $execute0_lowered;
	[smem:$0x3FD2] =	sst s25  }
0xa6: {  	s5 =	sshll.u32 s26, $0x1;
	_ =	strace $0x80000046;
	[dreg:$0x1] =	wrdreg $0xFFFFFFFF  }
0xa7: {  	s28 =	simm.s32 $_size_execute0_lowered;
	s3 =	sadd.s32 s3, s5;
	[dreg:$0x0] =	wrdreg $0x0  }
0xa8: {  	s5 =	sshll.u32 s28, $0x1;
	[dreg:$0x2] =	wrdreg s3  }
0xa9: {  	[dreg:$0x3] =	wrdreg s5  }
0xaa: {  	[dreg:$0x4] =	wrdreg $0xC0  }
0xab: {  	_ =	task [dreg:s7], $0x5FFFF  }
0xac: {  	[dreg:$0x1] =	wrdreg $0xFFFFFFFF  }
0xad: {  	[dreg:$0x0] =	wrdreg $0x60  }
0xae: {  	[dreg:$0x2] =	wrdreg s24  }
0xaf: {  	[dreg:$0x3] =	wrdreg s2  }
0xb0: {  	[dreg:$0x4] =	wrdreg $0x2F800  }
0xb1: {  	[dreg:$0x5] =	wrdreg $0x9  }
0xb2: {  	_ =	task.clear_ibuf [dreg:s7], $0x6FFFF;
	_ =	strace $0x90000046  }
0xb3: {  	s29 =	simm.s32 $0x9;
	_ =	strace $0x80000048  }
0xb4: {  	_ =	swait.ge [sflag:s29], $0x1  }
0xb5: {  	[sflag:s29] =	ssyncadd.s32 $0xFFFFFFFF  }
0xb6: {  	_ =	strace $0x90000048  }
0xb7: {  	_ =	sfence  }
0xb8: {  	s30 =	sld [smem:$0x0];
	_ =	sdelay $0x2  }
0xb9: {  	s31 =	sshll.u32 s1, $0xD;
	s1 =	sshrl.u32 s1, $0x2  }
0xba: {  	s3 =	sand.u32 $0x4000, s31;
	s1 =	sadd.s32 s1, s30  }
0xbb: {  	s0 =	sor.u32 s3, s0;
	s1 =	sshll.u32 s1, $0x11  }
0xbc: {  	s0 =	sor.u32 s1, s0  }
0xbd: {  	s0 =	sadd.s32 $0x8F2B, s0  }
0xbe: {  	[sflag:s0] =	ssyncadd.remote.s32 $0x1  }
0xbf: {  	_ =	sfence.sel $0xFFFF  }
0xc0: {  	[dreg:$0x0] =	wrdreg $0xFFFFFFFF;
	(pc) =	sbr.abs _section_cstart, $3  }
0xc1: {  	[dreg:$0x1] =	wrdreg $0xFFFFFFFF  }
0xc2: {  	_ =	task.clear_ibuf [dreg:s7], $0x2FFFF;
	_ =	strace $0x9FFFFFFF  }
0xc3: {  	(tm) =	ssettm $0x7FFFFFFF  }
tec
execute0_lowered:
.L_overlay_start_1:
0x0: {  	(tag) =	ssettag $0x1  }
0x1: {  	s1 =	srdreg.scid;
	s5 =	rddreg [dreg:$0x0]  }
0x2: {  	s0 =	stileid.u32;
	s6 =	rddreg [dreg:$0x1]  }
0x3: {  	s2 =	rddreg [dreg:$0x2];
	s3 =	simm.s32 $0x0;
	s12 =	simm.s32 $0x2  }
0x4: {  	s13 =	simm.s32 $0x2780;
	s14 =	simm.s32 $0x80;
	s15 =	simm.s32 $0x1  }
0x5: {  	s18 =	simm.s32 $0x0;
	s4 =	sand.u32 $0x1, s1;
	s8 =	smul.u32 $0xA000, s0  }
0x6: {  	s29 =	sshll.u32 s0, $0x1;
	[smem:$0x7FF] =	sst s3;
	s10 =	smul.u32 $0x2800, s0  }
0x7: {  	s16 =	sshll.u32 s0, $0x6;
	s1 =	sor.u32 s4, s29;
	s9 =	smul.u32 $0x28000, s4  }
0x8: {  	s4 =	ssub.s32 $0x2, s4;
	s16 =	sor.u32 $0x1C02, s16;
	s7 =	smul.u32 $0x4F0, s1  }
0x9: {  	s1 =	rddreg [dreg:$0x3];
	_ =	strace $0x80000047;
	s30 =	sshrl.u32 s4, $0x1  }
0xa: {  	s8 =	sshrl.u32 s8, $0x2;
	s17 =	sadd.s32 s10, s2;
	s9 =	sadd.s32 s10, s9  }
0xb: {  	s17 =	sshrl.u32 s17, $0x3;
	s5 =	sadd.s32 s7, s5;
	s7 =	ssub.s32 s4, s30  }
0xc: {  	s31 =	sshrl.u32 s9, $0x3;
	s4 =	sadd.s32 $0x1E00, s5;
	s5 =	sadd.s32 s8, s2  }
0xd: {  	s6 =	sadd.s32 s6, s31;
	s7 =	smax.u32 s7, $0x1;
	s8 =	sadd.s32 $0x800, s5  }
0xe: {  	v0 =	vimm.f32 $0.0e+00;
	v1 =	vimm.f32 $1.000000000e+00;
	s9 =	sadd.s32 $0x1000, s5;
	s10 =	sadd.s32 $0x1800, s5;
	s11 =	sadd.s32 $0x2000, s5  }
.LBB2_1:
0xf: {  	[tilespmem:s3], [sflag:$0x2] =	stream.linear.gather [hbm4b:s4+s3], $0x2780, $0x38;
	[tilespmem:$0x5780] =	vst v63  }
0x10: {  	_ =	swait.ge [sflag:s12], $0x2780  }
0x11: {  	[sflag:s12] =	ssyncset.done $0x0  }
0x12: {  	s19 =	simm.s32 $0x40;
	s20 =	simm.s32 $0x0;
	[sflag:s12] =	ssyncadd.s32 $0xFFFFD880  }
.LBB2_2:
0x13: {  	p0 =	sne.s32 s19, $0x1FC0;
	[tilespmem:s20+$0x2780] =	vst v0;
	s20 =	smov.u32 s19;
	s19 =	sadd.s32 $0x40, s19  }
.Ltmp0:
0x14: {  	(pc) =	sbr.rel @p0 .LBB2_2-.Ltmp0, $2  }
0x15: {  	_ =	sdelay $0x2  }
0x16: {  	s20 =	sshra.s32 s20, $0x2  }
0x17: {  	[tilespmem:s20+$0x2780] =	vst v0  }
0x18: {  	[spmem:s5] =	stream.linear.scatter [tilespmem:s13], [sflag:$0x2], $0x800, $0x38;
	[tilespmem:$0x5780] =	vst v63  }
0x19: {  	_ =	swait.ge [sflag:s12], $0x800  }
0x1a: {  	[sflag:s12] =	ssyncset.done $0x0  }
0x1b: {  	[sflag:s12] =	ssyncadd.s32 $0xFFFFF800  }
0x1c: {  	[spmem:s8] =	stream.linear.scatter [tilespmem:s13], [sflag:$0x2], $0x800, $0x38;
	[tilespmem:$0x5780] =	vst v63  }
0x1d: {  	_ =	swait.ge [sflag:s12], $0x800  }
0x1e: {  	[sflag:s12] =	ssyncset.done $0x0  }
0x1f: {  	[sflag:s12] =	ssyncadd.s32 $0xFFFFF800  }
0x20: {  	[spmem:s9] =	stream.linear.scatter [tilespmem:s13], [sflag:$0x2], $0x800, $0x38;
	[tilespmem:$0x5780] =	vst v63  }
0x21: {  	_ =	swait.ge [sflag:s12], $0x800  }
0x22: {  	[sflag:s12] =	ssyncset.done $0x0  }
0x23: {  	[sflag:s12] =	ssyncadd.s32 $0xFFFFF800  }
0x24: {  	[spmem:s10] =	stream.linear.scatter [tilespmem:s13], [sflag:$0x2], $0x800, $0x38;
	[tilespmem:$0x5780] =	vst v63  }
0x25: {  	_ =	swait.ge [sflag:s12], $0x800  }
0x26: {  	[sflag:s12] =	ssyncset.done $0x0  }
0x27: {  	[sflag:s12] =	ssyncadd.s32 $0xFFFFF800  }
0x28: {  	[spmem:s11] =	stream.linear.scatter [tilespmem:s13], [sflag:$0x2], $0x800, $0x38;
	[tilespmem:$0x5780] =	vst v63  }
0x29: {  	_ =	swait.ge [sflag:s12], $0x800  }
0x2a: {  	[sflag:s12] =	ssyncset.done $0x0  }
0x2b: {  	s19 =	simm.s32 $0x40;
	s20 =	simm.s32 $0x0;
	[sflag:s12] =	ssyncadd.s32 $0xFFFFF800  }
.LBB2_4:
0x2c: {  	p0 =	sne.s32 s19, $0x1FC0;
	[tilespmem:s20+$0x2780] =	vst v1;
	s20 =	smov.u32 s19;
	s19 =	sadd.s32 $0x40, s19  }
.Ltmp1:
0x2d: {  	(pc) =	sbr.rel @p0 .LBB2_4-.Ltmp1, $2  }
0x2e: {  	_ =	sdelay $0x2  }
0x2f: {  	s20 =	sshra.s32 s20, $0x2  }
0x30: {  	[tilespmem:s20+$0x2780] =	vst v1  }
0x31: {  	s19 =	simm.s32 $0x0;
	[bflag:$0x0] =	sbarrier.arrive $0xFFFF  }
.LBB2_6:
0x32: {  	p0 =	sne.s32 s19, $0x9C00  }
.Ltmp2:
0x33: {  	_ = 	snop;
	(pc) =	sbr.rel @p0 .LBB2_6-.Ltmp2, $3  }
0x34: {  	_ =	sdelay $0x1  }
0x35: {  	s20 =	sshra.s32 s19, $0x2;
	s19 =	sadd.s32 $0x200, s19  }
0x36: {  	[spmem:s2] =	stream.indirect.scatter.add.f32 [tilespmem:s13], [sflag:$0x1], $0x10, s20, s14, $0xb8;
	[tilespmem:$0x5780] =	vst v63  }
0x37: {  	_ =	swait.ge [sflag:s15], $0x800  }
0x38: {  	s19 =	simm.s32 $0x4E;
	[sflag:s15] =	ssyncset.done $0x0  }
.LBB2_8:
0x39: {  	p0 =	sne.s32 s19, $0x1;
	s19 =	sadd.s32 $0xFFFFFFFF, s19;
	[sflag:s15] =	ssyncadd.s32 $0xFFFFF800  }
.Ltmp3:
0x3a: {  	(pc) =	sbr.rel @p0 .LBB2_8-.Ltmp3, $3  }
0x3b: {  	_ =	sdelay $0x1  }
0x3c: {  	_ =	swait.ge [sflag:s15], $0x800  }
0x3d: {  	[sflag:s15] =	ssyncset.done $0x0  }
0x3e: {  	s18 =	sadd.s32 $0x1, s18  }
0x3f: {  	[sflag:s15] =	ssyncadd.s32 $0xFFFFF800;
	p0 =	sne.s32 s18, s7  }
.Ltmp4:
0x40: {  	[bflag:$0x0] =	sbarrier.arrive $0xFFFF;
	(pc) =	sbr.rel @p0 .LBB2_1-.Ltmp4, $4  }
0x41: {  	[hbm:s6], [sflag:s16] =	dma.local [spmem:s17], $0x500  }
0x42: {  	_ =	swait.ge [sflag:s12], $0x500  }
0x43: {  	[sflag:s12] =	ssyncset.done $0x0  }
0x44: {  	[sflag:s12] =	ssyncadd.s32 $0xFFFFFB00  }
0x45: {  	_ =	sfence.sel $0x180000  }
0x46: {  	[bflag:$0x0] =	sbarrier.arrive $0xFFFF  }
0x47: {  	p0 =	sne.s32 s0, $0x0;
	_ =	strace $0x90000047  }
0x48: {  	s0 =	sadd.s32 @!p0 $0x100000, s1;
	[bflag:$0x2] =	sbarrier.arrive $0xFFFF  }
0x49: {  	[sflag:s0] =	ssyncadd.tile.s32 @!p0 $0x1;
	_ =	shalt  }
.Lfunc_end2:
_tile_overlayer_lowered:
.L_overlay_start_2:
0x4a: {  	(tag) =	ssettag $0x2  }
0x4b: {  	s0 =	rddreg [dreg:$0x0];
	s2 =	stileid.u32  }
0x4c: {  	s1 =	rddreg [dreg:$0x1];
	p0 =	sne.s32 s2, $0x0  }
0x4d: {  	s3 =	rddreg [dreg:$0x2];
	[bflag:$0x3] =	sbarrier.arrive $0xFFFF;
	s2 =	simm.s32 @!p0 $0x1C02  }
0x4e: {  	[timem:s3], [sflag:s2] =	dma.local @!p0 [hbm:s0], s1  }
0x4f: {  	s0 =	simm.s32 @!p0 $0x2  }
0x50: {  	_ =	swait.ge @!p0 [sflag:s0], s1  }
0x51: {  	s1 =	ssub.s32 @!p0 $0x0, s1;
	[sflag:s0] =	ssyncset.done @!p0 $0x0  }
0x52: {  	[sflag:s0] =	ssyncadd.s32 @!p0 s1  }
0x53: {  	[bflag:$0x3] =	sbarrier.arrive $0xFFFF  }
0x54: {  	_ =	shalt  }

</sc_bundles>
